<compile_context>
chip_gen: v7x
topology: tpu7x:2x2x1
jax: 0.10.2.dev20260603
libtpu: 0.0.44.dev20260713+nightly
codegen_flags: <defaults>
</compile_context>

<pallas_src>
import functools

import jax
import jax.numpy as jnp
from jax import lax
from jax.experimental import pallas as pl
from jax.experimental.pallas import tpu as pltpu
from jax.experimental.pallas import tpu_sc as plsc

N_NODES = 10000
N_EDGES = 320000
D = 128

NUM_CORES = 2
NUM_SUBCORES = 16

E_PER_CORE = N_EDGES // NUM_CORES
E_PER_TILE = E_PER_CORE // NUM_SUBCORES
K = 80
N_CHUNKS = E_PER_TILE // K
NBUF = 4
SBUF = 5
DBUF = 7
PREF = 2
EPREF = 4

ROW_TILES = 10
ROWS_PER_TILE = N_NODES // ROW_TILES

_mesh = plsc.VectorSubcoreMesh(core_axis_name="c", subcore_axis_name="s")


def _lane_broadcast(vec, lane):
    idx = jnp.full((16, 1), lane, jnp.int32)
    return lax.gather(
        vec, idx,
        lax.GatherDimensionNumbers(
            offset_dims=(), collapsed_slice_dims=(0,), start_index_map=(0,)),
        slice_sizes=(1,),
        mode=lax.GatherScatterMode.PROMISE_IN_BOUNDS)


@functools.partial(
    pl.kernel,
    mesh=_mesh,
    out_type=jax.ShapeDtypeStruct((NUM_CORES, N_NODES, D), jnp.float32),
    scratch_types=[
        pltpu.VMEM((SBUF, K), jnp.int32),
        pltpu.VMEM((DBUF, K), jnp.int32),
        pltpu.VMEM((SBUF, K), jnp.float32),
        pltpu.VMEM((NBUF * K, D), jnp.float32),
        pltpu.VMEM_SHARED((N_NODES, D), jnp.float32),
        pltpu.SemaphoreType.DMA,
        pltpu.SemaphoreType.DMA,
        pltpu.SemaphoreType.DMA,
    ],
)
def _sc_aggregate(src_hbm, dst_hbm, w_hbm, feat_hbm, out_hbm,
                  src_v, dst_v, w_v, rows_v, h_sh, esem, gsem, ssem):
    cid = lax.axis_index("c")
    sid = lax.axis_index("s")
    ebase = cid * E_PER_CORE + sid * E_PER_TILE
    r0 = sid * ROWS_PER_TILE

    zeros16 = jnp.zeros((16,), jnp.float32)

    def _zero_body(i, _):
        rows_v[i // 8, pl.ds((i % 8) * 16, 16)] = zeros16
        return _

    lax.fori_loop(0, NBUF * K * (D // 16), _zero_body, None)

    @pl.when(sid < ROW_TILES)
    def _zero_h():
        for p in range(ROWS_PER_TILE // (NBUF * K)):
            pltpu.sync_copy(rows_v, h_sh.at[pl.ds(r0 + p * (NBUF * K),
                                                  NBUF * K)])
        rem = ROWS_PER_TILE % (NBUF * K)
        if rem:
            pltpu.sync_copy(
                rows_v.at[pl.ds(0, rem)],
                h_sh.at[pl.ds(r0 + ROWS_PER_TILE - rem, rem)])

    plsc.subcore_barrier()

    def _issue_edges(c):
        off = ebase + c * K
        pltpu.async_copy(src_hbm.at[pl.ds(off, K)], src_v.at[c % SBUF], esem)
        pltpu.async_copy(w_hbm.at[pl.ds(off, K)], w_v.at[c % SBUF], esem)
        pltpu.async_copy(dst_hbm.at[pl.ds(off, K)], dst_v.at[c % DBUF], esem)

    def _drain_edges():
        pltpu.make_async_copy(src_hbm.at[pl.ds(0, K)], src_v.at[0], esem).wait()
        pltpu.make_async_copy(w_hbm.at[pl.ds(0, K)], w_v.at[0], esem).wait()
        pltpu.make_async_copy(dst_hbm.at[pl.ds(0, K)], dst_v.at[0], esem).wait()

    def _issue_gather(c):
        b = (c % NBUF) * K
        pltpu.async_copy(feat_hbm.at[src_v.at[c % SBUF]],
                         rows_v.at[pl.ds(b, K)], gsem)

    def _drain_gather():
        pltpu.make_async_copy(feat_hbm.at[pl.ds(0, K)],
                              rows_v.at[pl.ds(0, K)], gsem).wait()

    def _drain_scatter():
        pltpu.make_async_copy(rows_v.at[pl.ds(0, K)],
                              h_sh.at[pl.ds(0, K)], ssem).wait()

    for c in range(EPREF):
        _issue_edges(c)
    for c in range(PREF):
        _drain_edges()
        _issue_gather(c)

    def _chunk_body(j, _):
        b = (j % NBUF) * K

        @pl.when(j >= NBUF - PREF)
        def _free():
            _drain_scatter()

        @pl.when(j + EPREF < N_CHUNKS)
        def _pf_edges():
            _issue_edges(j + EPREF)

        @pl.when(j + PREF < N_CHUNKS)
        def _pf_gather():
            _drain_edges()
            _issue_gather(j + PREF)

        _drain_gather()

        def _scale_body(q, _):
            wblk = w_v[j % SBUF, pl.ds(q * 16, 16)]
            for lane in range(16):
                e = b + q * 16 + lane
                w16 = _lane_broadcast(wblk, lane)
                for g in range(D // 16):
                    sl = rows_v[e, pl.ds(g * 16, 16)]
                    rows_v[e, pl.ds(g * 16, 16)] = sl * w16
            return _

        lax.fori_loop(0, K // 16, _scale_body, None)

        pltpu.async_copy(rows_v.at[pl.ds(b, K)], h_sh.at[dst_v.at[j % DBUF]],
                         ssem, add=True)
        return _

    lax.fori_loop(0, N_CHUNKS, _chunk_body, None)

    for _ in range(min(NBUF - PREF, N_CHUNKS)):
        _drain_scatter()
    plsc.subcore_barrier()

    @pl.when(sid < ROW_TILES)
    def _writeout():
        pltpu.sync_copy(h_sh.at[pl.ds(r0, ROWS_PER_TILE)],
                        out_hbm.at[cid, pl.ds(r0, ROWS_PER_TILE)])


def _tc_matmul_body(h2_ref, w_ref, b_ref, out_ref):
    h = h2_ref[0] + h2_ref[1]
    out_ref[...] = (
        jnp.dot(h, w_ref[...], preferred_element_type=jnp.float32) + b_ref[...]
    )


def kernel(feat, edge_weights, edge_index, W, b):
    src = edge_index[0]
    dst = edge_index[1]
    w = edge_weights.reshape(N_EDGES)
    h2 = _sc_aggregate(src, dst, w, feat)
    rst = pl.pallas_call(
        _tc_matmul_body,
        out_shape=jax.ShapeDtypeStruct((N_NODES, D), jnp.float32),
    )(h2, W, b.reshape(1, D))
    return rst

# --- scband reference (transcript-rebuilt; emitter-appended) ---
"""Pipeline reference for scband-mean-aggregator-36679020708089 (READ-ONLY COPY).

The authoritative reference and input builder live on the scoring server;
editing this copy changes nothing except your own understanding.
"""

import jax, jax.numpy as jnp
import numpy as np

N_NODES = 10000
N_EDGES = 320000
D_IN = 128
D_OUT = 128


def setup_inputs(seed: int = 0) -> dict:
    key = jax.random.key(seed)
    k1, k2, k3, k4 = jax.random.split(key, 4)
    feat = jax.random.normal(k1, (N_NODES, D_IN), dtype=jnp.float32)
    edge_weights = jax.random.uniform(k2, (N_EDGES, 1), dtype=jnp.float32)
    edge_index = jax.random.randint(k3, (2, N_EDGES), 0, N_NODES, dtype=jnp.int32)
    W = jax.random.normal(k4, (D_IN, D_OUT), dtype=jnp.float32) * (1.0 / np.sqrt(D_IN))
    b = jnp.zeros((D_OUT,), dtype=jnp.float32)
    return {"feat": feat, "edge_weights": edge_weights, "edge_index": edge_index, "W": W, "b": b}


def reference(feat, edge_weights, edge_index, W, b):
    # MeanAggregator.forward (eval mode, dropout p=0 -> no-op).
    # in_feats (128) is NOT > out_feats (128), so the 'else' branch runs:
    # aggregate first (u_mul_e + sum over dst), then matmul with weight, add bias.
    src = edge_index[0]
    dst = edge_index[1]
    # fn.u_mul_e('ft','a','m'): message = feat[src] * edge_weight (broadcast over feature dim)
    m = jnp.take(feat, src, axis=0) * edge_weights
    # fn.sum('m','h'): scatter-add messages to destination nodes
    h = jax.ops.segment_sum(m, dst, num_segments=N_NODES)
    # linear projection after aggregation
    rst = jnp.matmul(h, W)
    # bias
    rst = rst + b
    # activation is None
    return rst

if __name__ == "__main__":
    import jax
    _d = setup_inputs()
    print(jax.jit(kernel)(*tuple(_d.values())))

</pallas_src>

<mosaic_0001>
#map = affine_map<(d0, d1) -> (0)>
#map1 = affine_map<(d0, d1) -> (0, 0)>
#map2 = affine_map<(d0, d1) -> (0, 0, 0)>
module attributes {stable_mosaic.version = 14 : i64} {
  func.func @_sc_aggregate(%arg0: i32, %arg1: i32, %arg2: memref<320000xi32, #tpu.memory_space<hbm>>, %arg3: memref<320000xi32, #tpu.memory_space<hbm>>, %arg4: memref<320000xf32, #tpu.memory_space<hbm>>, %arg5: memref<10000x128xf32, #tpu.memory_space<hbm>>, %arg6: memref<2x10000x128xf32, #tpu.memory_space<hbm>>, %arg7: memref<5x80xi32, #tpu.memory_space<vmem>>, %arg8: memref<7x80xi32, #tpu.memory_space<vmem>>, %arg9: memref<5x80xf32, #tpu.memory_space<vmem>>, %arg10: memref<320x128xf32, #tpu.memory_space<vmem>>, %arg11: memref<10000x128xf32, #tpu.memory_space<vmem_shared>>, %arg12: memref<!tpu.dma_semaphore, #tpu.memory_space<semaphore_mem>>, %arg13: memref<!tpu.dma_semaphore, #tpu.memory_space<semaphore_mem>>, %arg14: memref<!tpu.dma_semaphore, #tpu.memory_space<semaphore_mem>>) attributes {dimension_semantics = [#tpu.dimension_semantics<core_parallel>, #tpu.dimension_semantics<subcore_parallel>], iteration_bounds = array<i64: 2, 16>, scalar_prefetch = 0 : i64, scratch_operands = 8 : i64, tpu.core_type = #tpu.core_type<sc_vector_subcore>, window_params = [{transform_indices = #map}, {transform_indices = #map}, {transform_indices = #map}, {transform_indices = #map1}, {transform_indices = #map2}]} {
    %mul3A = arith.constant 160000 : i32
    %mul3A_0 = arith.muli %arg0, %mul3A : i32
    %mul3A_1 = arith.constant 10000 : i32
    %mul3A_2 = arith.muli %arg1, %mul3A_1 : i32
    %add3A = arith.addi %mul3A_0, %mul3A_2 : i32
    %mul3A_3 = arith.constant 1000 : i32
    %mul3A_4 = arith.muli %arg1, %mul3A_3 : i32
    %broadcast_in_dim3A = arith.constant 0.000000e+00 : f32
    %broadcast_in_dim3A_5 = vector.broadcast %broadcast_in_dim3A : f32 to vector<16xf32>
    %scan3A = arith.constant 0 : i32
    %scan3A_6 = arith.constant 2560 : i32
    %scan3A_7 = arith.addi %scan3A, %scan3A_6 : i32
    %scan3A_8 = arith.constant 1 : i32
    scf.for %scan3A_247 = %scan3A to %scan3A_7 step %scan3A_8  : i32 {
      %jit3A = arith.constant 8 : i32
      %div3A = arith.divsi %scan3A_247, %jit3A : i32
      %sign3A = arith.constant 0 : i32
      %sign3A_248 = arith.cmpi sgt, %scan3A_247, %sign3A : i32
      %sign3A_249 = arith.extui %sign3A_248 : i1 to i32
      %sign3A_250 = arith.constant 0 : i32
      %sign3A_251 = arith.cmpi slt, %scan3A_247, %sign3A_250 : i32
      %sign3A_252 = arith.extui %sign3A_251 : i1 to i32
      %sign3A_253 = arith.subi %sign3A_249, %sign3A_252 : i32
      %sign3A_254 = arith.constant 0 : i32
      %sign3A_255 = arith.cmpi sgt, %jit3A, %sign3A_254 : i32
      %sign3A_256 = arith.extui %sign3A_255 : i1 to i32
      %sign3A_257 = arith.constant 0 : i32
      %sign3A_258 = arith.cmpi slt, %jit3A, %sign3A_257 : i32
      %sign3A_259 = arith.extui %sign3A_258 : i1 to i32
      %sign3A_260 = arith.subi %sign3A_256, %sign3A_259 : i32
      %ne3A = arith.cmpi ne, %sign3A_253, %sign3A_260 : i32
      %rem3A = arith.remsi %scan3A_247, %jit3A : i32
      %ne3A_261 = arith.constant 0 : i32
      %ne3A_262 = arith.cmpi ne, %rem3A, %ne3A_261 : i32
      %and3A = arith.andi %ne3A, %ne3A_262 : i1
      %sub3A = arith.constant 1 : i32
      %sub3A_263 = arith.subi %div3A, %sub3A : i32
      %select_n3A = arith.select %and3A, %sub3A_263, %div3A : i32
      %jit3A_264 = arith.constant 8 : i32
      %eq3A = arith.constant 0 : i32
      %eq3A_265 = arith.cmpi eq, %jit3A_264, %eq3A : i32
      %jit3A_266 = arith.constant 1 : i32
      %select_n3A_267 = arith.select %eq3A_265, %jit3A_266, %jit3A_264 : i32
      %rem3A_268 = arith.remsi %scan3A_247, %select_n3A_267 : i32
      %ne3A_269 = arith.constant 0 : i32
      %ne3A_270 = arith.cmpi ne, %rem3A_268, %ne3A_269 : i32
      %lt3A_271 = arith.constant 0 : i32
      %lt3A_272 = arith.cmpi slt, %rem3A_268, %lt3A_271 : i32
      %lt3A_273 = arith.constant 0 : i32
      %lt3A_274 = arith.cmpi slt, %select_n3A_267, %lt3A_273 : i32
      %ne3A_275 = arith.xori %lt3A_272, %lt3A_274 : i1
      %and3A_276 = arith.andi %ne3A_275, %ne3A_270 : i1
      %add3A_277 = arith.addi %rem3A_268, %select_n3A_267 : i32
      %select_n3A_278 = arith.select %and3A_276, %add3A_277, %rem3A_268 : i32
      %mul3A_279 = arith.constant 16 : i32
      %mul3A_280 = arith.muli %select_n3A_278, %mul3A_279 : i32
      %swap3A = arith.index_cast %select_n3A : i32 to index
      %swap3A_281 = arith.index_cast %mul3A_280 : i32 to index
      %swap3A_282 = tpu.vector_load %arg10[%swap3A, %swap3A_281] {strides = array<i32>} : memref<320x128xf32, #tpu.memory_space<vmem>>, vector<1x16xf32>,
      %swap3A_283 = vector.shape_cast %swap3A_282 : vector<1x16xf32> to vector<16xf32>
      %swap3A_284 = vector.shape_cast %broadcast_in_dim3A_5 : vector<16xf32> to vector<1x16xf32>
      tpu.vector_store %arg10[%swap3A, %swap3A_281], %swap3A_284 {strides = array<i32>} : memref<320x128xf32, #tpu.memory_space<vmem>>, vector<1x16xf32>,
    }
    %scan3A_9 = arith.constant 2560 : i32
    %lt3A = arith.constant 10 : i32
    %lt3A_10 = arith.cmpi slt, %arg1, %lt3A : i32
    %convert_element_type3A = arith.extui %lt3A_10 : i1 to i32
    %cond3A = arith.constant 0 : i32
    %cond3A_11 = arith.cmpi ne, %convert_element_type3A, %cond3A : i32
    scf.if %cond3A_11 {
      %add3A_247 = arith.constant 0 : i32
      %add3A_248 = arith.addi %mul3A_4, %add3A_247 : i32
      "tpu.region"() ({
        %run_scoped3A = tpu.sem_alloc : memref<!tpu.dma_semaphore, #tpu.memory_space<semaphore_mem>>
        %dma_start3A_256 = arith.constant 0 : i32
        %dma_start3A_257 = tpu.memref_slice %arg11[%add3A_248, %dma_start3A_256] : memref<10000x128xf32, #tpu.memory_space<vmem_shared>> -> memref<320x128xf32, #tpu.memory_space<vmem_shared>>
        %dma_start3A_258 = arith.constant 0 : i32
        %dma_start3A_259 = tpu.memref_slice %arg11[%add3A_248, %dma_start3A_258] : memref<10000x128xf32, #tpu.memory_space<vmem_shared>> -> memref<320x128xf32, #tpu.memory_space<vmem_shared>>
        tpu.enqueue_dma source(%arg10 : memref<320x128xf32, #tpu.memory_space<vmem>>) target(%dma_start3A_259 : memref<320x128xf32, #tpu.memory_space<vmem_shared>>) target_semaphore(%run_scoped3A : memref<!tpu.dma_semaphore, #tpu.memory_space<semaphore_mem>>)
        %dma_wait3A_260 = arith.constant 0 : i32
        %dma_wait3A_261 = tpu.memref_slice %arg11[%add3A_248, %dma_wait3A_260] : memref<10000x128xf32, #tpu.memory_space<vmem_shared>> -> memref<320x128xf32, #tpu.memory_space<vmem_shared>>
        %dma_wait3A_262 = arith.constant 0 : i32
        %dma_wait3A_263 = tpu.memref_slice %arg11[%add3A_248, %dma_wait3A_262] : memref<10000x128xf32, #tpu.memory_space<vmem_shared>> -> memref<320x128xf32, #tpu.memory_space<vmem_shared>>
        tpu.wait_dma2 semaphore(%run_scoped3A : memref<!tpu.dma_semaphore, #tpu.memory_space<semaphore_mem>>) src(%arg10 : memref<320x128xf32, #tpu.memory_space<vmem>>) dst(%dma_wait3A_263 : memref<320x128xf32, #tpu.memory_space<vmem_shared>>)
        tpu.yield
      }) : () -> ()
      %add3A_249 = arith.constant 320 : i32
      %add3A_250 = arith.addi %mul3A_4, %add3A_249 : i32
      "tpu.region"() ({
        %run_scoped3A = tpu.sem_alloc : memref<!tpu.dma_semaphore, #tpu.memory_space<semaphore_mem>>
        %dma_start3A_256 = arith.constant 0 : i32
        %dma_start3A_257 = tpu.memref_slice %arg11[%add3A_250, %dma_start3A_256] : memref<10000x128xf32, #tpu.memory_space<vmem_shared>> -> memref<320x128xf32, #tpu.memory_space<vmem_shared>>
        %dma_start3A_258 = arith.constant 0 : i32
        %dma_start3A_259 = tpu.memref_slice %arg11[%add3A_250, %dma_start3A_258] : memref<10000x128xf32, #tpu.memory_space<vmem_shared>> -> memref<320x128xf32, #tpu.memory_space<vmem_shared>>
        tpu.enqueue_dma source(%arg10 : memref<320x128xf32, #tpu.memory_space<vmem>>) target(%dma_start3A_259 : memref<320x128xf32, #tpu.memory_space<vmem_shared>>) target_semaphore(%run_scoped3A : memref<!tpu.dma_semaphore, #tpu.memory_space<semaphore_mem>>)
        %dma_wait3A_260 = arith.constant 0 : i32
        %dma_wait3A_261 = tpu.memref_slice %arg11[%add3A_250, %dma_wait3A_260] : memref<10000x128xf32, #tpu.memory_space<vmem_shared>> -> memref<320x128xf32, #tpu.memory_space<vmem_shared>>
        %dma_wait3A_262 = arith.constant 0 : i32
        %dma_wait3A_263 = tpu.memref_slice %arg11[%add3A_250, %dma_wait3A_262] : memref<10000x128xf32, #tpu.memory_space<vmem_shared>> -> memref<320x128xf32, #tpu.memory_space<vmem_shared>>
        tpu.wait_dma2 semaphore(%run_scoped3A : memref<!tpu.dma_semaphore, #tpu.memory_space<semaphore_mem>>) src(%arg10 : memref<320x128xf32, #tpu.memory_space<vmem>>) dst(%dma_wait3A_263 : memref<320x128xf32, #tpu.memory_space<vmem_shared>>)
        tpu.yield
      }) : () -> ()
      %add3A_251 = arith.constant 640 : i32
      %add3A_252 = arith.addi %mul3A_4, %add3A_251 : i32
      "tpu.region"() ({
        %run_scoped3A = tpu.sem_alloc : memref<!tpu.dma_semaphore, #tpu.memory_space<semaphore_mem>>
        %dma_start3A_256 = arith.constant 0 : i32
        %dma_start3A_257 = tpu.memref_slice %arg11[%add3A_252, %dma_start3A_256] : memref<10000x128xf32, #tpu.memory_space<vmem_shared>> -> memref<320x128xf32, #tpu.memory_space<vmem_shared>>
        %dma_start3A_258 = arith.constant 0 : i32
        %dma_start3A_259 = tpu.memref_slice %arg11[%add3A_252, %dma_start3A_258] : memref<10000x128xf32, #tpu.memory_space<vmem_shared>> -> memref<320x128xf32, #tpu.memory_space<vmem_shared>>
        tpu.enqueue_dma source(%arg10 : memref<320x128xf32, #tpu.memory_space<vmem>>) target(%dma_start3A_259 : memref<320x128xf32, #tpu.memory_space<vmem_shared>>) target_semaphore(%run_scoped3A : memref<!tpu.dma_semaphore, #tpu.memory_space<semaphore_mem>>)
        %dma_wait3A_260 = arith.constant 0 : i32
        %dma_wait3A_261 = tpu.memref_slice %arg11[%add3A_252, %dma_wait3A_260] : memref<10000x128xf32, #tpu.memory_space<vmem_shared>> -> memref<320x128xf32, #tpu.memory_space<vmem_shared>>
        %dma_wait3A_262 = arith.constant 0 : i32
        %dma_wait3A_263 = tpu.memref_slice %arg11[%add3A_252, %dma_wait3A_262] : memref<10000x128xf32, #tpu.memory_space<vmem_shared>> -> memref<320x128xf32, #tpu.memory_space<vmem_shared>>
        tpu.wait_dma2 semaphore(%run_scoped3A : memref<!tpu.dma_semaphore, #tpu.memory_space<semaphore_mem>>) src(%arg10 : memref<320x128xf32, #tpu.memory_space<vmem>>) dst(%dma_wait3A_263 : memref<320x128xf32, #tpu.memory_space<vmem_shared>>)
        tpu.yield
      }) : () -> ()
      %add3A_253 = arith.constant 1000 : i32
      %add3A_254 = arith.addi %mul3A_4, %add3A_253 : i32
      %sub3A = arith.constant 40 : i32
      %sub3A_255 = arith.subi %add3A_254, %sub3A : i32
      "tpu.region"() ({
        %run_scoped3A = tpu.sem_alloc : memref<!tpu.dma_semaphore, #tpu.memory_space<semaphore_mem>>
        %dma_start3A_256 = arith.constant 0 : i32
        %dma_start3A_257 = arith.constant 0 : i32
        %dma_start3A_258 = tpu.memref_slice %arg10[%dma_start3A_256, %dma_start3A_257] : memref<320x128xf32, #tpu.memory_space<vmem>> -> memref<40x128xf32, #tpu.memory_space<vmem>>
        %dma_start3A_259 = arith.constant 0 : i32
        %dma_start3A_260 = tpu.memref_slice %arg11[%sub3A_255, %dma_start3A_259] : memref<10000x128xf32, #tpu.memory_space<vmem_shared>> -> memref<40x128xf32, #tpu.memory_space<vmem_shared>>
        %dma_start3A_261 = arith.constant 0 : i32
        %dma_start3A_262 = tpu.memref_slice %arg11[%sub3A_255, %dma_start3A_261] : memref<10000x128xf32, #tpu.memory_space<vmem_shared>> -> memref<40x128xf32, #tpu.memory_space<vmem_shared>>
        %dma_start3A_263 = arith.constant 0 : i32
        %dma_start3A_264 = arith.constant 0 : i32
        %dma_start3A_265 = tpu.memref_slice %arg10[%dma_start3A_263, %dma_start3A_264] : memref<320x128xf32, #tpu.memory_space<vmem>> -> memref<40x128xf32, #tpu.memory_space<vmem>>
        tpu.enqueue_dma source(%dma_start3A_265 : memref<40x128xf32, #tpu.memory_space<vmem>>) target(%dma_start3A_262 : memref<40x128xf32, #tpu.memory_space<vmem_shared>>) target_semaphore(%run_scoped3A : memref<!tpu.dma_semaphore, #tpu.memory_space<semaphore_mem>>)
        %dma_wait3A_266 = arith.constant 0 : i32
        %dma_wait3A_267 = arith.constant 0 : i32
        %dma_wait3A_268 = tpu.memref_slice %arg10[%dma_wait3A_266, %dma_wait3A_267] : memref<320x128xf32, #tpu.memory_space<vmem>> -> memref<40x128xf32, #tpu.memory_space<vmem>>
        %dma_wait3A_269 = arith.constant 0 : i32
        %dma_wait3A_270 = tpu.memref_slice %arg11[%sub3A_255, %dma_wait3A_269] : memref<10000x128xf32, #tpu.memory_space<vmem_shared>> -> memref<40x128xf32, #tpu.memory_space<vmem_shared>>
        %dma_wait3A_271 = arith.constant 0 : i32
        %dma_wait3A_272 = tpu.memref_slice %arg11[%sub3A_255, %dma_wait3A_271] : memref<10000x128xf32, #tpu.memory_space<vmem_shared>> -> memref<40x128xf32, #tpu.memory_space<vmem_shared>>
        %dma_wait3A_273 = arith.constant 0 : i32
        %dma_wait3A_274 = arith.constant 0 : i32
        %dma_wait3A_275 = tpu.memref_slice %arg10[%dma_wait3A_273, %dma_wait3A_274] : memref<320x128xf32, #tpu.memory_space<vmem>> -> memref<40x128xf32, #tpu.memory_space<vmem>>
        tpu.wait_dma2 semaphore(%run_scoped3A : memref<!tpu.dma_semaphore, #tpu.memory_space<semaphore_mem>>) src(%dma_wait3A_275 : memref<40x128xf32, #tpu.memory_space<vmem>>) dst(%dma_wait3A_272 : memref<40x128xf32, #tpu.memory_space<vmem_shared>>)
        tpu.yield
      }) : () -> ()
    } else {
    }
    %barrier3A = arith.constant 0 : index
    tpu.barrier barrier_id(%barrier3A)
    %add3A_12 = arith.constant 0 : i32
    %add3A_13 = arith.addi %add3A, %add3A_12 : i32
    %dma_start3A = arith.constant 0 : i32
    %dma_start3A_14 = arith.constant 0 : i32
    %dma_start3A_15 = tpu.memref_slice %arg7[%dma_start3A, %dma_start3A_14] : memref<5x80xi32, #tpu.memory_space<vmem>> -> memref<1x80xi32, #tpu.memory_space<vmem>>
    %dma_start3A_16 = tpu.memref_squeeze %dma_start3A_15 : memref<1x80xi32, #tpu.memory_space<vmem>> -> memref<80xi32, #tpu.memory_space<vmem>>
    %dma_start3A_17 = tpu.memref_slice %arg2[%add3A_13] : memref<320000xi32, #tpu.memory_space<hbm>> -> memref<80xi32, #tpu.memory_space<hbm>>
    %dma_start3A_18 = arith.constant 0 : i32
    %dma_start3A_19 = tpu.memref_slice %arg7[%dma_start3A, %dma_start3A_18] : memref<5x80xi32, #tpu.memory_space<vmem>> -> memref<1x80xi32, #tpu.memory_space<vmem>>
    %dma_start3A_20 = tpu.memref_squeeze %dma_start3A_19 : memref<1x80xi32, #tpu.memory_space<vmem>> -> memref<80xi32, #tpu.memory_space<vmem>>
    %dma_start3A_21 = tpu.memref_slice %arg2[%add3A_13] : memref<320000xi32, #tpu.memory_space<hbm>> -> memref<80xi32, #tpu.memory_space<hbm>>
    tpu.enqueue_dma source(%dma_start3A_21 : memref<80xi32, #tpu.memory_space<hbm>>) target(%dma_start3A_20 : memref<80xi32, #tpu.memory_space<vmem>>) target_semaphore(%arg12 : memref<!tpu.dma_semaphore, #tpu.memory_space<semaphore_mem>>)
    %dma_start3A_22 = arith.constant 0 : i32
    %dma_start3A_23 = arith.constant 0 : i32
    %dma_start3A_24 = tpu.memref_slice %arg9[%dma_start3A_22, %dma_start3A_23] : memref<5x80xf32, #tpu.memory_space<vmem>> -> memref<1x80xf32, #tpu.memory_space<vmem>>
    %dma_start3A_25 = tpu.memref_squeeze %dma_start3A_24 : memref<1x80xf32, #tpu.memory_space<vmem>> -> memref<80xf32, #tpu.memory_space<vmem>>
    %dma_start3A_26 = tpu.memref_slice %arg4[%add3A_13] : memref<320000xf32, #tpu.memory_space<hbm>> -> memref<80xf32, #tpu.memory_space<hbm>>
    %dma_start3A_27 = arith.constant 0 : i32
    %dma_start3A_28 = tpu.memref_slice %arg9[%dma_start3A_22, %dma_start3A_27] : memref<5x80xf32, #tpu.memory_space<vmem>> -> memref<1x80xf32, #tpu.memory_space<vmem>>
    %dma_start3A_29 = tpu.memref_squeeze %dma_start3A_28 : memref<1x80xf32, #tpu.memory_space<vmem>> -> memref<80xf32, #tpu.memory_space<vmem>>
    %dma_start3A_30 = tpu.memref_slice %arg4[%add3A_13] : memref<320000xf32, #tpu.memory_space<hbm>> -> memref<80xf32, #tpu.memory_space<hbm>>
    tpu.enqueue_dma source(%dma_start3A_30 : memref<80xf32, #tpu.memory_space<hbm>>) target(%dma_start3A_29 : memref<80xf32, #tpu.memory_space<vmem>>) target_semaphore(%arg12 : memref<!tpu.dma_semaphore, #tpu.memory_space<semaphore_mem>>)
    %dma_start3A_31 = arith.constant 0 : i32
    %dma_start3A_32 = arith.constant 0 : i32
    %dma_start3A_33 = tpu.memref_slice %arg8[%dma_start3A_31, %dma_start3A_32] : memref<7x80xi32, #tpu.memory_space<vmem>> -> memref<1x80xi32, #tpu.memory_space<vmem>>
    %dma_start3A_34 = tpu.memref_squeeze %dma_start3A_33 : memref<1x80xi32, #tpu.memory_space<vmem>> -> memref<80xi32, #tpu.memory_space<vmem>>
    %dma_start3A_35 = tpu.memref_slice %arg3[%add3A_13] : memref<320000xi32, #tpu.memory_space<hbm>> -> memref<80xi32, #tpu.memory_space<hbm>>
    %dma_start3A_36 = arith.constant 0 : i32
    %dma_start3A_37 = tpu.memref_slice %arg8[%dma_start3A_31, %dma_start3A_36] : memref<7x80xi32, #tpu.memory_space<vmem>> -> memref<1x80xi32, #tpu.memory_space<vmem>>
    %dma_start3A_38 = tpu.memref_squeeze %dma_start3A_37 : memref<1x80xi32, #tpu.memory_space<vmem>> -> memref<80xi32, #tpu.memory_space<vmem>>
    %dma_start3A_39 = tpu.memref_slice %arg3[%add3A_13] : memref<320000xi32, #tpu.memory_space<hbm>> -> memref<80xi32, #tpu.memory_space<hbm>>
    tpu.enqueue_dma source(%dma_start3A_39 : memref<80xi32, #tpu.memory_space<hbm>>) target(%dma_start3A_38 : memref<80xi32, #tpu.memory_space<vmem>>) target_semaphore(%arg12 : memref<!tpu.dma_semaphore, #tpu.memory_space<semaphore_mem>>)
    %add3A_40 = arith.constant 80 : i32
    %add3A_41 = arith.addi %add3A, %add3A_40 : i32
    %dma_start3A_42 = arith.constant 1 : i32
    %dma_start3A_43 = arith.constant 0 : i32
    %dma_start3A_44 = tpu.memref_slice %arg7[%dma_start3A_42, %dma_start3A_43] : memref<5x80xi32, #tpu.memory_space<vmem>> -> memref<1x80xi32, #tpu.memory_space<vmem>>
    %dma_start3A_45 = tpu.memref_squeeze %dma_start3A_44 : memref<1x80xi32, #tpu.memory_space<vmem>> -> memref<80xi32, #tpu.memory_space<vmem>>
    %dma_start3A_46 = tpu.memref_slice %arg2[%add3A_41] : memref<320000xi32, #tpu.memory_space<hbm>> -> memref<80xi32, #tpu.memory_space<hbm>>
    %dma_start3A_47 = arith.constant 0 : i32
    %dma_start3A_48 = tpu.memref_slice %arg7[%dma_start3A_42, %dma_start3A_47] : memref<5x80xi32, #tpu.memory_space<vmem>> -> memref<1x80xi32, #tpu.memory_space<vmem>>
    %dma_start3A_49 = tpu.memref_squeeze %dma_start3A_48 : memref<1x80xi32, #tpu.memory_space<vmem>> -> memref<80xi32, #tpu.memory_space<vmem>>
    %dma_start3A_50 = tpu.memref_slice %arg2[%add3A_41] : memref<320000xi32, #tpu.memory_space<hbm>> -> memref<80xi32, #tpu.memory_space<hbm>>
    tpu.enqueue_dma source(%dma_start3A_50 : memref<80xi32, #tpu.memory_space<hbm>>) target(%dma_start3A_49 : memref<80xi32, #tpu.memory_space<vmem>>) target_semaphore(%arg12 : memref<!tpu.dma_semaphore, #tpu.memory_space<semaphore_mem>>)
    %dma_start3A_51 = arith.constant 1 : i32
    %dma_start3A_52 = arith.constant 0 : i32
    %dma_start3A_53 = tpu.memref_slice %arg9[%dma_start3A_51, %dma_start3A_52] : memref<5x80xf32, #tpu.memory_space<vmem>> -> memref<1x80xf32, #tpu.memory_space<vmem>>
    %dma_start3A_54 = tpu.memref_squeeze %dma_start3A_53 : memref<1x80xf32, #tpu.memory_space<vmem>> -> memref<80xf32, #tpu.memory_space<vmem>>
    %dma_start3A_55 = tpu.memref_slice %arg4[%add3A_41] : memref<320000xf32, #tpu.memory_space<hbm>> -> memref<80xf32, #tpu.memory_space<hbm>>
    %dma_start3A_56 = arith.constant 0 : i32
    %dma_start3A_57 = tpu.memref_slice %arg9[%dma_start3A_51, %dma_start3A_56] : memref<5x80xf32, #tpu.memory_space<vmem>> -> memref<1x80xf32, #tpu.memory_space<vmem>>
    %dma_start3A_58 = tpu.memref_squeeze %dma_start3A_57 : memref<1x80xf32, #tpu.memory_space<vmem>> -> memref<80xf32, #tpu.memory_space<vmem>>
    %dma_start3A_59 = tpu.memref_slice %arg4[%add3A_41] : memref<320000xf32, #tpu.memory_space<hbm>> -> memref<80xf32, #tpu.memory_space<hbm>>
    tpu.enqueue_dma source(%dma_start3A_59 : memref<80xf32, #tpu.memory_space<hbm>>) target(%dma_start3A_58 : memref<80xf32, #tpu.memory_space<vmem>>) target_semaphore(%arg12 : memref<!tpu.dma_semaphore, #tpu.memory_space<semaphore_mem>>)
    %dma_start3A_60 = arith.constant 1 : i32
    %dma_start3A_61 = arith.constant 0 : i32
    %dma_start3A_62 = tpu.memref_slice %arg8[%dma_start3A_60, %dma_start3A_61] : memref<7x80xi32, #tpu.memory_space<vmem>> -> memref<1x80xi32, #tpu.memory_space<vmem>>
    %dma_start3A_63 = tpu.memref_squeeze %dma_start3A_62 : memref<1x80xi32, #tpu.memory_space<vmem>> -> memref<80xi32, #tpu.memory_space<vmem>>
    %dma_start3A_64 = tpu.memref_slice %arg3[%add3A_41] : memref<320000xi32, #tpu.memory_space<hbm>> -> memref<80xi32, #tpu.memory_space<hbm>>
    %dma_start3A_65 = arith.constant 0 : i32
    %dma_start3A_66 = tpu.memref_slice %arg8[%dma_start3A_60, %dma_start3A_65] : memref<7x80xi32, #tpu.memory_space<vmem>> -> memref<1x80xi32, #tpu.memory_space<vmem>>
    %dma_start3A_67 = tpu.memref_squeeze %dma_start3A_66 : memref<1x80xi32, #tpu.memory_space<vmem>> -> memref<80xi32, #tpu.memory_space<vmem>>
    %dma_start3A_68 = tpu.memref_slice %arg3[%add3A_41] : memref<320000xi32, #tpu.memory_space<hbm>> -> memref<80xi32, #tpu.memory_space<hbm>>
    tpu.enqueue_dma source(%dma_start3A_68 : memref<80xi32, #tpu.memory_space<hbm>>) target(%dma_start3A_67 : memref<80xi32, #tpu.memory_space<vmem>>) target_semaphore(%arg12 : memref<!tpu.dma_semaphore, #tpu.memory_space<semaphore_mem>>)
    %add3A_69 = arith.constant 160 : i32
    %add3A_70 = arith.addi %add3A, %add3A_69 : i32
    %dma_start3A_71 = arith.constant 2 : i32
    %dma_start3A_72 = arith.constant 0 : i32
    %dma_start3A_73 = tpu.memref_slice %arg7[%dma_start3A_71, %dma_start3A_72] : memref<5x80xi32, #tpu.memory_space<vmem>> -> memref<1x80xi32, #tpu.memory_space<vmem>>
    %dma_start3A_74 = tpu.memref_squeeze %dma_start3A_73 : memref<1x80xi32, #tpu.memory_space<vmem>> -> memref<80xi32, #tpu.memory_space<vmem>>
    %dma_start3A_75 = tpu.memref_slice %arg2[%add3A_70] : memref<320000xi32, #tpu.memory_space<hbm>> -> memref<80xi32, #tpu.memory_space<hbm>>
    %dma_start3A_76 = arith.constant 0 : i32
    %dma_start3A_77 = tpu.memref_slice %arg7[%dma_start3A_71, %dma_start3A_76] : memref<5x80xi32, #tpu.memory_space<vmem>> -> memref<1x80xi32, #tpu.memory_space<vmem>>
    %dma_start3A_78 = tpu.memref_squeeze %dma_start3A_77 : memref<1x80xi32, #tpu.memory_space<vmem>> -> memref<80xi32, #tpu.memory_space<vmem>>
    %dma_start3A_79 = tpu.memref_slice %arg2[%add3A_70] : memref<320000xi32, #tpu.memory_space<hbm>> -> memref<80xi32, #tpu.memory_space<hbm>>
    tpu.enqueue_dma source(%dma_start3A_79 : memref<80xi32, #tpu.memory_space<hbm>>) target(%dma_start3A_78 : memref<80xi32, #tpu.memory_space<vmem>>) target_semaphore(%arg12 : memref<!tpu.dma_semaphore, #tpu.memory_space<semaphore_mem>>)
    %dma_start3A_80 = arith.constant 2 : i32
    %dma_start3A_81 = arith.constant 0 : i32
    %dma_start3A_82 = tpu.memref_slice %arg9[%dma_start3A_80, %dma_start3A_81] : memref<5x80xf32, #tpu.memory_space<vmem>> -> memref<1x80xf32, #tpu.memory_space<vmem>>
    %dma_start3A_83 = tpu.memref_squeeze %dma_start3A_82 : memref<1x80xf32, #tpu.memory_space<vmem>> -> memref<80xf32, #tpu.memory_space<vmem>>
    %dma_start3A_84 = tpu.memref_slice %arg4[%add3A_70] : memref<320000xf32, #tpu.memory_space<hbm>> -> memref<80xf32, #tpu.memory_space<hbm>>
    %dma_start3A_85 = arith.constant 0 : i32
    %dma_start3A_86 = tpu.memref_slice %arg9[%dma_start3A_80, %dma_start3A_85] : memref<5x80xf32, #tpu.memory_space<vmem>> -> memref<1x80xf32, #tpu.memory_space<vmem>>
    %dma_start3A_87 = tpu.memref_squeeze %dma_start3A_86 : memref<1x80xf32, #tpu.memory_space<vmem>> -> memref<80xf32, #tpu.memory_space<vmem>>
    %dma_start3A_88 = tpu.memref_slice %arg4[%add3A_70] : memref<320000xf32, #tpu.memory_space<hbm>> -> memref<80xf32, #tpu.memory_space<hbm>>
    tpu.enqueue_dma source(%dma_start3A_88 : memref<80xf32, #tpu.memory_space<hbm>>) target(%dma_start3A_87 : memref<80xf32, #tpu.memory_space<vmem>>) target_semaphore(%arg12 : memref<!tpu.dma_semaphore, #tpu.memory_space<semaphore_mem>>)
    %dma_start3A_89 = arith.constant 2 : i32
    %dma_start3A_90 = arith.constant 0 : i32
    %dma_start3A_91 = tpu.memref_slice %arg8[%dma_start3A_89, %dma_start3A_90] : memref<7x80xi32, #tpu.memory_space<vmem>> -> memref<1x80xi32, #tpu.memory_space<vmem>>
    %dma_start3A_92 = tpu.memref_squeeze %dma_start3A_91 : memref<1x80xi32, #tpu.memory_space<vmem>> -> memref<80xi32, #tpu.memory_space<vmem>>
    %dma_start3A_93 = tpu.memref_slice %arg3[%add3A_70] : memref<320000xi32, #tpu.memory_space<hbm>> -> memref<80xi32, #tpu.memory_space<hbm>>
    %dma_start3A_94 = arith.constant 0 : i32
    %dma_start3A_95 = tpu.memref_slice %arg8[%dma_start3A_89, %dma_start3A_94] : memref<7x80xi32, #tpu.memory_space<vmem>> -> memref<1x80xi32, #tpu.memory_space<vmem>>
    %dma_start3A_96 = tpu.memref_squeeze %dma_start3A_95 : memref<1x80xi32, #tpu.memory_space<vmem>> -> memref<80xi32, #tpu.memory_space<vmem>>
    %dma_start3A_97 = tpu.memref_slice %arg3[%add3A_70] : memref<320000xi32, #tpu.memory_space<hbm>> -> memref<80xi32, #tpu.memory_space<hbm>>
    tpu.enqueue_dma source(%dma_start3A_97 : memref<80xi32, #tpu.memory_space<hbm>>) target(%dma_start3A_96 : memref<80xi32, #tpu.memory_space<vmem>>) target_semaphore(%arg12 : memref<!tpu.dma_semaphore, #tpu.memory_space<semaphore_mem>>)
    %add3A_98 = arith.constant 240 : i32
    %add3A_99 = arith.addi %add3A, %add3A_98 : i32
    %dma_start3A_100 = arith.constant 3 : i32
    %dma_start3A_101 = arith.constant 0 : i32
    %dma_start3A_102 = tpu.memref_slice %arg7[%dma_start3A_100, %dma_start3A_101] : memref<5x80xi32, #tpu.memory_space<vmem>> -> memref<1x80xi32, #tpu.memory_space<vmem>>
    %dma_start3A_103 = tpu.memref_squeeze %dma_start3A_102 : memref<1x80xi32, #tpu.memory_space<vmem>> -> memref<80xi32, #tpu.memory_space<vmem>>
    %dma_start3A_104 = tpu.memref_slice %arg2[%add3A_99] : memref<320000xi32, #tpu.memory_space<hbm>> -> memref<80xi32, #tpu.memory_space<hbm>>
    %dma_start3A_105 = arith.constant 0 : i32
    %dma_start3A_106 = tpu.memref_slice %arg7[%dma_start3A_100, %dma_start3A_105] : memref<5x80xi32, #tpu.memory_space<vmem>> -> memref<1x80xi32, #tpu.memory_space<vmem>>
    %dma_start3A_107 = tpu.memref_squeeze %dma_start3A_106 : memref<1x80xi32, #tpu.memory_space<vmem>> -> memref<80xi32, #tpu.memory_space<vmem>>
    %dma_start3A_108 = tpu.memref_slice %arg2[%add3A_99] : memref<320000xi32, #tpu.memory_space<hbm>> -> memref<80xi32, #tpu.memory_space<hbm>>
    tpu.enqueue_dma source(%dma_start3A_108 : memref<80xi32, #tpu.memory_space<hbm>>) target(%dma_start3A_107 : memref<80xi32, #tpu.memory_space<vmem>>) target_semaphore(%arg12 : memref<!tpu.dma_semaphore, #tpu.memory_space<semaphore_mem>>)
    %dma_start3A_109 = arith.constant 3 : i32
    %dma_start3A_110 = arith.constant 0 : i32
    %dma_start3A_111 = tpu.memref_slice %arg9[%dma_start3A_109, %dma_start3A_110] : memref<5x80xf32, #tpu.memory_space<vmem>> -> memref<1x80xf32, #tpu.memory_space<vmem>>
    %dma_start3A_112 = tpu.memref_squeeze %dma_start3A_111 : memref<1x80xf32, #tpu.memory_space<vmem>> -> memref<80xf32, #tpu.memory_space<vmem>>
    %dma_start3A_113 = tpu.memref_slice %arg4[%add3A_99] : memref<320000xf32, #tpu.memory_space<hbm>> -> memref<80xf32, #tpu.memory_space<hbm>>
    %dma_start3A_114 = arith.constant 0 : i32
    %dma_start3A_115 = tpu.memref_slice %arg9[%dma_start3A_109, %dma_start3A_114] : memref<5x80xf32, #tpu.memory_space<vmem>> -> memref<1x80xf32, #tpu.memory_space<vmem>>
    %dma_start3A_116 = tpu.memref_squeeze %dma_start3A_115 : memref<1x80xf32, #tpu.memory_space<vmem>> -> memref<80xf32, #tpu.memory_space<vmem>>
    %dma_start3A_117 = tpu.memref_slice %arg4[%add3A_99] : memref<320000xf32, #tpu.memory_space<hbm>> -> memref<80xf32, #tpu.memory_space<hbm>>
    tpu.enqueue_dma source(%dma_start3A_117 : memref<80xf32, #tpu.memory_space<hbm>>) target(%dma_start3A_116 : memref<80xf32, #tpu.memory_space<vmem>>) target_semaphore(%arg12 : memref<!tpu.dma_semaphore, #tpu.memory_space<semaphore_mem>>)
    %dma_start3A_118 = arith.constant 3 : i32
    %dma_start3A_119 = arith.constant 0 : i32
    %dma_start3A_120 = tpu.memref_slice %arg8[%dma_start3A_118, %dma_start3A_119] : memref<7x80xi32, #tpu.memory_space<vmem>> -> memref<1x80xi32, #tpu.memory_space<vmem>>
    %dma_start3A_121 = tpu.memref_squeeze %dma_start3A_120 : memref<1x80xi32, #tpu.memory_space<vmem>> -> memref<80xi32, #tpu.memory_space<vmem>>
    %dma_start3A_122 = tpu.memref_slice %arg3[%add3A_99] : memref<320000xi32, #tpu.memory_space<hbm>> -> memref<80xi32, #tpu.memory_space<hbm>>
    %dma_start3A_123 = arith.constant 0 : i32
    %dma_start3A_124 = tpu.memref_slice %arg8[%dma_start3A_118, %dma_start3A_123] : memref<7x80xi32, #tpu.memory_space<vmem>> -> memref<1x80xi32, #tpu.memory_space<vmem>>
    %dma_start3A_125 = tpu.memref_squeeze %dma_start3A_124 : memref<1x80xi32, #tpu.memory_space<vmem>> -> memref<80xi32, #tpu.memory_space<vmem>>
    %dma_start3A_126 = tpu.memref_slice %arg3[%add3A_99] : memref<320000xi32, #tpu.memory_space<hbm>> -> memref<80xi32, #tpu.memory_space<hbm>>
    tpu.enqueue_dma source(%dma_start3A_126 : memref<80xi32, #tpu.memory_space<hbm>>) target(%dma_start3A_125 : memref<80xi32, #tpu.memory_space<vmem>>) target_semaphore(%arg12 : memref<!tpu.dma_semaphore, #tpu.memory_space<semaphore_mem>>)
    %dma_wait3A = arith.constant 0 : i32
    %dma_wait3A_127 = arith.constant 0 : i32
    %dma_wait3A_128 = tpu.memref_slice %arg7[%dma_wait3A, %dma_wait3A_127] : memref<5x80xi32, #tpu.memory_space<vmem>> -> memref<1x80xi32, #tpu.memory_space<vmem>>
    %dma_wait3A_129 = tpu.memref_squeeze %dma_wait3A_128 : memref<1x80xi32, #tpu.memory_space<vmem>> -> memref<80xi32, #tpu.memory_space<vmem>>
    %dma_wait3A_130 = arith.constant 0 : i32
    %dma_wait3A_131 = tpu.memref_slice %arg2[%dma_wait3A_130] : memref<320000xi32, #tpu.memory_space<hbm>> -> memref<80xi32, #tpu.memory_space<hbm>>
    %dma_wait3A_132 = arith.constant 0 : i32
    %dma_wait3A_133 = tpu.memref_slice %arg7[%dma_wait3A, %dma_wait3A_132] : memref<5x80xi32, #tpu.memory_space<vmem>> -> memref<1x80xi32, #tpu.memory_space<vmem>>
    %dma_wait3A_134 = tpu.memref_squeeze %dma_wait3A_133 : memref<1x80xi32, #tpu.memory_space<vmem>> -> memref<80xi32, #tpu.memory_space<vmem>>
    %dma_wait3A_135 = arith.constant 0 : i32
    %dma_wait3A_136 = tpu.memref_slice %arg2[%dma_wait3A_135] : memref<320000xi32, #tpu.memory_space<hbm>> -> memref<80xi32, #tpu.memory_space<hbm>>
    tpu.wait_dma2 semaphore(%arg12 : memref<!tpu.dma_semaphore, #tpu.memory_space<semaphore_mem>>) src(%dma_wait3A_136 : memref<80xi32, #tpu.memory_space<hbm>>) dst(%dma_wait3A_134 : memref<80xi32, #tpu.memory_space<vmem>>)
    %dma_wait3A_137 = arith.constant 0 : i32
    %dma_wait3A_138 = arith.constant 0 : i32
    %dma_wait3A_139 = tpu.memref_slice %arg9[%dma_wait3A_137, %dma_wait3A_138] : memref<5x80xf32, #tpu.memory_space<vmem>> -> memref<1x80xf32, #tpu.memory_space<vmem>>
    %dma_wait3A_140 = tpu.memref_squeeze %dma_wait3A_139 : memref<1x80xf32, #tpu.memory_space<vmem>> -> memref<80xf32, #tpu.memory_space<vmem>>
    %dma_wait3A_141 = arith.constant 0 : i32
    %dma_wait3A_142 = tpu.memref_slice %arg4[%dma_wait3A_141] : memref<320000xf32, #tpu.memory_space<hbm>> -> memref<80xf32, #tpu.memory_space<hbm>>
    %dma_wait3A_143 = arith.constant 0 : i32
    %dma_wait3A_144 = tpu.memref_slice %arg9[%dma_wait3A_137, %dma_wait3A_143] : memref<5x80xf32, #tpu.memory_space<vmem>> -> memref<1x80xf32, #tpu.memory_space<vmem>>
    %dma_wait3A_145 = tpu.memref_squeeze %dma_wait3A_144 : memref<1x80xf32, #tpu.memory_space<vmem>> -> memref<80xf32, #tpu.memory_space<vmem>>
    %dma_wait3A_146 = arith.constant 0 : i32
    %dma_wait3A_147 = tpu.memref_slice %arg4[%dma_wait3A_146] : memref<320000xf32, #tpu.memory_space<hbm>> -> memref<80xf32, #tpu.memory_space<hbm>>
    tpu.wait_dma2 semaphore(%arg12 : memref<!tpu.dma_semaphore, #tpu.memory_space<semaphore_mem>>) src(%dma_wait3A_147 : memref<80xf32, #tpu.memory_space<hbm>>) dst(%dma_wait3A_145 : memref<80xf32, #tpu.memory_space<vmem>>)
    %dma_wait3A_148 = arith.constant 0 : i32
    %dma_wait3A_149 = arith.constant 0 : i32
    %dma_wait3A_150 = tpu.memref_slice %arg8[%dma_wait3A_148, %dma_wait3A_149] : memref<7x80xi32, #tpu.memory_space<vmem>> -> memref<1x80xi32, #tpu.memory_space<vmem>>
    %dma_wait3A_151 = tpu.memref_squeeze %dma_wait3A_150 : memref<1x80xi32, #tpu.memory_space<vmem>> -> memref<80xi32, #tpu.memory_space<vmem>>
    %dma_wait3A_152 = arith.constant 0 : i32
    %dma_wait3A_153 = tpu.memref_slice %arg3[%dma_wait3A_152] : memref<320000xi32, #tpu.memory_space<hbm>> -> memref<80xi32, #tpu.memory_space<hbm>>
    %dma_wait3A_154 = arith.constant 0 : i32
    %dma_wait3A_155 = tpu.memref_slice %arg8[%dma_wait3A_148, %dma_wait3A_154] : memref<7x80xi32, #tpu.memory_space<vmem>> -> memref<1x80xi32, #tpu.memory_space<vmem>>
    %dma_wait3A_156 = tpu.memref_squeeze %dma_wait3A_155 : memref<1x80xi32, #tpu.memory_space<vmem>> -> memref<80xi32, #tpu.memory_space<vmem>>
    %dma_wait3A_157 = arith.constant 0 : i32
    %dma_wait3A_158 = tpu.memref_slice %arg3[%dma_wait3A_157] : memref<320000xi32, #tpu.memory_space<hbm>> -> memref<80xi32, #tpu.memory_space<hbm>>
    tpu.wait_dma2 semaphore(%arg12 : memref<!tpu.dma_semaphore, #tpu.memory_space<semaphore_mem>>) src(%dma_wait3A_158 : memref<80xi32, #tpu.memory_space<hbm>>) dst(%dma_wait3A_156 : memref<80xi32, #tpu.memory_space<vmem>>)
    %dma_start3A_159 = arith.constant 0 : i32
    %dma_start3A_160 = arith.constant 0 : i32
    %dma_start3A_161 = arith.constant 0 : i32
    %dma_start3A_162 = tpu.memref_slice %arg10[%dma_start3A_160, %dma_start3A_161] : memref<320x128xf32, #tpu.memory_space<vmem>> -> memref<80x128xf32, #tpu.memory_space<vmem>>
    %dma_start3A_163 = arith.constant 0 : i32
    %dma_start3A_164 = tpu.memref_slice %arg7[%dma_start3A_159, %dma_start3A_163] : memref<5x80xi32, #tpu.memory_space<vmem>> -> memref<1x80xi32, #tpu.memory_space<vmem>>
    %dma_start3A_165 = tpu.memref_squeeze %dma_start3A_164 : memref<1x80xi32, #tpu.memory_space<vmem>> -> memref<80xi32, #tpu.memory_space<vmem>>
    %dma_start3A_166 = arith.constant 0 : i32
    %dma_start3A_167 = arith.constant 0 : i32
    %dma_start3A_168 = tpu.memref_slice %arg5[%dma_start3A_166, %dma_start3A_167] : memref<10000x128xf32, #tpu.memory_space<hbm>> -> memref<10000x128xf32, #tpu.memory_space<hbm>>
    tpu.enqueue_indirect_dma source(%dma_start3A_168 : memref<10000x128xf32, #tpu.memory_space<hbm>>) target(%dma_start3A_162 : memref<80x128xf32, #tpu.memory_space<vmem>>) offsets(%dma_start3A_165 : memref<80xi32, #tpu.memory_space<vmem>>) semaphore(%arg13 : memref<!tpu.dma_semaphore, #tpu.memory_space<semaphore_mem>>)
    %dma_wait3A_169 = arith.constant 0 : i32
    %dma_wait3A_170 = arith.constant 0 : i32
    %dma_wait3A_171 = tpu.memref_slice %arg7[%dma_wait3A_169, %dma_wait3A_170] : memref<5x80xi32, #tpu.memory_space<vmem>> -> memref<1x80xi32, #tpu.memory_space<vmem>>
    %dma_wait3A_172 = tpu.memref_squeeze %dma_wait3A_171 : memref<1x80xi32, #tpu.memory_space<vmem>> -> memref<80xi32, #tpu.memory_space<vmem>>
    %dma_wait3A_173 = arith.constant 0 : i32
    %dma_wait3A_174 = tpu.memref_slice %arg2[%dma_wait3A_173] : memref<320000xi32, #tpu.memory_space<hbm>> -> memref<80xi32, #tpu.memory_space<hbm>>
    %dma_wait3A_175 = arith.constant 0 : i32
    %dma_wait3A_176 = tpu.memref_slice %arg7[%dma_wait3A_169, %dma_wait3A_175] : memref<5x80xi32, #tpu.memory_space<vmem>> -> memref<1x80xi32, #tpu.memory_space<vmem>>
    %dma_wait3A_177 = tpu.memref_squeeze %dma_wait3A_176 : memref<1x80xi32, #tpu.memory_space<vmem>> -> memref<80xi32, #tpu.memory_space<vmem>>
    %dma_wait3A_178 = arith.constant 0 : i32
    %dma_wait3A_179 = tpu.memref_slice %arg2[%dma_wait3A_178] : memref<320000xi32, #tpu.memory_space<hbm>> -> memref<80xi32, #tpu.memory_space<hbm>>
    tpu.wait_dma2 semaphore(%arg12 : memref<!tpu.dma_semaphore, #tpu.memory_space<semaphore_mem>>) src(%dma_wait3A_179 : memref<80xi32, #tpu.memory_space<hbm>>) dst(%dma_wait3A_177 : memref<80xi32, #tpu.memory_space<vmem>>)
    %dma_wait3A_180 = arith.constant 0 : i32
    %dma_wait3A_181 = arith.constant 0 : i32
    %dma_wait3A_182 = tpu.memref_slice %arg9[%dma_wait3A_180, %dma_wait3A_181] : memref<5x80xf32, #tpu.memory_space<vmem>> -> memref<1x80xf32, #tpu.memory_space<vmem>>
    %dma_wait3A_183 = tpu.memref_squeeze %dma_wait3A_182 : memref<1x80xf32, #tpu.memory_space<vmem>> -> memref<80xf32, #tpu.memory_space<vmem>>
    %dma_wait3A_184 = arith.constant 0 : i32
    %dma_wait3A_185 = tpu.memref_slice %arg4[%dma_wait3A_184] : memref<320000xf32, #tpu.memory_space<hbm>> -> memref<80xf32, #tpu.memory_space<hbm>>
    %dma_wait3A_186 = arith.constant 0 : i32
    %dma_wait3A_187 = tpu.memref_slice %arg9[%dma_wait3A_180, %dma_wait3A_186] : memref<5x80xf32, #tpu.memory_space<vmem>> -> memref<1x80xf32, #tpu.memory_space<vmem>>
    %dma_wait3A_188 = tpu.memref_squeeze %dma_wait3A_187 : memref<1x80xf32, #tpu.memory_space<vmem>> -> memref<80xf32, #tpu.memory_space<vmem>>
    %dma_wait3A_189 = arith.constant 0 : i32
    %dma_wait3A_190 = tpu.memref_slice %arg4[%dma_wait3A_189] : memref<320000xf32, #tpu.memory_space<hbm>> -> memref<80xf32, #tpu.memory_space<hbm>>
    tpu.wait_dma2 semaphore(%arg12 : memref<!tpu.dma_semaphore, #tpu.memory_space<semaphore_mem>>) src(%dma_wait3A_190 : memref<80xf32, #tpu.memory_space<hbm>>) dst(%dma_wait3A_188 : memref<80xf32, #tpu.memory_space<vmem>>)
    %dma_wait3A_191 = arith.constant 0 : i32
    %dma_wait3A_192 = arith.constant 0 : i32
    %dma_wait3A_193 = tpu.memref_slice %arg8[%dma_wait3A_191, %dma_wait3A_192] : memref<7x80xi32, #tpu.memory_space<vmem>> -> memref<1x80xi32, #tpu.memory_space<vmem>>
    %dma_wait3A_194 = tpu.memref_squeeze %dma_wait3A_193 : memref<1x80xi32, #tpu.memory_space<vmem>> -> memref<80xi32, #tpu.memory_space<vmem>>
    %dma_wait3A_195 = arith.constant 0 : i32
    %dma_wait3A_196 = tpu.memref_slice %arg3[%dma_wait3A_195] : memref<320000xi32, #tpu.memory_space<hbm>> -> memref<80xi32, #tpu.memory_space<hbm>>
    %dma_wait3A_197 = arith.constant 0 : i32
    %dma_wait3A_198 = tpu.memref_slice %arg8[%dma_wait3A_191, %dma_wait3A_197] : memref<7x80xi32, #tpu.memory_space<vmem>> -> memref<1x80xi32, #tpu.memory_space<vmem>>
    %dma_wait3A_199 = tpu.memref_squeeze %dma_wait3A_198 : memref<1x80xi32, #tpu.memory_space<vmem>> -> memref<80xi32, #tpu.memory_space<vmem>>
    %dma_wait3A_200 = arith.constant 0 : i32
    %dma_wait3A_201 = tpu.memref_slice %arg3[%dma_wait3A_200] : memref<320000xi32, #tpu.memory_space<hbm>> -> memref<80xi32, #tpu.memory_space<hbm>>
    tpu.wait_dma2 semaphore(%arg12 : memref<!tpu.dma_semaphore, #tpu.memory_space<semaphore_mem>>) src(%dma_wait3A_201 : memref<80xi32, #tpu.memory_space<hbm>>) dst(%dma_wait3A_199 : memref<80xi32, #tpu.memory_space<vmem>>)
    %dma_start3A_202 = arith.constant 1 : i32
    %dma_start3A_203 = arith.constant 80 : i32
    %dma_start3A_204 = arith.constant 0 : i32
    %dma_start3A_205 = tpu.memref_slice %arg10[%dma_start3A_203, %dma_start3A_204] : memref<320x128xf32, #tpu.memory_space<vmem>> -> memref<80x128xf32, #tpu.memory_space<vmem>>
    %dma_start3A_206 = arith.constant 0 : i32
    %dma_start3A_207 = tpu.memref_slice %arg7[%dma_start3A_202, %dma_start3A_206] : memref<5x80xi32, #tpu.memory_space<vmem>> -> memref<1x80xi32, #tpu.memory_space<vmem>>
    %dma_start3A_208 = tpu.memref_squeeze %dma_start3A_207 : memref<1x80xi32, #tpu.memory_space<vmem>> -> memref<80xi32, #tpu.memory_space<vmem>>
    %dma_start3A_209 = arith.constant 0 : i32
    %dma_start3A_210 = arith.constant 0 : i32
    %dma_start3A_211 = tpu.memref_slice %arg5[%dma_start3A_209, %dma_start3A_210] : memref<10000x128xf32, #tpu.memory_space<hbm>> -> memref<10000x128xf32, #tpu.memory_space<hbm>>
    tpu.enqueue_indirect_dma source(%dma_start3A_211 : memref<10000x128xf32, #tpu.memory_space<hbm>>) target(%dma_start3A_205 : memref<80x128xf32, #tpu.memory_space<vmem>>) offsets(%dma_start3A_208 : memref<80xi32, #tpu.memory_space<vmem>>) semaphore(%arg13 : memref<!tpu.dma_semaphore, #tpu.memory_space<semaphore_mem>>)
    %scan3A_212 = arith.constant 0 : i32
    %scan3A_213 = arith.constant 125 : i32
    %scan3A_214 = arith.addi %scan3A_212, %scan3A_213 : i32
    %scan3A_215 = arith.constant 1 : i32
    scf.for %scan3A_247 = %scan3A_212 to %scan3A_214 step %scan3A_215  : i32 {
      %jit3A = arith.constant 4 : i32
      %eq3A = arith.constant 0 : i32
      %eq3A_248 = arith.cmpi eq, %jit3A, %eq3A : i32
      %jit3A_249 = arith.constant 1 : i32
      %select_n3A = arith.select %eq3A_248, %jit3A_249, %jit3A : i32
      %rem3A = arith.remsi %scan3A_247, %select_n3A : i32
      %ne3A = arith.constant 0 : i32
      %ne3A_250 = arith.cmpi ne, %rem3A, %ne3A : i32
      %lt3A_251 = arith.constant 0 : i32
      %lt3A_252 = arith.cmpi slt, %rem3A, %lt3A_251 : i32
      %lt3A_253 = arith.constant 0 : i32
      %lt3A_254 = arith.cmpi slt, %select_n3A, %lt3A_253 : i32
      %ne3A_255 = arith.xori %lt3A_252, %lt3A_254 : i1
      %and3A = arith.andi %ne3A_255, %ne3A_250 : i1
      %add3A_256 = arith.addi %rem3A, %select_n3A : i32
      %select_n3A_257 = arith.select %and3A, %add3A_256, %rem3A : i32
      %mul3A_258 = arith.constant 80 : i32
      %mul3A_259 = arith.muli %select_n3A_257, %mul3A_258 : i32
      %ge3A = arith.constant 2 : i32
      %ge3A_260 = arith.cmpi sge, %scan3A_247, %ge3A : i32
      %convert_element_type3A_261 = arith.extui %ge3A_260 : i1 to i32
      %cond3A_262 = arith.constant 0 : i32
      %cond3A_263 = arith.cmpi ne, %convert_element_type3A_261, %cond3A_262 : i32
      scf.if %cond3A_263 {
        %dma_wait3A_319 = arith.constant 0 : i32
        %dma_wait3A_320 = arith.constant 0 : i32
        %dma_wait3A_321 = tpu.memref_slice %arg10[%dma_wait3A_319, %dma_wait3A_320] : memref<320x128xf32, #tpu.memory_space<vmem>> -> memref<80x128xf32, #tpu.memory_space<vmem>>
        %dma_wait3A_322 = arith.constant 0 : i32
        %dma_wait3A_323 = arith.constant 0 : i32
        %dma_wait3A_324 = tpu.memref_slice %arg11[%dma_wait3A_322, %dma_wait3A_323] : memref<10000x128xf32, #tpu.memory_space<vmem_shared>> -> memref<80x128xf32, #tpu.memory_space<vmem_shared>>
        %dma_wait3A_325 = arith.constant 0 : i32
        %dma_wait3A_326 = arith.constant 0 : i32
        %dma_wait3A_327 = tpu.memref_slice %arg11[%dma_wait3A_325, %dma_wait3A_326] : memref<10000x128xf32, #tpu.memory_space<vmem_shared>> -> memref<80x128xf32, #tpu.memory_space<vmem_shared>>
        %dma_wait3A_328 = arith.constant 0 : i32
        %dma_wait3A_329 = arith.constant 0 : i32
        %dma_wait3A_330 = tpu.memref_slice %arg10[%dma_wait3A_328, %dma_wait3A_329] : memref<320x128xf32, #tpu.memory_space<vmem>> -> memref<80x128xf32, #tpu.memory_space<vmem>>
        tpu.wait_dma2 semaphore(%arg14 : memref<!tpu.dma_semaphore, #tpu.memory_space<semaphore_mem>>) src(%dma_wait3A_330 : memref<80x128xf32, #tpu.memory_space<vmem>>) dst(%dma_wait3A_327 : memref<80x128xf32, #tpu.memory_space<vmem_shared>>)
      } else {
      }
      %add3A_264 = arith.constant 4 : i32
      %add3A_265 = arith.addi %scan3A_247, %add3A_264 : i32
      %lt3A_266 = arith.constant 125 : i32
      %lt3A_267 = arith.cmpi slt, %add3A_265, %lt3A_266 : i32
      %convert_element_type3A_268 = arith.extui %lt3A_267 : i1 to i32
      %cond3A_269 = arith.constant 0 : i32
      %cond3A_270 = arith.cmpi ne, %convert_element_type3A_268, %cond3A_269 : i32
      scf.if %cond3A_270 {
        %add3A_319 = arith.constant 4 : i32
        %add3A_320 = arith.addi %scan3A_247, %add3A_319 : i32
        %mul3A_321 = arith.constant 80 : i32
        %mul3A_322 = arith.muli %add3A_320, %mul3A_321 : i32
        %add3A_323 = arith.addi %add3A, %mul3A_322 : i32
        %jit3A_324 = arith.constant 5 : i32
        %eq3A_325 = arith.constant 0 : i32
        %eq3A_326 = arith.cmpi eq, %jit3A_324, %eq3A_325 : i32
        %jit3A_327 = arith.constant 1 : i32
        %select_n3A_328 = arith.select %eq3A_326, %jit3A_327, %jit3A_324 : i32
        %rem3A_329 = arith.remsi %add3A_320, %select_n3A_328 : i32
        %ne3A_330 = arith.constant 0 : i32
        %ne3A_331 = arith.cmpi ne, %rem3A_329, %ne3A_330 : i32
        %lt3A_332 = arith.constant 0 : i32
        %lt3A_333 = arith.cmpi slt, %rem3A_329, %lt3A_332 : i32
        %lt3A_334 = arith.constant 0 : i32
        %lt3A_335 = arith.cmpi slt, %select_n3A_328, %lt3A_334 : i32
        %ne3A_336 = arith.xori %lt3A_333, %lt3A_335 : i1
        %and3A_337 = arith.andi %ne3A_336, %ne3A_331 : i1
        %add3A_338 = arith.addi %rem3A_329, %select_n3A_328 : i32
        %select_n3A_339 = arith.select %and3A_337, %add3A_338, %rem3A_329 : i32
        %dma_start3A_340 = arith.constant 0 : i32
        %dma_start3A_341 = tpu.memref_slice %arg7[%select_n3A_339, %dma_start3A_340] : memref<5x80xi32, #tpu.memory_space<vmem>> -> memref<1x80xi32, #tpu.memory_space<vmem>>
        %dma_start3A_342 = tpu.memref_squeeze %dma_start3A_341 : memref<1x80xi32, #tpu.memory_space<vmem>> -> memref<80xi32, #tpu.memory_space<vmem>>
        %dma_start3A_343 = tpu.memref_slice %arg2[%add3A_323] : memref<320000xi32, #tpu.memory_space<hbm>> -> memref<80xi32, #tpu.memory_space<hbm>>
        %dma_start3A_344 = arith.constant 0 : i32
        %dma_start3A_345 = tpu.memref_slice %arg7[%select_n3A_339, %dma_start3A_344] : memref<5x80xi32, #tpu.memory_space<vmem>> -> memref<1x80xi32, #tpu.memory_space<vmem>>
        %dma_start3A_346 = tpu.memref_squeeze %dma_start3A_345 : memref<1x80xi32, #tpu.memory_space<vmem>> -> memref<80xi32, #tpu.memory_space<vmem>>
        %dma_start3A_347 = tpu.memref_slice %arg2[%add3A_323] : memref<320000xi32, #tpu.memory_space<hbm>> -> memref<80xi32, #tpu.memory_space<hbm>>
        tpu.enqueue_dma source(%dma_start3A_347 : memref<80xi32, #tpu.memory_space<hbm>>) target(%dma_start3A_346 : memref<80xi32, #tpu.memory_space<vmem>>) target_semaphore(%arg12 : memref<!tpu.dma_semaphore, #tpu.memory_space<semaphore_mem>>)
        %jit3A_348 = arith.constant 5 : i32
        %eq3A_349 = arith.constant 0 : i32
        %eq3A_350 = arith.cmpi eq, %jit3A_348, %eq3A_349 : i32
        %jit3A_351 = arith.constant 1 : i32
        %select_n3A_352 = arith.select %eq3A_350, %jit3A_351, %jit3A_348 : i32
        %rem3A_353 = arith.remsi %add3A_320, %select_n3A_352 : i32
        %ne3A_354 = arith.constant 0 : i32
        %ne3A_355 = arith.cmpi ne, %rem3A_353, %ne3A_354 : i32
        %lt3A_356 = arith.constant 0 : i32
        %lt3A_357 = arith.cmpi slt, %rem3A_353, %lt3A_356 : i32
        %lt3A_358 = arith.constant 0 : i32
        %lt3A_359 = arith.cmpi slt, %select_n3A_352, %lt3A_358 : i32
        %ne3A_360 = arith.xori %lt3A_357, %lt3A_359 : i1
        %and3A_361 = arith.andi %ne3A_360, %ne3A_355 : i1
        %add3A_362 = arith.addi %rem3A_353, %select_n3A_352 : i32
        %select_n3A_363 = arith.select %and3A_361, %add3A_362, %rem3A_353 : i32
        %dma_start3A_364 = arith.constant 0 : i32
        %dma_start3A_365 = tpu.memref_slice %arg9[%select_n3A_363, %dma_start3A_364] : memref<5x80xf32, #tpu.memory_space<vmem>> -> memref<1x80xf32, #tpu.memory_space<vmem>>
        %dma_start3A_366 = tpu.memref_squeeze %dma_start3A_365 : memref<1x80xf32, #tpu.memory_space<vmem>> -> memref<80xf32, #tpu.memory_space<vmem>>
        %dma_start3A_367 = tpu.memref_slice %arg4[%add3A_323] : memref<320000xf32, #tpu.memory_space<hbm>> -> memref<80xf32, #tpu.memory_space<hbm>>
        %dma_start3A_368 = arith.constant 0 : i32
        %dma_start3A_369 = tpu.memref_slice %arg9[%select_n3A_363, %dma_start3A_368] : memref<5x80xf32, #tpu.memory_space<vmem>> -> memref<1x80xf32, #tpu.memory_space<vmem>>
        %dma_start3A_370 = tpu.memref_squeeze %dma_start3A_369 : memref<1x80xf32, #tpu.memory_space<vmem>> -> memref<80xf32, #tpu.memory_space<vmem>>
        %dma_start3A_371 = tpu.memref_slice %arg4[%add3A_323] : memref<320000xf32, #tpu.memory_space<hbm>> -> memref<80xf32, #tpu.memory_space<hbm>>
        tpu.enqueue_dma source(%dma_start3A_371 : memref<80xf32, #tpu.memory_space<hbm>>) target(%dma_start3A_370 : memref<80xf32, #tpu.memory_space<vmem>>) target_semaphore(%arg12 : memref<!tpu.dma_semaphore, #tpu.memory_space<semaphore_mem>>)
        %jit3A_372 = arith.constant 7 : i32
        %eq3A_373 = arith.constant 0 : i32
        %eq3A_374 = arith.cmpi eq, %jit3A_372, %eq3A_373 : i32
        %jit3A_375 = arith.constant 1 : i32
        %select_n3A_376 = arith.select %eq3A_374, %jit3A_375, %jit3A_372 : i32
        %rem3A_377 = arith.remsi %add3A_320, %select_n3A_376 : i32
        %ne3A_378 = arith.constant 0 : i32
        %ne3A_379 = arith.cmpi ne, %rem3A_377, %ne3A_378 : i32
        %lt3A_380 = arith.constant 0 : i32
        %lt3A_381 = arith.cmpi slt, %rem3A_377, %lt3A_380 : i32
        %lt3A_382 = arith.constant 0 : i32
        %lt3A_383 = arith.cmpi slt, %select_n3A_376, %lt3A_382 : i32
        %ne3A_384 = arith.xori %lt3A_381, %lt3A_383 : i1
        %and3A_385 = arith.andi %ne3A_384, %ne3A_379 : i1
        %add3A_386 = arith.addi %rem3A_377, %select_n3A_376 : i32
        %select_n3A_387 = arith.select %and3A_385, %add3A_386, %rem3A_377 : i32
        %dma_start3A_388 = arith.constant 0 : i32
        %dma_start3A_389 = tpu.memref_slice %arg8[%select_n3A_387, %dma_start3A_388] : memref<7x80xi32, #tpu.memory_space<vmem>> -> memref<1x80xi32, #tpu.memory_space<vmem>>
        %dma_start3A_390 = tpu.memref_squeeze %dma_start3A_389 : memref<1x80xi32, #tpu.memory_space<vmem>> -> memref<80xi32, #tpu.memory_space<vmem>>
        %dma_start3A_391 = tpu.memref_slice %arg3[%add3A_323] : memref<320000xi32, #tpu.memory_space<hbm>> -> memref<80xi32, #tpu.memory_space<hbm>>
        %dma_start3A_392 = arith.constant 0 : i32
        %dma_start3A_393 = tpu.memref_slice %arg8[%select_n3A_387, %dma_start3A_392] : memref<7x80xi32, #tpu.memory_space<vmem>> -> memref<1x80xi32, #tpu.memory_space<vmem>>
        %dma_start3A_394 = tpu.memref_squeeze %dma_start3A_393 : memref<1x80xi32, #tpu.memory_space<vmem>> -> memref<80xi32, #tpu.memory_space<vmem>>
        %dma_start3A_395 = tpu.memref_slice %arg3[%add3A_323] : memref<320000xi32, #tpu.memory_space<hbm>> -> memref<80xi32, #tpu.memory_space<hbm>>
        tpu.enqueue_dma source(%dma_start3A_395 : memref<80xi32, #tpu.memory_space<hbm>>) target(%dma_start3A_394 : memref<80xi32, #tpu.memory_space<vmem>>) target_semaphore(%arg12 : memref<!tpu.dma_semaphore, #tpu.memory_space<semaphore_mem>>)
      } else {
      }
      %add3A_271 = arith.constant 2 : i32
      %add3A_272 = arith.addi %scan3A_247, %add3A_271 : i32
      %lt3A_273 = arith.constant 125 : i32
      %lt3A_274 = arith.cmpi slt, %add3A_272, %lt3A_273 : i32
      %convert_element_type3A_275 = arith.extui %lt3A_274 : i1 to i32
      %cond3A_276 = arith.constant 0 : i32
      %cond3A_277 = arith.cmpi ne, %convert_element_type3A_275, %cond3A_276 : i32
      scf.if %cond3A_277 {
        %dma_wait3A_319 = arith.constant 0 : i32
        %dma_wait3A_320 = arith.constant 0 : i32
        %dma_wait3A_321 = tpu.memref_slice %arg7[%dma_wait3A_319, %dma_wait3A_320] : memref<5x80xi32, #tpu.memory_space<vmem>> -> memref<1x80xi32, #tpu.memory_space<vmem>>
        %dma_wait3A_322 = tpu.memref_squeeze %dma_wait3A_321 : memref<1x80xi32, #tpu.memory_space<vmem>> -> memref<80xi32, #tpu.memory_space<vmem>>
        %dma_wait3A_323 = arith.constant 0 : i32
        %dma_wait3A_324 = tpu.memref_slice %arg2[%dma_wait3A_323] : memref<320000xi32, #tpu.memory_space<hbm>> -> memref<80xi32, #tpu.memory_space<hbm>>
        %dma_wait3A_325 = arith.constant 0 : i32
        %dma_wait3A_326 = tpu.memref_slice %arg7[%dma_wait3A_319, %dma_wait3A_325] : memref<5x80xi32, #tpu.memory_space<vmem>> -> memref<1x80xi32, #tpu.memory_space<vmem>>
        %dma_wait3A_327 = tpu.memref_squeeze %dma_wait3A_326 : memref<1x80xi32, #tpu.memory_space<vmem>> -> memref<80xi32, #tpu.memory_space<vmem>>
        %dma_wait3A_328 = arith.constant 0 : i32
        %dma_wait3A_329 = tpu.memref_slice %arg2[%dma_wait3A_328] : memref<320000xi32, #tpu.memory_space<hbm>> -> memref<80xi32, #tpu.memory_space<hbm>>
        tpu.wait_dma2 semaphore(%arg12 : memref<!tpu.dma_semaphore, #tpu.memory_space<semaphore_mem>>) src(%dma_wait3A_329 : memref<80xi32, #tpu.memory_space<hbm>>) dst(%dma_wait3A_327 : memref<80xi32, #tpu.memory_space<vmem>>)
        %dma_wait3A_330 = arith.constant 0 : i32
        %dma_wait3A_331 = arith.constant 0 : i32
        %dma_wait3A_332 = tpu.memref_slice %arg9[%dma_wait3A_330, %dma_wait3A_331] : memref<5x80xf32, #tpu.memory_space<vmem>> -> memref<1x80xf32, #tpu.memory_space<vmem>>
        %dma_wait3A_333 = tpu.memref_squeeze %dma_wait3A_332 : memref<1x80xf32, #tpu.memory_space<vmem>> -> memref<80xf32, #tpu.memory_space<vmem>>
        %dma_wait3A_334 = arith.constant 0 : i32
        %dma_wait3A_335 = tpu.memref_slice %arg4[%dma_wait3A_334] : memref<320000xf32, #tpu.memory_space<hbm>> -> memref<80xf32, #tpu.memory_space<hbm>>
        %dma_wait3A_336 = arith.constant 0 : i32
        %dma_wait3A_337 = tpu.memref_slice %arg9[%dma_wait3A_330, %dma_wait3A_336] : memref<5x80xf32, #tpu.memory_space<vmem>> -> memref<1x80xf32, #tpu.memory_space<vmem>>
        %dma_wait3A_338 = tpu.memref_squeeze %dma_wait3A_337 : memref<1x80xf32, #tpu.memory_space<vmem>> -> memref<80xf32, #tpu.memory_space<vmem>>
        %dma_wait3A_339 = arith.constant 0 : i32
        %dma_wait3A_340 = tpu.memref_slice %arg4[%dma_wait3A_339] : memref<320000xf32, #tpu.memory_space<hbm>> -> memref<80xf32, #tpu.memory_space<hbm>>
        tpu.wait_dma2 semaphore(%arg12 : memref<!tpu.dma_semaphore, #tpu.memory_space<semaphore_mem>>) src(%dma_wait3A_340 : memref<80xf32, #tpu.memory_space<hbm>>) dst(%dma_wait3A_338 : memref<80xf32, #tpu.memory_space<vmem>>)
        %dma_wait3A_341 = arith.constant 0 : i32
        %dma_wait3A_342 = arith.constant 0 : i32
        %dma_wait3A_343 = tpu.memref_slice %arg8[%dma_wait3A_341, %dma_wait3A_342] : memref<7x80xi32, #tpu.memory_space<vmem>> -> memref<1x80xi32, #tpu.memory_space<vmem>>
        %dma_wait3A_344 = tpu.memref_squeeze %dma_wait3A_343 : memref<1x80xi32, #tpu.memory_space<vmem>> -> memref<80xi32, #tpu.memory_space<vmem>>
        %dma_wait3A_345 = arith.constant 0 : i32
        %dma_wait3A_346 = tpu.memref_slice %arg3[%dma_wait3A_345] : memref<320000xi32, #tpu.memory_space<hbm>> -> memref<80xi32, #tpu.memory_space<hbm>>
        %dma_wait3A_347 = arith.constant 0 : i32
        %dma_wait3A_348 = tpu.memref_slice %arg8[%dma_wait3A_341, %dma_wait3A_347] : memref<7x80xi32, #tpu.memory_space<vmem>> -> memref<1x80xi32, #tpu.memory_space<vmem>>
        %dma_wait3A_349 = tpu.memref_squeeze %dma_wait3A_348 : memref<1x80xi32, #tpu.memory_space<vmem>> -> memref<80xi32, #tpu.memory_space<vmem>>
        %dma_wait3A_350 = arith.constant 0 : i32
        %dma_wait3A_351 = tpu.memref_slice %arg3[%dma_wait3A_350] : memref<320000xi32, #tpu.memory_space<hbm>> -> memref<80xi32, #tpu.memory_space<hbm>>
        tpu.wait_dma2 semaphore(%arg12 : memref<!tpu.dma_semaphore, #tpu.memory_space<semaphore_mem>>) src(%dma_wait3A_351 : memref<80xi32, #tpu.memory_space<hbm>>) dst(%dma_wait3A_349 : memref<80xi32, #tpu.memory_space<vmem>>)
        %add3A_352 = arith.constant 2 : i32
        %add3A_353 = arith.addi %scan3A_247, %add3A_352 : i32
        %jit3A_354 = arith.constant 4 : i32
        %eq3A_355 = arith.constant 0 : i32
        %eq3A_356 = arith.cmpi eq, %jit3A_354, %eq3A_355 : i32
        %jit3A_357 = arith.constant 1 : i32
        %select_n3A_358 = arith.select %eq3A_356, %jit3A_357, %jit3A_354 : i32
        %rem3A_359 = arith.remsi %add3A_353, %select_n3A_358 : i32
        %ne3A_360 = arith.constant 0 : i32
        %ne3A_361 = arith.cmpi ne, %rem3A_359, %ne3A_360 : i32
        %lt3A_362 = arith.constant 0 : i32
        %lt3A_363 = arith.cmpi slt, %rem3A_359, %lt3A_362 : i32
        %lt3A_364 = arith.constant 0 : i32
        %lt3A_365 = arith.cmpi slt, %select_n3A_358, %lt3A_364 : i32
        %ne3A_366 = arith.xori %lt3A_363, %lt3A_365 : i1
        %and3A_367 = arith.andi %ne3A_366, %ne3A_361 : i1
        %add3A_368 = arith.addi %rem3A_359, %select_n3A_358 : i32
        %select_n3A_369 = arith.select %and3A_367, %add3A_368, %rem3A_359 : i32
        %mul3A_370 = arith.constant 80 : i32
        %mul3A_371 = arith.muli %select_n3A_369, %mul3A_370 : i32
        %jit3A_372 = arith.constant 5 : i32
        %eq3A_373 = arith.constant 0 : i32
        %eq3A_374 = arith.cmpi eq, %jit3A_372, %eq3A_373 : i32
        %jit3A_375 = arith.constant 1 : i32
        %select_n3A_376 = arith.select %eq3A_374, %jit3A_375, %jit3A_372 : i32
        %rem3A_377 = arith.remsi %add3A_353, %select_n3A_376 : i32
        %ne3A_378 = arith.constant 0 : i32
        %ne3A_379 = arith.cmpi ne, %rem3A_377, %ne3A_378 : i32
        %lt3A_380 = arith.constant 0 : i32
        %lt3A_381 = arith.cmpi slt, %rem3A_377, %lt3A_380 : i32
        %lt3A_382 = arith.constant 0 : i32
        %lt3A_383 = arith.cmpi slt, %select_n3A_376, %lt3A_382 : i32
        %ne3A_384 = arith.xori %lt3A_381, %lt3A_383 : i1
        %and3A_385 = arith.andi %ne3A_384, %ne3A_379 : i1
        %add3A_386 = arith.addi %rem3A_377, %select_n3A_376 : i32
        %select_n3A_387 = arith.select %and3A_385, %add3A_386, %rem3A_377 : i32
        %dma_start3A_388 = arith.constant 0 : i32
        %dma_start3A_389 = tpu.memref_slice %arg10[%mul3A_371, %dma_start3A_388] : memref<320x128xf32, #tpu.memory_space<vmem>> -> memref<80x128xf32, #tpu.memory_space<vmem>>
        %dma_start3A_390 = arith.constant 0 : i32
        %dma_start3A_391 = tpu.memref_slice %arg7[%select_n3A_387, %dma_start3A_390] : memref<5x80xi32, #tpu.memory_space<vmem>> -> memref<1x80xi32, #tpu.memory_space<vmem>>
        %dma_start3A_392 = tpu.memref_squeeze %dma_start3A_391 : memref<1x80xi32, #tpu.memory_space<vmem>> -> memref<80xi32, #tpu.memory_space<vmem>>
        %dma_start3A_393 = arith.constant 0 : i32
        %dma_start3A_394 = arith.constant 0 : i32
        %dma_start3A_395 = tpu.memref_slice %arg5[%dma_start3A_393, %dma_start3A_394] : memref<10000x128xf32, #tpu.memory_space<hbm>> -> memref<10000x128xf32, #tpu.memory_space<hbm>>
        tpu.enqueue_indirect_dma source(%dma_start3A_395 : memref<10000x128xf32, #tpu.memory_space<hbm>>) target(%dma_start3A_389 : memref<80x128xf32, #tpu.memory_space<vmem>>) offsets(%dma_start3A_392 : memref<80xi32, #tpu.memory_space<vmem>>) semaphore(%arg13 : memref<!tpu.dma_semaphore, #tpu.memory_space<semaphore_mem>>)
      } else {
      }
      %dma_wait3A_278 = arith.constant 0 : i32
      %dma_wait3A_279 = arith.constant 0 : i32
      %dma_wait3A_280 = tpu.memref_slice %arg10[%dma_wait3A_278, %dma_wait3A_279] : memref<320x128xf32, #tpu.memory_space<vmem>> -> memref<80x128xf32, #tpu.memory_space<vmem>>
      %dma_wait3A_281 = arith.constant 0 : i32
      %dma_wait3A_282 = arith.constant 0 : i32
      %dma_wait3A_283 = tpu.memref_slice %arg5[%dma_wait3A_281, %dma_wait3A_282] : memref<10000x128xf32, #tpu.memory_space<hbm>> -> memref<80x128xf32, #tpu.memory_space<hbm>>
      %dma_wait3A_284 = arith.constant 0 : i32
      %dma_wait3A_285 = arith.constant 0 : i32
      %dma_wait3A_286 = tpu.memref_slice %arg10[%dma_wait3A_284, %dma_wait3A_285] : memref<320x128xf32, #tpu.memory_space<vmem>> -> memref<80x128xf32, #tpu.memory_space<vmem>>
      %dma_wait3A_287 = arith.constant 0 : i32
      %dma_wait3A_288 = arith.constant 0 : i32
      %dma_wait3A_289 = tpu.memref_slice %arg5[%dma_wait3A_287, %dma_wait3A_288] : memref<10000x128xf32, #tpu.memory_space<hbm>> -> memref<80x128xf32, #tpu.memory_space<hbm>>
      tpu.wait_dma2 semaphore(%arg13 : memref<!tpu.dma_semaphore, #tpu.memory_space<semaphore_mem>>) src(%dma_wait3A_289 : memref<80x128xf32, #tpu.memory_space<hbm>>) dst(%dma_wait3A_286 : memref<80x128xf32, #tpu.memory_space<vmem>>)
      %scan3A_290 = arith.constant 0 : i32
      %scan3A_291 = arith.constant 5 : i32
      %scan3A_292 = arith.addi %scan3A_290, %scan3A_291 : i32
      %scan3A_293 = arith.constant 1 : i32
      scf.for %scan3A_319 = %scan3A_290 to %scan3A_292 step %scan3A_293  : i32 {
        %jit3A_320 = arith.constant 5 : i32
        %eq3A_321 = arith.constant 0 : i32
        %eq3A_322 = arith.cmpi eq, %jit3A_320, %eq3A_321 : i32
        %jit3A_323 = arith.constant 1 : i32
        %select_n3A_324 = arith.select %eq3A_322, %jit3A_323, %jit3A_320 : i32
        %rem3A_325 = arith.remsi %scan3A_247, %select_n3A_324 : i32
        %ne3A_326 = arith.constant 0 : i32
        %ne3A_327 = arith.cmpi ne, %rem3A_325, %ne3A_326 : i32
        %lt3A_328 = arith.constant 0 : i32
        %lt3A_329 = arith.cmpi slt, %rem3A_325, %lt3A_328 : i32
        %lt3A_330 = arith.constant 0 : i32
        %lt3A_331 = arith.cmpi slt, %select_n3A_324, %lt3A_330 : i32
        %ne3A_332 = arith.xori %lt3A_329, %lt3A_331 : i1
        %and3A_333 = arith.andi %ne3A_332, %ne3A_327 : i1
        %add3A_334 = arith.addi %rem3A_325, %select_n3A_324 : i32
        %select_n3A_335 = arith.select %and3A_333, %add3A_334, %rem3A_325 : i32
        %mul3A_336 = arith.constant 16 : i32
        %mul3A_337 = arith.muli %scan3A_319, %mul3A_336 : i32
        %get3A = arith.index_cast %select_n3A_335 : i32 to index
        %get3A_338 = arith.index_cast %mul3A_337 : i32 to index
        %get3A_339 = tpu.vector_load %arg9[%get3A, %get3A_338] {strides = array<i32>} : memref<5x80xf32, #tpu.memory_space<vmem>>, vector<1x16xf32>,
        %get3A_340 = vector.shape_cast %get3A_339 : vector<1x16xf32> to vector<16xf32>
        %mul3A_341 = arith.constant 16 : i32
        %mul3A_342 = arith.muli %scan3A_319, %mul3A_341 : i32
        %add3A_343 = arith.addi %mul3A_259, %mul3A_342 : i32
        %add3A_344 = arith.constant 0 : i32
        %add3A_345 = arith.addi %add3A_343, %add3A_344 : i32
        %broadcast_in_dim3A_346 = arith.constant 0 : i32
        %broadcast_in_dim3A_347 = vector.broadcast %broadcast_in_dim3A_346 : i32 to vector<16x1xi32>
        %gather3A = vector.shape_cast %broadcast_in_dim3A_347 : vector<16x1xi32> to vector<16xi32>
        %gather3A_348 = tpu.dynamic_gather %get3A_340[%gather3A] in [0] : vector<16xf32>, vector<16xi32> -> vector<16xf32>
        %get3A_349 = arith.index_cast %add3A_345 : i32 to index
        %get3A_350 = arith.constant 0 : index
        %get3A_351 = tpu.vector_load %arg10[%get3A_349, %get3A_350] {strides = array<i32>} : memref<320x128xf32, #tpu.memory_space<vmem>>, vector<1x16xf32>,
        %get3A_352 = vector.shape_cast %get3A_351 : vector<1x16xf32> to vector<16xf32>
        %mul3A_353 = arith.mulf %get3A_352, %gather3A_348 : vector<16xf32>
        %swap3A = arith.index_cast %add3A_345 : i32 to index
        %swap3A_354 = arith.constant 0 : index
        %swap3A_355 = tpu.vector_load %arg10[%swap3A, %swap3A_354] {strides = array<i32>} : memref<320x128xf32, #tpu.memory_space<vmem>>, vector<1x16xf32>,
        %swap3A_356 = vector.shape_cast %swap3A_355 : vector<1x16xf32> to vector<16xf32>
        %swap3A_357 = vector.shape_cast %mul3A_353 : vector<16xf32> to vector<1x16xf32>
        tpu.vector_store %arg10[%swap3A, %swap3A_354], %swap3A_357 {strides = array<i32>} : memref<320x128xf32, #tpu.memory_space<vmem>>, vector<1x16xf32>,
        %get3A_358 = arith.index_cast %add3A_345 : i32 to index
        %get3A_359 = arith.constant 16 : index
        %get3A_360 = tpu.vector_load %arg10[%get3A_358, %get3A_359] {strides = array<i32>} : memref<320x128xf32, #tpu.memory_space<vmem>>, vector<1x16xf32>,
        %get3A_361 = vector.shape_cast %get3A_360 : vector<1x16xf32> to vector<16xf32>
        %mul3A_362 = arith.mulf %get3A_361, %gather3A_348 : vector<16xf32>
        %swap3A_363 = arith.index_cast %add3A_345 : i32 to index
        %swap3A_364 = arith.constant 16 : index
        %swap3A_365 = tpu.vector_load %arg10[%swap3A_363, %swap3A_364] {strides = array<i32>} : memref<320x128xf32, #tpu.memory_space<vmem>>, vector<1x16xf32>,
        %swap3A_366 = vector.shape_cast %swap3A_365 : vector<1x16xf32> to vector<16xf32>
        %swap3A_367 = vector.shape_cast %mul3A_362 : vector<16xf32> to vector<1x16xf32>
        tpu.vector_store %arg10[%swap3A_363, %swap3A_364], %swap3A_367 {strides = array<i32>} : memref<320x128xf32, #tpu.memory_space<vmem>>, vector<1x16xf32>,
        %get3A_368 = arith.index_cast %add3A_345 : i32 to index
        %get3A_369 = arith.constant 32 : index
        %get3A_370 = tpu.vector_load %arg10[%get3A_368, %get3A_369] {strides = array<i32>} : memref<320x128xf32, #tpu.memory_space<vmem>>, vector<1x16xf32>,
        %get3A_371 = vector.shape_cast %get3A_370 : vector<1x16xf32> to vector<16xf32>
        %mul3A_372 = arith.mulf %get3A_371, %gather3A_348 : vector<16xf32>
        %swap3A_373 = arith.index_cast %add3A_345 : i32 to index
        %swap3A_374 = arith.constant 32 : index
        %swap3A_375 = tpu.vector_load %arg10[%swap3A_373, %swap3A_374] {strides = array<i32>} : memref<320x128xf32, #tpu.memory_space<vmem>>, vector<1x16xf32>,
        %swap3A_376 = vector.shape_cast %swap3A_375 : vector<1x16xf32> to vector<16xf32>
        %swap3A_377 = vector.shape_cast %mul3A_372 : vector<16xf32> to vector<1x16xf32>
        tpu.vector_store %arg10[%swap3A_373, %swap3A_374], %swap3A_377 {strides = array<i32>} : memref<320x128xf32, #tpu.memory_space<vmem>>, vector<1x16xf32>,
        %get3A_378 = arith.index_cast %add3A_345 : i32 to index
        %get3A_379 = arith.constant 48 : index
        %get3A_380 = tpu.vector_load %arg10[%get3A_378, %get3A_379] {strides = array<i32>} : memref<320x128xf32, #tpu.memory_space<vmem>>, vector<1x16xf32>,
        %get3A_381 = vector.shape_cast %get3A_380 : vector<1x16xf32> to vector<16xf32>
        %mul3A_382 = arith.mulf %get3A_381, %gather3A_348 : vector<16xf32>
        %swap3A_383 = arith.index_cast %add3A_345 : i32 to index
        %swap3A_384 = arith.constant 48 : index
        %swap3A_385 = tpu.vector_load %arg10[%swap3A_383, %swap3A_384] {strides = array<i32>} : memref<320x128xf32, #tpu.memory_space<vmem>>, vector<1x16xf32>,
        %swap3A_386 = vector.shape_cast %swap3A_385 : vector<1x16xf32> to vector<16xf32>
        %swap3A_387 = vector.shape_cast %mul3A_382 : vector<16xf32> to vector<1x16xf32>
        tpu.vector_store %arg10[%swap3A_383, %swap3A_384], %swap3A_387 {strides = array<i32>} : memref<320x128xf32, #tpu.memory_space<vmem>>, vector<1x16xf32>,
        %get3A_388 = arith.index_cast %add3A_345 : i32 to index
        %get3A_389 = arith.constant 64 : index
        %get3A_390 = tpu.vector_load %arg10[%get3A_388, %get3A_389] {strides = array<i32>} : memref<320x128xf32, #tpu.memory_space<vmem>>, vector<1x16xf32>,
        %get3A_391 = vector.shape_cast %get3A_390 : vector<1x16xf32> to vector<16xf32>
        %mul3A_392 = arith.mulf %get3A_391, %gather3A_348 : vector<16xf32>
        %swap3A_393 = arith.index_cast %add3A_345 : i32 to index
        %swap3A_394 = arith.constant 64 : index
        %swap3A_395 = tpu.vector_load %arg10[%swap3A_393, %swap3A_394] {strides = array<i32>} : memref<320x128xf32, #tpu.memory_space<vmem>>, vector<1x16xf32>,
        %swap3A_396 = vector.shape_cast %swap3A_395 : vector<1x16xf32> to vector<16xf32>
        %swap3A_397 = vector.shape_cast %mul3A_392 : vector<16xf32> to vector<1x16xf32>
        tpu.vector_store %arg10[%swap3A_393, %swap3A_394], %swap3A_397 {strides = array<i32>} : memref<320x128xf32, #tpu.memory_space<vmem>>, vector<1x16xf32>,
        %get3A_398 = arith.index_cast %add3A_345 : i32 to index
        %get3A_399 = arith.constant 80 : index
        %get3A_400 = tpu.vector_load %arg10[%get3A_398, %get3A_399] {strides = array<i32>} : memref<320x128xf32, #tpu.memory_space<vmem>>, vector<1x16xf32>,
        %get3A_401 = vector.shape_cast %get3A_400 : vector<1x16xf32> to vector<16xf32>
        %mul3A_402 = arith.mulf %get3A_401, %gather3A_348 : vector<16xf32>
        %swap3A_403 = arith.index_cast %add3A_345 : i32 to index
        %swap3A_404 = arith.constant 80 : index
        %swap3A_405 = tpu.vector_load %arg10[%swap3A_403, %swap3A_404] {strides = array<i32>} : memref<320x128xf32, #tpu.memory_space<vmem>>, vector<1x16xf32>,
        %swap3A_406 = vector.shape_cast %swap3A_405 : vector<1x16xf32> to vector<16xf32>
        %swap3A_407 = vector.shape_cast %mul3A_402 : vector<16xf32> to vector<1x16xf32>
        tpu.vector_store %arg10[%swap3A_403, %swap3A_404], %swap3A_407 {strides = array<i32>} : memref<320x128xf32, #tpu.memory_space<vmem>>, vector<1x16xf32>,
        %get3A_408 = arith.index_cast %add3A_345 : i32 to index
        %get3A_409 = arith.constant 96 : index
        %get3A_410 = tpu.vector_load %arg10[%get3A_408, %get3A_409] {strides = array<i32>} : memref<320x128xf32, #tpu.memory_space<vmem>>, vector<1x16xf32>,
        %get3A_411 = vector.shape_cast %get3A_410 : vector<1x16xf32> to vector<16xf32>
        %mul3A_412 = arith.mulf %get3A_411, %gather3A_348 : vector<16xf32>
        %swap3A_413 = arith.index_cast %add3A_345 : i32 to index
        %swap3A_414 = arith.constant 96 : index
        %swap3A_415 = tpu.vector_load %arg10[%swap3A_413, %swap3A_414] {strides = array<i32>} : memref<320x128xf32, #tpu.memory_space<vmem>>, vector<1x16xf32>,
        %swap3A_416 = vector.shape_cast %swap3A_415 : vector<1x16xf32> to vector<16xf32>
        %swap3A_417 = vector.shape_cast %mul3A_412 : vector<16xf32> to vector<1x16xf32>
        tpu.vector_store %arg10[%swap3A_413, %swap3A_414], %swap3A_417 {strides = array<i32>} : memref<320x128xf32, #tpu.memory_space<vmem>>, vector<1x16xf32>,
        %get3A_418 = arith.index_cast %add3A_345 : i32 to index
        %get3A_419 = arith.constant 112 : index
        %get3A_420 = tpu.vector_load %arg10[%get3A_418, %get3A_419] {strides = array<i32>} : memref<320x128xf32, #tpu.memory_space<vmem>>, vector<1x16xf32>,
        %get3A_421 = vector.shape_cast %get3A_420 : vector<1x16xf32> to vector<16xf32>
        %mul3A_422 = arith.mulf %get3A_421, %gather3A_348 : vector<16xf32>
        %swap3A_423 = arith.index_cast %add3A_345 : i32 to index
        %swap3A_424 = arith.constant 112 : index
        %swap3A_425 = tpu.vector_load %arg10[%swap3A_423, %swap3A_424] {strides = array<i32>} : memref<320x128xf32, #tpu.memory_space<vmem>>, vector<1x16xf32>,
        %swap3A_426 = vector.shape_cast %swap3A_425 : vector<1x16xf32> to vector<16xf32>
        %swap3A_427 = vector.shape_cast %mul3A_422 : vector<16xf32> to vector<1x16xf32>
        tpu.vector_store %arg10[%swap3A_423, %swap3A_424], %swap3A_427 {strides = array<i32>} : memref<320x128xf32, #tpu.memory_space<vmem>>, vector<1x16xf32>,
        %mul3A_428 = arith.constant 16 : i32
        %mul3A_429 = arith.muli %scan3A_319, %mul3A_428 : i32
        %add3A_430 = arith.addi %mul3A_259, %mul3A_429 : i32
        %add3A_431 = arith.constant 1 : i32
        %add3A_432 = arith.addi %add3A_430, %add3A_431 : i32
        %broadcast_in_dim3A_433 = arith.constant 1 : i32
        %broadcast_in_dim3A_434 = vector.broadcast %broadcast_in_dim3A_433 : i32 to vector<16x1xi32>
        %gather3A_435 = vector.shape_cast %broadcast_in_dim3A_434 : vector<16x1xi32> to vector<16xi32>
        %gather3A_436 = tpu.dynamic_gather %get3A_340[%gather3A_435] in [0] : vector<16xf32>, vector<16xi32> -> vector<16xf32>
        %get3A_437 = arith.index_cast %add3A_432 : i32 to index
        %get3A_438 = arith.constant 0 : index
        %get3A_439 = tpu.vector_load %arg10[%get3A_437, %get3A_438] {strides = array<i32>} : memref<320x128xf32, #tpu.memory_space<vmem>>, vector<1x16xf32>,
        %get3A_440 = vector.shape_cast %get3A_439 : vector<1x16xf32> to vector<16xf32>
        %mul3A_441 = arith.mulf %get3A_440, %gather3A_436 : vector<16xf32>
        %swap3A_442 = arith.index_cast %add3A_432 : i32 to index
        %swap3A_443 = arith.constant 0 : index
        %swap3A_444 = tpu.vector_load %arg10[%swap3A_442, %swap3A_443] {strides = array<i32>} : memref<320x128xf32, #tpu.memory_space<vmem>>, vector<1x16xf32>,
        %swap3A_445 = vector.shape_cast %swap3A_444 : vector<1x16xf32> to vector<16xf32>
        %swap3A_446 = vector.shape_cast %mul3A_441 : vector<16xf32> to vector<1x16xf32>
        tpu.vector_store %arg10[%swap3A_442, %swap3A_443], %swap3A_446 {strides = array<i32>} : memref<320x128xf32, #tpu.memory_space<vmem>>, vector<1x16xf32>,
        %get3A_447 = arith.index_cast %add3A_432 : i32 to index
        %get3A_448 = arith.constant 16 : index
        %get3A_449 = tpu.vector_load %arg10[%get3A_447, %get3A_448] {strides = array<i32>} : memref<320x128xf32, #tpu.memory_space<vmem>>, vector<1x16xf32>,
        %get3A_450 = vector.shape_cast %get3A_449 : vector<1x16xf32> to vector<16xf32>
        %mul3A_451 = arith.mulf %get3A_450, %gather3A_436 : vector<16xf32>
        %swap3A_452 = arith.index_cast %add3A_432 : i32 to index
        %swap3A_453 = arith.constant 16 : index
        %swap3A_454 = tpu.vector_load %arg10[%swap3A_452, %swap3A_453] {strides = array<i32>} : memref<320x128xf32, #tpu.memory_space<vmem>>, vector<1x16xf32>,
        %swap3A_455 = vector.shape_cast %swap3A_454 : vector<1x16xf32> to vector<16xf32>
        %swap3A_456 = vector.shape_cast %mul3A_451 : vector<16xf32> to vector<1x16xf32>
        tpu.vector_store %arg10[%swap3A_452, %swap3A_453], %swap3A_456 {strides = array<i32>} : memref<320x128xf32, #tpu.memory_space<vmem>>, vector<1x16xf32>,
        %get3A_457 = arith.index_cast %add3A_432 : i32 to index
        %get3A_458 = arith.constant 32 : index
        %get3A_459 = tpu.vector_load %arg10[%get3A_457, %get3A_458] {strides = array<i32>} : memref<320x128xf32, #tpu.memory_space<vmem>>, vector<1x16xf32>,
        %get3A_460 = vector.shape_cast %get3A_459 : vector<1x16xf32> to vector<16xf32>
        %mul3A_461 = arith.mulf %get3A_460, %gather3A_436 : vector<16xf32>
        %swap3A_462 = arith.index_cast %add3A_432 : i32 to index
        %swap3A_463 = arith.constant 32 : index
        %swap3A_464 = tpu.vector_load %arg10[%swap3A_462, %swap3A_463] {strides = array<i32>} : memref<320x128xf32, #tpu.memory_space<vmem>>, vector<1x16xf32>,
        %swap3A_465 = vector.shape_cast %swap3A_464 : vector<1x16xf32> to vector<16xf32>
        %swap3A_466 = vector.shape_cast %mul3A_461 : vector<16xf32> to vector<1x16xf32>
        tpu.vector_store %arg10[%swap3A_462, %swap3A_463], %swap3A_466 {strides = array<i32>} : memref<320x128xf32, #tpu.memory_space<vmem>>, vector<1x16xf32>,
        %get3A_467 = arith.index_cast %add3A_432 : i32 to index
        %get3A_468 = arith.constant 48 : index
        %get3A_469 = tpu.vector_load %arg10[%get3A_467, %get3A_468] {strides = array<i32>} : memref<320x128xf32, #tpu.memory_space<vmem>>, vector<1x16xf32>,
        %get3A_470 = vector.shape_cast %get3A_469 : vector<1x16xf32> to vector<16xf32>
        %mul3A_471 = arith.mulf %get3A_470, %gather3A_436 : vector<16xf32>
        %swap3A_472 = arith.index_cast %add3A_432 : i32 to index
        %swap3A_473 = arith.constant 48 : index
        %swap3A_474 = tpu.vector_load %arg10[%swap3A_472, %swap3A_473] {strides = array<i32>} : memref<320x128xf32, #tpu.memory_space<vmem>>, vector<1x16xf32>,
        %swap3A_475 = vector.shape_cast %swap3A_474 : vector<1x16xf32> to vector<16xf32>
        %swap3A_476 = vector.shape_cast %mul3A_471 : vector<16xf32> to vector<1x16xf32>
        tpu.vector_store %arg10[%swap3A_472, %swap3A_473], %swap3A_476 {strides = array<i32>} : memref<320x128xf32, #tpu.memory_space<vmem>>, vector<1x16xf32>,
        %get3A_477 = arith.index_cast %add3A_432 : i32 to index
        %get3A_478 = arith.constant 64 : index
        %get3A_479 = tpu.vector_load %arg10[%get3A_477, %get3A_478] {strides = array<i32>} : memref<320x128xf32, #tpu.memory_space<vmem>>, vector<1x16xf32>,
        %get3A_480 = vector.shape_cast %get3A_479 : vector<1x16xf32> to vector<16xf32>
        %mul3A_481 = arith.mulf %get3A_480, %gather3A_436 : vector<16xf32>
        %swap3A_482 = arith.index_cast %add3A_432 : i32 to index
        %swap3A_483 = arith.constant 64 : index
        %swap3A_484 = tpu.vector_load %arg10[%swap3A_482, %swap3A_483] {strides = array<i32>} : memref<320x128xf32, #tpu.memory_space<vmem>>, vector<1x16xf32>,
        %swap3A_485 = vector.shape_cast %swap3A_484 : vector<1x16xf32> to vector<16xf32>
        %swap3A_486 = vector.shape_cast %mul3A_481 : vector<16xf32> to vector<1x16xf32>
        tpu.vector_store %arg10[%swap3A_482, %swap3A_483], %swap3A_486 {strides = array<i32>} : memref<320x128xf32, #tpu.memory_space<vmem>>, vector<1x16xf32>,
        %get3A_487 = arith.index_cast %add3A_432 : i32 to index
        %get3A_488 = arith.constant 80 : index
        %get3A_489 = tpu.vector_load %arg10[%get3A_487, %get3A_488] {strides = array<i32>} : memref<320x128xf32, #tpu.memory_space<vmem>>, vector<1x16xf32>,
        %get3A_490 = vector.shape_cast %get3A_489 : vector<1x16xf32> to vector<16xf32>
        %mul3A_491 = arith.mulf %get3A_490, %gather3A_436 : vector<16xf32>
        %swap3A_492 = arith.index_cast %add3A_432 : i32 to index
        %swap3A_493 = arith.constant 80 : index
        %swap3A_494 = tpu.vector_load %arg10[%swap3A_492, %swap3A_493] {strides = array<i32>} : memref<320x128xf32, #tpu.memory_space<vmem>>, vector<1x16xf32>,
        %swap3A_495 = vector.shape_cast %swap3A_494 : vector<1x16xf32> to vector<16xf32>
        %swap3A_496 = vector.shape_cast %mul3A_491 : vector<16xf32> to vector<1x16xf32>
        tpu.vector_store %arg10[%swap3A_492, %swap3A_493], %swap3A_496 {strides = array<i32>} : memref<320x128xf32, #tpu.memory_space<vmem>>, vector<1x16xf32>,
        %get3A_497 = arith.index_cast %add3A_432 : i32 to index
        %get3A_498 = arith.constant 96 : index
        %get3A_499 = tpu.vector_load %arg10[%get3A_497, %get3A_498] {strides = array<i32>} : memref<320x128xf32, #tpu.memory_space<vmem>>, vector<1x16xf32>,
        %get3A_500 = vector.shape_cast %get3A_499 : vector<1x16xf32> to vector<16xf32>
        %mul3A_501 = arith.mulf %get3A_500, %gather3A_436 : vector<16xf32>
        %swap3A_502 = arith.index_cast %add3A_432 : i32 to index
        %swap3A_503 = arith.constant 96 : index
        %swap3A_504 = tpu.vector_load %arg10[%swap3A_502, %swap3A_503] {strides = array<i32>} : memref<320x128xf32, #tpu.memory_space<vmem>>, vector<1x16xf32>,
        %swap3A_505 = vector.shape_cast %swap3A_504 : vector<1x16xf32> to vector<16xf32>
        %swap3A_506 = vector.shape_cast %mul3A_501 : vector<16xf32> to vector<1x16xf32>
        tpu.vector_store %arg10[%swap3A_502, %swap3A_503], %swap3A_506 {strides = array<i32>} : memref<320x128xf32, #tpu.memory_space<vmem>>, vector<1x16xf32>,
        %get3A_507 = arith.index_cast %add3A_432 : i32 to index
        %get3A_508 = arith.constant 112 : index
        %get3A_509 = tpu.vector_load %arg10[%get3A_507, %get3A_508] {strides = array<i32>} : memref<320x128xf32, #tpu.memory_space<vmem>>, vector<1x16xf32>,
        %get3A_510 = vector.shape_cast %get3A_509 : vector<1x16xf32> to vector<16xf32>
        %mul3A_511 = arith.mulf %get3A_510, %gather3A_436 : vector<16xf32>
        %swap3A_512 = arith.index_cast %add3A_432 : i32 to index
        %swap3A_513 = arith.constant 112 : index
        %swap3A_514 = tpu.vector_load %arg10[%swap3A_512, %swap3A_513] {strides = array<i32>} : memref<320x128xf32, #tpu.memory_space<vmem>>, vector<1x16xf32>,
        %swap3A_515 = vector.shape_cast %swap3A_514 : vector<1x16xf32> to vector<16xf32>
        %swap3A_516 = vector.shape_cast %mul3A_511 : vector<16xf32> to vector<1x16xf32>
        tpu.vector_store %arg10[%swap3A_512, %swap3A_513], %swap3A_516 {strides = array<i32>} : memref<320x128xf32, #tpu.memory_space<vmem>>, vector<1x16xf32>,
        %mul3A_517 = arith.constant 16 : i32
        %mul3A_518 = arith.muli %scan3A_319, %mul3A_517 : i32
        %add3A_519 = arith.addi %mul3A_259, %mul3A_518 : i32
        %add3A_520 = arith.constant 2 : i32
        %add3A_521 = arith.addi %add3A_519, %add3A_520 : i32
        %broadcast_in_dim3A_522 = arith.constant 2 : i32
        %broadcast_in_dim3A_523 = vector.broadcast %broadcast_in_dim3A_522 : i32 to vector<16x1xi32>
        %gather3A_524 = vector.shape_cast %broadcast_in_dim3A_523 : vector<16x1xi32> to vector<16xi32>
        %gather3A_525 = tpu.dynamic_gather %get3A_340[%gather3A_524] in [0] : vector<16xf32>, vector<16xi32> -> vector<16xf32>
        %get3A_526 = arith.index_cast %add3A_521 : i32 to index
        %get3A_527 = arith.constant 0 : index
        %get3A_528 = tpu.vector_load %arg10[%get3A_526, %get3A_527] {strides = array<i32>} : memref<320x128xf32, #tpu.memory_space<vmem>>, vector<1x16xf32>,
        %get3A_529 = vector.shape_cast %get3A_528 : vector<1x16xf32> to vector<16xf32>
        %mul3A_530 = arith.mulf %get3A_529, %gather3A_525 : vector<16xf32>
        %swap3A_531 = arith.index_cast %add3A_521 : i32 to index
        %swap3A_532 = arith.constant 0 : index
        %swap3A_533 = tpu.vector_load %arg10[%swap3A_531, %swap3A_532] {strides = array<i32>} : memref<320x128xf32, #tpu.memory_space<vmem>>, vector<1x16xf32>,
        %swap3A_534 = vector.shape_cast %swap3A_533 : vector<1x16xf32> to vector<16xf32>
        %swap3A_535 = vector.shape_cast %mul3A_530 : vector<16xf32> to vector<1x16xf32>
        tpu.vector_store %arg10[%swap3A_531, %swap3A_532], %swap3A_535 {strides = array<i32>} : memref<320x128xf32, #tpu.memory_space<vmem>>, vector<1x16xf32>,
        %get3A_536 = arith.index_cast %add3A_521 : i32 to index
        %get3A_537 = arith.constant 16 : index
        %get3A_538 = tpu.vector_load %arg10[%get3A_536, %get3A_537] {strides = array<i32>} : memref<320x128xf32, #tpu.memory_space<vmem>>, vector<1x16xf32>,
        %get3A_539 = vector.shape_cast %get3A_538 : vector<1x16xf32> to vector<16xf32>
        %mul3A_540 = arith.mulf %get3A_539, %gather3A_525 : vector<16xf32>
        %swap3A_541 = arith.index_cast %add3A_521 : i32 to index
        %swap3A_542 = arith.constant 16 : index
        %swap3A_543 = tpu.vector_load %arg10[%swap3A_541, %swap3A_542] {strides = array<i32>} : memref<320x128xf32, #tpu.memory_space<vmem>>, vector<1x16xf32>,
        %swap3A_544 = vector.shape_cast %swap3A_543 : vector<1x16xf32> to vector<16xf32>
        %swap3A_545 = vector.shape_cast %mul3A_540 : vector<16xf32> to vector<1x16xf32>
        tpu.vector_store %arg10[%swap3A_541, %swap3A_542], %swap3A_545 {strides = array<i32>} : memref<320x128xf32, #tpu.memory_space<vmem>>, vector<1x16xf32>,
        %get3A_546 = arith.index_cast %add3A_521 : i32 to index
        %get3A_547 = arith.constant 32 : index
        %get3A_548 = tpu.vector_load %arg10[%get3A_546, %get3A_547] {strides = array<i32>} : memref<320x128xf32, #tpu.memory_space<vmem>>, vector<1x16xf32>,
        %get3A_549 = vector.shape_cast %get3A_548 : vector<1x16xf32> to vector<16xf32>
        %mul3A_550 = arith.mulf %get3A_549, %gather3A_525 : vector<16xf32>
        %swap3A_551 = arith.index_cast %add3A_521 : i32 to index
        %swap3A_552 = arith.constant 32 : index
        %swap3A_553 = tpu.vector_load %arg10[%swap3A_551, %swap3A_552] {strides = array<i32>} : memref<320x128xf32, #tpu.memory_space<vmem>>, vector<1x16xf32>,
        %swap3A_554 = vector.shape_cast %swap3A_553 : vector<1x16xf32> to vector<16xf32>
        %swap3A_555 = vector.shape_cast %mul3A_550 : vector<16xf32> to vector<1x16xf32>
        tpu.vector_store %arg10[%swap3A_551, %swap3A_552], %swap3A_555 {strides = array<i32>} : memref<320x128xf32, #tpu.memory_space<vmem>>, vector<1x16xf32>,
        %get3A_556 = arith.index_cast %add3A_521 : i32 to index
        %get3A_557 = arith.constant 48 : index
        %get3A_558 = tpu.vector_load %arg10[%get3A_556, %get3A_557] {strides = array<i32>} : memref<320x128xf32, #tpu.memory_space<vmem>>, vector<1x16xf32>,
        %get3A_559 = vector.shape_cast %get3A_558 : vector<1x16xf32> to vector<16xf32>
        %mul3A_560 = arith.mulf %get3A_559, %gather3A_525 : vector<16xf32>
        %swap3A_561 = arith.index_cast %add3A_521 : i32 to index
        %swap3A_562 = arith.constant 48 : index
        %swap3A_563 = tpu.vector_load %arg10[%swap3A_561, %swap3A_562] {strides = array<i32>} : memref<320x128xf32, #tpu.memory_space<vmem>>, vector<1x16xf32>,
        %swap3A_564 = vector.shape_cast %swap3A_563 : vector<1x16xf32> to vector<16xf32>
        %swap3A_565 = vector.shape_cast %mul3A_560 : vector<16xf32> to vector<1x16xf32>
        tpu.vector_store %arg10[%swap3A_561, %swap3A_562], %swap3A_565 {strides = array<i32>} : memref<320x128xf32, #tpu.memory_space<vmem>>, vector<1x16xf32>,
        %get3A_566 = arith.index_cast %add3A_521 : i32 to index
        %get3A_567 = arith.constant 64 : index
        %get3A_568 = tpu.vector_load %arg10[%get3A_566, %get3A_567] {strides = array<i32>} : memref<320x128xf32, #tpu.memory_space<vmem>>, vector<1x16xf32>,
        %get3A_569 = vector.shape_cast %get3A_568 : vector<1x16xf32> to vector<16xf32>
        %mul3A_570 = arith.mulf %get3A_569, %gather3A_525 : vector<16xf32>
        %swap3A_571 = arith.index_cast %add3A_521 : i32 to index
        %swap3A_572 = arith.constant 64 : index
        %swap3A_573 = tpu.vector_load %arg10[%swap3A_571, %swap3A_572] {strides = array<i32>} : memref<320x128xf32, #tpu.memory_space<vmem>>, vector<1x16xf32>,
        %swap3A_574 = vector.shape_cast %swap3A_573 : vector<1x16xf32> to vector<16xf32>
        %swap3A_575 = vector.shape_cast %mul3A_570 : vector<16xf32> to vector<1x16xf32>
        tpu.vector_store %arg10[%swap3A_571, %swap3A_572], %swap3A_575 {strides = array<i32>} : memref<320x128xf32, #tpu.memory_space<vmem>>, vector<1x16xf32>,
        %get3A_576 = arith.index_cast %add3A_521 : i32 to index
        %get3A_577 = arith.constant 80 : index
        %get3A_578 = tpu.vector_load %arg10[%get3A_576, %get3A_577] {strides = array<i32>} : memref<320x128xf32, #tpu.memory_space<vmem>>, vector<1x16xf32>,
        %get3A_579 = vector.shape_cast %get3A_578 : vector<1x16xf32> to vector<16xf32>
        %mul3A_580 = arith.mulf %get3A_579, %gather3A_525 : vector<16xf32>
        %swap3A_581 = arith.index_cast %add3A_521 : i32 to index
        %swap3A_582 = arith.constant 80 : index
        %swap3A_583 = tpu.vector_load %arg10[%swap3A_581, %swap3A_582] {strides = array<i32>} : memref<320x128xf32, #tpu.memory_space<vmem>>, vector<1x16xf32>,
        %swap3A_584 = vector.shape_cast %swap3A_583 : vector<1x16xf32> to vector<16xf32>
        %swap3A_585 = vector.shape_cast %mul3A_580 : vector<16xf32> to vector<1x16xf32>
        tpu.vector_store %arg10[%swap3A_581, %swap3A_582], %swap3A_585 {strides = array<i32>} : memref<320x128xf32, #tpu.memory_space<vmem>>, vector<1x16xf32>,
        %get3A_586 = arith.index_cast %add3A_521 : i32 to index
        %get3A_587 = arith.constant 96 : index
        %get3A_588 = tpu.vector_load %arg10[%get3A_586, %get3A_587] {strides = array<i32>} : memref<320x128xf32, #tpu.memory_space<vmem>>, vector<1x16xf32>,
        %get3A_589 = vector.shape_cast %get3A_588 : vector<1x16xf32> to vector<16xf32>
        %mul3A_590 = arith.mulf %get3A_589, %gather3A_525 : vector<16xf32>
        %swap3A_591 = arith.index_cast %add3A_521 : i32 to index
        %swap3A_592 = arith.constant 96 : index
        %swap3A_593 = tpu.vector_load %arg10[%swap3A_591, %swap3A_592] {strides = array<i32>} : memref<320x128xf32, #tpu.memory_space<vmem>>, vector<1x16xf32>,
        %swap3A_594 = vector.shape_cast %swap3A_593 : vector<1x16xf32> to vector<16xf32>
        %swap3A_595 = vector.shape_cast %mul3A_590 : vector<16xf32> to vector<1x16xf32>
        tpu.vector_store %arg10[%swap3A_591, %swap3A_592], %swap3A_595 {strides = array<i32>} : memref<320x128xf32, #tpu.memory_space<vmem>>, vector<1x16xf32>,
        %get3A_596 = arith.index_cast %add3A_521 : i32 to index
        %get3A_597 = arith.constant 112 : index
        %get3A_598 = tpu.vector_load %arg10[%get3A_596, %get3A_597] {strides = array<i32>} : memref<320x128xf32, #tpu.memory_space<vmem>>, vector<1x16xf32>,
        %get3A_599 = vector.shape_cast %get3A_598 : vector<1x16xf32> to vector<16xf32>
        %mul3A_600 = arith.mulf %get3A_599, %gather3A_525 : vector<16xf32>
        %swap3A_601 = arith.index_cast %add3A_521 : i32 to index
        %swap3A_602 = arith.constant 112 : index
        %swap3A_603 = tpu.vector_load %arg10[%swap3A_601, %swap3A_602] {strides = array<i32>} : memref<320x128xf32, #tpu.memory_space<vmem>>, vector<1x16xf32>,
        %swap3A_604 = vector.shape_cast %swap3A_603 : vector<1x16xf32> to vector<16xf32>
        %swap3A_605 = vector.shape_cast %mul3A_600 : vector<16xf32> to vector<1x16xf32>
        tpu.vector_store %arg10[%swap3A_601, %swap3A_602], %swap3A_605 {strides = array<i32>} : memref<320x128xf32, #tpu.memory_space<vmem>>, vector<1x16xf32>,
        %mul3A_606 = arith.constant 16 : i32
        %mul3A_607 = arith.muli %scan3A_319, %mul3A_606 : i32
        %add3A_608 = arith.addi %mul3A_259, %mul3A_607 : i32
        %add3A_609 = arith.constant 3 : i32
        %add3A_610 = arith.addi %add3A_608, %add3A_609 : i32
        %broadcast_in_dim3A_611 = arith.constant 3 : i32
        %broadcast_in_dim3A_612 = vector.broadcast %broadcast_in_dim3A_611 : i32 to vector<16x1xi32>
        %gather3A_613 = vector.shape_cast %broadcast_in_dim3A_612 : vector<16x1xi32> to vector<16xi32>
        %gather3A_614 = tpu.dynamic_gather %get3A_340[%gather3A_613] in [0] : vector<16xf32>, vector<16xi32> -> vector<16xf32>
        %get3A_615 = arith.index_cast %add3A_610 : i32 to index
        %get3A_616 = arith.constant 0 : index
        %get3A_617 = tpu.vector_load %arg10[%get3A_615, %get3A_616] {strides = array<i32>} : memref<320x128xf32, #tpu.memory_space<vmem>>, vector<1x16xf32>,
        %get3A_618 = vector.shape_cast %get3A_617 : vector<1x16xf32> to vector<16xf32>
        %mul3A_619 = arith.mulf %get3A_618, %gather3A_614 : vector<16xf32>
        %swap3A_620 = arith.index_cast %add3A_610 : i32 to index
        %swap3A_621 = arith.constant 0 : index
        %swap3A_622 = tpu.vector_load %arg10[%swap3A_620, %swap3A_621] {strides = array<i32>} : memref<320x128xf32, #tpu.memory_space<vmem>>, vector<1x16xf32>,
        %swap3A_623 = vector.shape_cast %swap3A_622 : vector<1x16xf32> to vector<16xf32>
        %swap3A_624 = vector.shape_cast %mul3A_619 : vector<16xf32> to vector<1x16xf32>
        tpu.vector_store %arg10[%swap3A_620, %swap3A_621], %swap3A_624 {strides = array<i32>} : memref<320x128xf32, #tpu.memory_space<vmem>>, vector<1x16xf32>,
        %get3A_625 = arith.index_cast %add3A_610 : i32 to index
        %get3A_626 = arith.constant 16 : index
        %get3A_627 = tpu.vector_load %arg10[%get3A_625, %get3A_626] {strides = array<i32>} : memref<320x128xf32, #tpu.memory_space<vmem>>, vector<1x16xf32>,
        %get3A_628 = vector.shape_cast %get3A_627 : vector<1x16xf32> to vector<16xf32>
        %mul3A_629 = arith.mulf %get3A_628, %gather3A_614 : vector<16xf32>
        %swap3A_630 = arith.index_cast %add3A_610 : i32 to index
        %swap3A_631 = arith.constant 16 : index
        %swap3A_632 = tpu.vector_load %arg10[%swap3A_630, %swap3A_631] {strides = array<i32>} : memref<320x128xf32, #tpu.memory_space<vmem>>, vector<1x16xf32>,
        %swap3A_633 = vector.shape_cast %swap3A_632 : vector<1x16xf32> to vector<16xf32>
        %swap3A_634 = vector.shape_cast %mul3A_629 : vector<16xf32> to vector<1x16xf32>
        tpu.vector_store %arg10[%swap3A_630, %swap3A_631], %swap3A_634 {strides = array<i32>} : memref<320x128xf32, #tpu.memory_space<vmem>>, vector<1x16xf32>,
        %get3A_635 = arith.index_cast %add3A_610 : i32 to index
        %get3A_636 = arith.constant 32 : index
        %get3A_637 = tpu.vector_load %arg10[%get3A_635, %get3A_636] {strides = array<i32>} : memref<320x128xf32, #tpu.memory_space<vmem>>, vector<1x16xf32>,
        %get3A_638 = vector.shape_cast %get3A_637 : vector<1x16xf32> to vector<16xf32>
        %mul3A_639 = arith.mulf %get3A_638, %gather3A_614 : vector<16xf32>
        %swap3A_640 = arith.index_cast %add3A_610 : i32 to index
        %swap3A_641 = arith.constant 32 : index
        %swap3A_642 = tpu.vector_load %arg10[%swap3A_640, %swap3A_641] {strides = array<i32>} : memref<320x128xf32, #tpu.memory_space<vmem>>, vector<1x16xf32>,
        %swap3A_643 = vector.shape_cast %swap3A_642 : vector<1x16xf32> to vector<16xf32>
        %swap3A_644 = vector.shape_cast %mul3A_639 : vector<16xf32> to vector<1x16xf32>
        tpu.vector_store %arg10[%swap3A_640, %swap3A_641], %swap3A_644 {strides = array<i32>} : memref<320x128xf32, #tpu.memory_space<vmem>>, vector<1x16xf32>,
        %get3A_645 = arith.index_cast %add3A_610 : i32 to index
        %get3A_646 = arith.constant 48 : index
        %get3A_647 = tpu.vector_load %arg10[%get3A_645, %get3A_646] {strides = array<i32>} : memref<320x128xf32, #tpu.memory_space<vmem>>, vector<1x16xf32>,
        %get3A_648 = vector.shape_cast %get3A_647 : vector<1x16xf32> to vector<16xf32>
        %mul3A_649 = arith.mulf %get3A_648, %gather3A_614 : vector<16xf32>
        %swap3A_650 = arith.index_cast %add3A_610 : i32 to index
        %swap3A_651 = arith.constant 48 : index
        %swap3A_652 = tpu.vector_load %arg10[%swap3A_650, %swap3A_651] {strides = array<i32>} : memref<320x128xf32, #tpu.memory_space<vmem>>, vector<1x16xf32>,
        %swap3A_653 = vector.shape_cast %swap3A_652 : vector<1x16xf32> to vector<16xf32>
        %swap3A_654 = vector.shape_cast %mul3A_649 : vector<16xf32> to vector<1x16xf32>
        tpu.vector_store %arg10[%swap3A_650, %swap3A_651], %swap3A_654 {strides = array<i32>} : memref<320x128xf32, #tpu.memory_space<vmem>>, vector<1x16xf32>,
        %get3A_655 = arith.index_cast %add3A_610 : i32 to index
        %get3A_656 = arith.constant 64 : index
        %get3A_657 = tpu.vector_load %arg10[%get3A_655, %get3A_656] {strides = array<i32>} : memref<320x128xf32, #tpu.memory_space<vmem>>, vector<1x16xf32>,
        %get3A_658 = vector.shape_cast %get3A_657 : vector<1x16xf32> to vector<16xf32>
        %mul3A_659 = arith.mulf %get3A_658, %gather3A_614 : vector<16xf32>
        %swap3A_660 = arith.index_cast %add3A_610 : i32 to index
        %swap3A_661 = arith.constant 64 : index
        %swap3A_662 = tpu.vector_load %arg10[%swap3A_660, %swap3A_661] {strides = array<i32>} : memref<320x128xf32, #tpu.memory_space<vmem>>, vector<1x16xf32>,
        %swap3A_663 = vector.shape_cast %swap3A_662 : vector<1x16xf32> to vector<16xf32>
        %swap3A_664 = vector.shape_cast %mul3A_659 : vector<16xf32> to vector<1x16xf32>
        tpu.vector_store %arg10[%swap3A_660, %swap3A_661], %swap3A_664 {strides = array<i32>} : memref<320x128xf32, #tpu.memory_space<vmem>>, vector<1x16xf32>,
        %get3A_665 = arith.index_cast %add3A_610 : i32 to index
        %get3A_666 = arith.constant 80 : index
        %get3A_667 = tpu.vector_load %arg10[%get3A_665, %get3A_666] {strides = array<i32>} : memref<320x128xf32, #tpu.memory_space<vmem>>, vector<1x16xf32>,
        %get3A_668 = vector.shape_cast %get3A_667 : vector<1x16xf32> to vector<16xf32>
        %mul3A_669 = arith.mulf %get3A_668, %gather3A_614 : vector<16xf32>
        %swap3A_670 = arith.index_cast %add3A_610 : i32 to index
        %swap3A_671 = arith.constant 80 : index
        %swap3A_672 = tpu.vector_load %arg10[%swap3A_670, %swap3A_671] {strides = array<i32>} : memref<320x128xf32, #tpu.memory_space<vmem>>, vector<1x16xf32>,
        %swap3A_673 = vector.shape_cast %swap3A_672 : vector<1x16xf32> to vector<16xf32>
        %swap3A_674 = vector.shape_cast %mul3A_669 : vector<16xf32> to vector<1x16xf32>
        tpu.vector_store %arg10[%swap3A_670, %swap3A_671], %swap3A_674 {strides = array<i32>} : memref<320x128xf32, #tpu.memory_space<vmem>>, vector<1x16xf32>,
        %get3A_675 = arith.index_cast %add3A_610 : i32 to index
        %get3A_676 = arith.constant 96 : index
        %get3A_677 = tpu.vector_load %arg10[%get3A_675, %get3A_676] {strides = array<i32>} : memref<320x128xf32, #tpu.memory_space<vmem>>, vector<1x16xf32>,
        %get3A_678 = vector.shape_cast %get3A_677 : vector<1x16xf32> to vector<16xf32>
        %mul3A_679 = arith.mulf %get3A_678, %gather3A_614 : vector<16xf32>
        %swap3A_680 = arith.index_cast %add3A_610 : i32 to index
        %swap3A_681 = arith.constant 96 : index
        %swap3A_682 = tpu.vector_load %arg10[%swap3A_680, %swap3A_681] {strides = array<i32>} : memref<320x128xf32, #tpu.memory_space<vmem>>, vector<1x16xf32>,
        %swap3A_683 = vector.shape_cast %swap3A_682 : vector<1x16xf32> to vector<16xf32>
        %swap3A_684 = vector.shape_cast %mul3A_679 : vector<16xf32> to vector<1x16xf32>
        tpu.vector_store %arg10[%swap3A_680, %swap3A_681], %swap3A_684 {strides = array<i32>} : memref<320x128xf32, #tpu.memory_space<vmem>>, vector<1x16xf32>,
        %get3A_685 = arith.index_cast %add3A_610 : i32 to index
        %get3A_686 = arith.constant 112 : index
        %get3A_687 = tpu.vector_load %arg10[%get3A_685, %get3A_686] {strides = array<i32>} : memref<320x128xf32, #tpu.memory_space<vmem>>, vector<1x16xf32>,
        %get3A_688 = vector.shape_cast %get3A_687 : vector<1x16xf32> to vector<16xf32>
        %mul3A_689 = arith.mulf %get3A_688, %gather3A_614 : vector<16xf32>
        %swap3A_690 = arith.index_cast %add3A_610 : i32 to index
        %swap3A_691 = arith.constant 112 : index
        %swap3A_692 = tpu.vector_load %arg10[%swap3A_690, %swap3A_691] {strides = array<i32>} : memref<320x128xf32, #tpu.memory_space<vmem>>, vector<1x16xf32>,
        %swap3A_693 = vector.shape_cast %swap3A_692 : vector<1x16xf32> to vector<16xf32>
        %swap3A_694 = vector.shape_cast %mul3A_689 : vector<16xf32> to vector<1x16xf32>
        tpu.vector_store %arg10[%swap3A_690, %swap3A_691], %swap3A_694 {strides = array<i32>} : memref<320x128xf32, #tpu.memory_space<vmem>>, vector<1x16xf32>,
        %mul3A_695 = arith.constant 16 : i32
        %mul3A_696 = arith.muli %scan3A_319, %mul3A_695 : i32
        %add3A_697 = arith.addi %mul3A_259, %mul3A_696 : i32
        %add3A_698 = arith.constant 4 : i32
        %add3A_699 = arith.addi %add3A_697, %add3A_698 : i32
        %broadcast_in_dim3A_700 = arith.constant 4 : i32
        %broadcast_in_dim3A_701 = vector.broadcast %broadcast_in_dim3A_700 : i32 to vector<16x1xi32>
        %gather3A_702 = vector.shape_cast %broadcast_in_dim3A_701 : vector<16x1xi32> to vector<16xi32>
        %gather3A_703 = tpu.dynamic_gather %get3A_340[%gather3A_702] in [0] : vector<16xf32>, vector<16xi32> -> vector<16xf32>
        %get3A_704 = arith.index_cast %add3A_699 : i32 to index
        %get3A_705 = arith.constant 0 : index
        %get3A_706 = tpu.vector_load %arg10[%get3A_704, %get3A_705] {strides = array<i32>} : memref<320x128xf32, #tpu.memory_space<vmem>>, vector<1x16xf32>,
        %get3A_707 = vector.shape_cast %get3A_706 : vector<1x16xf32> to vector<16xf32>
        %mul3A_708 = arith.mulf %get3A_707, %gather3A_703 : vector<16xf32>
        %swap3A_709 = arith.index_cast %add3A_699 : i32 to index
        %swap3A_710 = arith.constant 0 : index
        %swap3A_711 = tpu.vector_load %arg10[%swap3A_709, %swap3A_710] {strides = array<i32>} : memref<320x128xf32, #tpu.memory_space<vmem>>, vector<1x16xf32>,
        %swap3A_712 = vector.shape_cast %swap3A_711 : vector<1x16xf32> to vector<16xf32>
        %swap3A_713 = vector.shape_cast %mul3A_708 : vector<16xf32> to vector<1x16xf32>
        tpu.vector_store %arg10[%swap3A_709, %swap3A_710], %swap3A_713 {strides = array<i32>} : memref<320x128xf32, #tpu.memory_space<vmem>>, vector<1x16xf32>,
        %get3A_714 = arith.index_cast %add3A_699 : i32 to index
        %get3A_715 = arith.constant 16 : index
        %get3A_716 = tpu.vector_load %arg10[%get3A_714, %get3A_715] {strides = array<i32>} : memref<320x128xf32, #tpu.memory_space<vmem>>, vector<1x16xf32>,
        %get3A_717 = vector.shape_cast %get3A_716 : vector<1x16xf32> to vector<16xf32>
        %mul3A_718 = arith.mulf %get3A_717, %gather3A_703 : vector<16xf32>
        %swap3A_719 = arith.index_cast %add3A_699 : i32 to index
        %swap3A_720 = arith.constant 16 : index
        %swap3A_721 = tpu.vector_load %arg10[%swap3A_719, %swap3A_720] {strides = array<i32>} : memref<320x128xf32, #tpu.memory_space<vmem>>, vector<1x16xf32>,
        %swap3A_722 = vector.shape_cast %swap3A_721 : vector<1x16xf32> to vector<16xf32>
        %swap3A_723 = vector.shape_cast %mul3A_718 : vector<16xf32> to vector<1x16xf32>
        tpu.vector_store %arg10[%swap3A_719, %swap3A_720], %swap3A_723 {strides = array<i32>} : memref<320x128xf32, #tpu.memory_space<vmem>>, vector<1x16xf32>,
        %get3A_724 = arith.index_cast %add3A_699 : i32 to index
        %get3A_725 = arith.constant 32 : index
        %get3A_726 = tpu.vector_load %arg10[%get3A_724, %get3A_725] {strides = array<i32>} : memref<320x128xf32, #tpu.memory_space<vmem>>, vector<1x16xf32>,
        %get3A_727 = vector.shape_cast %get3A_726 : vector<1x16xf32> to vector<16xf32>
        %mul3A_728 = arith.mulf %get3A_727, %gather3A_703 : vector<16xf32>
        %swap3A_729 = arith.index_cast %add3A_699 : i32 to index
        %swap3A_730 = arith.constant 32 : index
        %swap3A_731 = tpu.vector_load %arg10[%swap3A_729, %swap3A_730] {strides = array<i32>} : memref<320x128xf32, #tpu.memory_space<vmem>>, vector<1x16xf32>,
        %swap3A_732 = vector.shape_cast %swap3A_731 : vector<1x16xf32> to vector<16xf32>
        %swap3A_733 = vector.shape_cast %mul3A_728 : vector<16xf32> to vector<1x16xf32>
        tpu.vector_store %arg10[%swap3A_729, %swap3A_730], %swap3A_733 {strides = array<i32>} : memref<320x128xf32, #tpu.memory_space<vmem>>, vector<1x16xf32>,
        %get3A_734 = arith.index_cast %add3A_699 : i32 to index
        %get3A_735 = arith.constant 48 : index
        %get3A_736 = tpu.vector_load %arg10[%get3A_734, %get3A_735] {strides = array<i32>} : memref<320x128xf32, #tpu.memory_space<vmem>>, vector<1x16xf32>,
        %get3A_737 = vector.shape_cast %get3A_736 : vector<1x16xf32> to vector<16xf32>
        %mul3A_738 = arith.mulf %get3A_737, %gather3A_703 : vector<16xf32>
        %swap3A_739 = arith.index_cast %add3A_699 : i32 to index
        %swap3A_740 = arith.constant 48 : index
        %swap3A_741 = tpu.vector_load %arg10[%swap3A_739, %swap3A_740] {strides = array<i32>} : memref<320x128xf32, #tpu.memory_space<vmem>>, vector<1x16xf32>,
        %swap3A_742 = vector.shape_cast %swap3A_741 : vector<1x16xf32> to vector<16xf32>
        %swap3A_743 = vector.shape_cast %mul3A_738 : vector<16xf32> to vector<1x16xf32>
        tpu.vector_store %arg10[%swap3A_739, %swap3A_740], %swap3A_743 {strides = array<i32>} : memref<320x128xf32, #tpu.memory_space<vmem>>, vector<1x16xf32>,
        %get3A_744 = arith.index_cast %add3A_699 : i32 to index
        %get3A_745 = arith.constant 64 : index
        %get3A_746 = tpu.vector_load %arg10[%get3A_744, %get3A_745] {strides = array<i32>} : memref<320x128xf32, #tpu.memory_space<vmem>>, vector<1x16xf32>,
        %get3A_747 = vector.shape_cast %get3A_746 : vector<1x16xf32> to vector<16xf32>
        %mul3A_748 = arith.mulf %get3A_747, %gather3A_703 : vector<16xf32>
        %swap3A_749 = arith.index_cast %add3A_699 : i32 to index
        %swap3A_750 = arith.constant 64 : index
        %swap3A_751 = tpu.vector_load %arg10[%swap3A_749, %swap3A_750] {strides = array<i32>} : memref<320x128xf32, #tpu.memory_space<vmem>>, vector<1x16xf32>,
        %swap3A_752 = vector.shape_cast %swap3A_751 : vector<1x16xf32> to vector<16xf32>
        %swap3A_753 = vector.shape_cast %mul3A_748 : vector<16xf32> to vector<1x16xf32>
        tpu.vector_store %arg10[%swap3A_749, %swap3A_750], %swap3A_753 {strides = array<i32>} : memref<320x128xf32, #tpu.memory_space<vmem>>, vector<1x16xf32>,
        %get3A_754 = arith.index_cast %add3A_699 : i32 to index
        %get3A_755 = arith.constant 80 : index
        %get3A_756 = tpu.vector_load %arg10[%get3A_754, %get3A_755] {strides = array<i32>} : memref<320x128xf32, #tpu.memory_space<vmem>>, vector<1x16xf32>,
        %get3A_757 = vector.shape_cast %get3A_756 : vector<1x16xf32> to vector<16xf32>
        %mul3A_758 = arith.mulf %get3A_757, %gather3A_703 : vector<16xf32>
        %swap3A_759 = arith.index_cast %add3A_699 : i32 to index
        %swap3A_760 = arith.constant 80 : index
        %swap3A_761 = tpu.vector_load %arg10[%swap3A_759, %swap3A_760] {strides = array<i32>} : memref<320x128xf32, #tpu.memory_space<vmem>>, vector<1x16xf32>,
        %swap3A_762 = vector.shape_cast %swap3A_761 : vector<1x16xf32> to vector<16xf32>
        %swap3A_763 = vector.shape_cast %mul3A_758 : vector<16xf32> to vector<1x16xf32>
        tpu.vector_store %arg10[%swap3A_759, %swap3A_760], %swap3A_763 {strides = array<i32>} : memref<320x128xf32, #tpu.memory_space<vmem>>, vector<1x16xf32>,
        %get3A_764 = arith.index_cast %add3A_699 : i32 to index
        %get3A_765 = arith.constant 96 : index
        %get3A_766 = tpu.vector_load %arg10[%get3A_764, %get3A_765] {strides = array<i32>} : memref<320x128xf32, #tpu.memory_space<vmem>>, vector<1x16xf32>,
        %get3A_767 = vector.shape_cast %get3A_766 : vector<1x16xf32> to vector<16xf32>
        %mul3A_768 = arith.mulf %get3A_767, %gather3A_703 : vector<16xf32>
        %swap3A_769 = arith.index_cast %add3A_699 : i32 to index
        %swap3A_770 = arith.constant 96 : index
        %swap3A_771 = tpu.vector_load %arg10[%swap3A_769, %swap3A_770] {strides = array<i32>} : memref<320x128xf32, #tpu.memory_space<vmem>>, vector<1x16xf32>,
        %swap3A_772 = vector.shape_cast %swap3A_771 : vector<1x16xf32> to vector<16xf32>
        %swap3A_773 = vector.shape_cast %mul3A_768 : vector<16xf32> to vector<1x16xf32>
        tpu.vector_store %arg10[%swap3A_769, %swap3A_770], %swap3A_773 {strides = array<i32>} : memref<320x128xf32, #tpu.memory_space<vmem>>, vector<1x16xf32>,
        %get3A_774 = arith.index_cast %add3A_699 : i32 to index
        %get3A_775 = arith.constant 112 : index
        %get3A_776 = tpu.vector_load %arg10[%get3A_774, %get3A_775] {strides = array<i32>} : memref<320x128xf32, #tpu.memory_space<vmem>>, vector<1x16xf32>,
        %get3A_777 = vector.shape_cast %get3A_776 : vector<1x16xf32> to vector<16xf32>
        %mul3A_778 = arith.mulf %get3A_777, %gather3A_703 : vector<16xf32>
        %swap3A_779 = arith.index_cast %add3A_699 : i32 to index
        %swap3A_780 = arith.constant 112 : index
        %swap3A_781 = tpu.vector_load %arg10[%swap3A_779, %swap3A_780] {strides = array<i32>} : memref<320x128xf32, #tpu.memory_space<vmem>>, vector<1x16xf32>,
        %swap3A_782 = vector.shape_cast %swap3A_781 : vector<1x16xf32> to vector<16xf32>
        %swap3A_783 = vector.shape_cast %mul3A_778 : vector<16xf32> to vector<1x16xf32>
        tpu.vector_store %arg10[%swap3A_779, %swap3A_780], %swap3A_783 {strides = array<i32>} : memref<320x128xf32, #tpu.memory_space<vmem>>, vector<1x16xf32>,
        %mul3A_784 = arith.constant 16 : i32
        %mul3A_785 = arith.muli %scan3A_319, %mul3A_784 : i32
        %add3A_786 = arith.addi %mul3A_259, %mul3A_785 : i32
        %add3A_787 = arith.constant 5 : i32
        %add3A_788 = arith.addi %add3A_786, %add3A_787 : i32
        %broadcast_in_dim3A_789 = arith.constant 5 : i32
        %broadcast_in_dim3A_790 = vector.broadcast %broadcast_in_dim3A_789 : i32 to vector<16x1xi32>
        %gather3A_791 = vector.shape_cast %broadcast_in_dim3A_790 : vector<16x1xi32> to vector<16xi32>
        %gather3A_792 = tpu.dynamic_gather %get3A_340[%gather3A_791] in [0] : vector<16xf32>, vector<16xi32> -> vector<16xf32>
        %get3A_793 = arith.index_cast %add3A_788 : i32 to index
        %get3A_794 = arith.constant 0 : index
        %get3A_795 = tpu.vector_load %arg10[%get3A_793, %get3A_794] {strides = array<i32>} : memref<320x128xf32, #tpu.memory_space<vmem>>, vector<1x16xf32>,
        %get3A_796 = vector.shape_cast %get3A_795 : vector<1x16xf32> to vector<16xf32>
        %mul3A_797 = arith.mulf %get3A_796, %gather3A_792 : vector<16xf32>
        %swap3A_798 = arith.index_cast %add3A_788 : i32 to index
        %swap3A_799 = arith.constant 0 : index
        %swap3A_800 = tpu.vector_load %arg10[%swap3A_798, %swap3A_799] {strides = array<i32>} : memref<320x128xf32, #tpu.memory_space<vmem>>, vector<1x16xf32>,
        %swap3A_801 = vector.shape_cast %swap3A_800 : vector<1x16xf32> to vector<16xf32>
        %swap3A_802 = vector.shape_cast %mul3A_797 : vector<16xf32> to vector<1x16xf32>
        tpu.vector_store %arg10[%swap3A_798, %swap3A_799], %swap3A_802 {strides = array<i32>} : memref<320x128xf32, #tpu.memory_space<vmem>>, vector<1x16xf32>,
        %get3A_803 = arith.index_cast %add3A_788 : i32 to index
        %get3A_804 = arith.constant 16 : index
        %get3A_805 = tpu.vector_load %arg10[%get3A_803, %get3A_804] {strides = array<i32>} : memref<320x128xf32, #tpu.memory_space<vmem>>, vector<1x16xf32>,
        %get3A_806 = vector.shape_cast %get3A_805 : vector<1x16xf32> to vector<16xf32>
        %mul3A_807 = arith.mulf %get3A_806, %gather3A_792 : vector<16xf32>
        %swap3A_808 = arith.index_cast %add3A_788 : i32 to index
        %swap3A_809 = arith.constant 16 : index
        %swap3A_810 = tpu.vector_load %arg10[%swap3A_808, %swap3A_809] {strides = array<i32>} : memref<320x128xf32, #tpu.memory_space<vmem>>, vector<1x16xf32>,
        %swap3A_811 = vector.shape_cast %swap3A_810 : vector<1x16xf32> to vector<16xf32>
        %swap3A_812 = vector.shape_cast %mul3A_807 : vector<16xf32> to vector<1x16xf32>
        tpu.vector_store %arg10[%swap3A_808, %swap3A_809], %swap3A_812 {strides = array<i32>} : memref<320x128xf32, #tpu.memory_space<vmem>>, vector<1x16xf32>,
        %get3A_813 = arith.index_cast %add3A_788 : i32 to index
        %get3A_814 = arith.constant 32 : index
        %get3A_815 = tpu.vector_load %arg10[%get3A_813, %get3A_814] {strides = array<i32>} : memref<320x128xf32, #tpu.memory_space<vmem>>, vector<1x16xf32>,
        %get3A_816 = vector.shape_cast %get3A_815 : vector<1x16xf32> to vector<16xf32>
        %mul3A_817 = arith.mulf %get3A_816, %gather3A_792 : vector<16xf32>
        %swap3A_818 = arith.index_cast %add3A_788 : i32 to index
        %swap3A_819 = arith.constant 32 : index
        %swap3A_820 = tpu.vector_load %arg10[%swap3A_818, %swap3A_819] {strides = array<i32>} : memref<320x128xf32, #tpu.memory_space<vmem>>, vector<1x16xf32>,
        %swap3A_821 = vector.shape_cast %swap3A_820 : vector<1x16xf32> to vector<16xf32>
        %swap3A_822 = vector.shape_cast %mul3A_817 : vector<16xf32> to vector<1x16xf32>
        tpu.vector_store %arg10[%swap3A_818, %swap3A_819], %swap3A_822 {strides = array<i32>} : memref<320x128xf32, #tpu.memory_space<vmem>>, vector<1x16xf32>,
        %get3A_823 = arith.index_cast %add3A_788 : i32 to index
        %get3A_824 = arith.constant 48 : index
        %get3A_825 = tpu.vector_load %arg10[%get3A_823, %get3A_824] {strides = array<i32>} : memref<320x128xf32, #tpu.memory_space<vmem>>, vector<1x16xf32>,
        %get3A_826 = vector.shape_cast %get3A_825 : vector<1x16xf32> to vector<16xf32>
        %mul3A_827 = arith.mulf %get3A_826, %gather3A_792 : vector<16xf32>
        %swap3A_828 = arith.index_cast %add3A_788 : i32 to index
        %swap3A_829 = arith.constant 48 : index
        %swap3A_830 = tpu.vector_load %arg10[%swap3A_828, %swap3A_829] {strides = array<i32>} : memref<320x128xf32, #tpu.memory_space<vmem>>, vector<1x16xf32>,
        %swap3A_831 = vector.shape_cast %swap3A_830 : vector<1x16xf32> to vector<16xf32>
        %swap3A_832 = vector.shape_cast %mul3A_827 : vector<16xf32> to vector<1x16xf32>
        tpu.vector_store %arg10[%swap3A_828, %swap3A_829], %swap3A_832 {strides = array<i32>} : memref<320x128xf32, #tpu.memory_space<vmem>>, vector<1x16xf32>,
        %get3A_833 = arith.index_cast %add3A_788 : i32 to index
        %get3A_834 = arith.constant 64 : index
        %get3A_835 = tpu.vector_load %arg10[%get3A_833, %get3A_834] {strides = array<i32>} : memref<320x128xf32, #tpu.memory_space<vmem>>, vector<1x16xf32>,
        %get3A_836 = vector.shape_cast %get3A_835 : vector<1x16xf32> to vector<16xf32>
        %mul3A_837 = arith.mulf %get3A_836, %gather3A_792 : vector<16xf32>
        %swap3A_838 = arith.index_cast %add3A_788 : i32 to index
        %swap3A_839 = arith.constant 64 : index
        %swap3A_840 = tpu.vector_load %arg10[%swap3A_838, %swap3A_839] {strides = array<i32>} : memref<320x128xf32, #tpu.memory_space<vmem>>, vector<1x16xf32>,
        %swap3A_841 = vector.shape_cast %swap3A_840 : vector<1x16xf32> to vector<16xf32>
        %swap3A_842 = vector.shape_cast %mul3A_837 : vector<16xf32> to vector<1x16xf32>
        tpu.vector_store %arg10[%swap3A_838, %swap3A_839], %swap3A_842 {strides = array<i32>} : memref<320x128xf32, #tpu.memory_space<vmem>>, vector<1x16xf32>,
        %get3A_843 = arith.index_cast %add3A_788 : i32 to index
        %get3A_844 = arith.constant 80 : index
        %get3A_845 = tpu.vector_load %arg10[%get3A_843, %get3A_844] {strides = array<i32>} : memref<320x128xf32, #tpu.memory_space<vmem>>, vector<1x16xf32>,
        %get3A_846 = vector.shape_cast %get3A_845 : vector<1x16xf32> to vector<16xf32>
        %mul3A_847 = arith.mulf %get3A_846, %gather3A_792 : vector<16xf32>
        %swap3A_848 = arith.index_cast %add3A_788 : i32 to index
        %swap3A_849 = arith.constant 80 : index
        %swap3A_850 = tpu.vector_load %arg10[%swap3A_848, %swap3A_849] {strides = array<i32>} : memref<320x128xf32, #tpu.memory_space<vmem>>, vector<1x16xf32>,
        %swap3A_851 = vector.shape_cast %swap3A_850 : vector<1x16xf32> to vector<16xf32>
        %swap3A_852 = vector.shape_cast %mul3A_847 : vector<16xf32> to vector<1x16xf32>
        tpu.vector_store %arg10[%swap3A_848, %swap3A_849], %swap3A_852 {strides = array<i32>} : memref<320x128xf32, #tpu.memory_space<vmem>>, vector<1x16xf32>,
        %get3A_853 = arith.index_cast %add3A_788 : i32 to index
        %get3A_854 = arith.constant 96 : index
        %get3A_855 = tpu.vector_load %arg10[%get3A_853, %get3A_854] {strides = array<i32>} : memref<320x128xf32, #tpu.memory_space<vmem>>, vector<1x16xf32>,
        %get3A_856 = vector.shape_cast %get3A_855 : vector<1x16xf32> to vector<16xf32>
        %mul3A_857 = arith.mulf %get3A_856, %gather3A_792 : vector<16xf32>
        %swap3A_858 = arith.index_cast %add3A_788 : i32 to index
        %swap3A_859 = arith.constant 96 : index
        %swap3A_860 = tpu.vector_load %arg10[%swap3A_858, %swap3A_859] {strides = array<i32>} : memref<320x128xf32, #tpu.memory_space<vmem>>, vector<1x16xf32>,
        %swap3A_861 = vector.shape_cast %swap3A_860 : vector<1x16xf32> to vector<16xf32>
        %swap3A_862 = vector.shape_cast %mul3A_857 : vector<16xf32> to vector<1x16xf32>
        tpu.vector_store %arg10[%swap3A_858, %swap3A_859], %swap3A_862 {strides = array<i32>} : memref<320x128xf32, #tpu.memory_space<vmem>>, vector<1x16xf32>,
        %get3A_863 = arith.index_cast %add3A_788 : i32 to index
        %get3A_864 = arith.constant 112 : index
        %get3A_865 = tpu.vector_load %arg10[%get3A_863, %get3A_864] {strides = array<i32>} : memref<320x128xf32, #tpu.memory_space<vmem>>, vector<1x16xf32>,
        %get3A_866 = vector.shape_cast %get3A_865 : vector<1x16xf32> to vector<16xf32>
        %mul3A_867 = arith.mulf %get3A_866, %gather3A_792 : vector<16xf32>
        %swap3A_868 = arith.index_cast %add3A_788 : i32 to index
        %swap3A_869 = arith.constant 112 : index
        %swap3A_870 = tpu.vector_load %arg10[%swap3A_868, %swap3A_869] {strides = array<i32>} : memref<320x128xf32, #tpu.memory_space<vmem>>, vector<1x16xf32>,
        %swap3A_871 = vector.shape_cast %swap3A_870 : vector<1x16xf32> to vector<16xf32>
        %swap3A_872 = vector.shape_cast %mul3A_867 : vector<16xf32> to vector<1x16xf32>
        tpu.vector_store %arg10[%swap3A_868, %swap3A_869], %swap3A_872 {strides = array<i32>} : memref<320x128xf32, #tpu.memory_space<vmem>>, vector<1x16xf32>,
        %mul3A_873 = arith.constant 16 : i32
        %mul3A_874 = arith.muli %scan3A_319, %mul3A_873 : i32
        %add3A_875 = arith.addi %mul3A_259, %mul3A_874 : i32
        %add3A_876 = arith.constant 6 : i32
        %add3A_877 = arith.addi %add3A_875, %add3A_876 : i32
        %broadcast_in_dim3A_878 = arith.constant 6 : i32
        %broadcast_in_dim3A_879 = vector.broadcast %broadcast_in_dim3A_878 : i32 to vector<16x1xi32>
        %gather3A_880 = vector.shape_cast %broadcast_in_dim3A_879 : vector<16x1xi32> to vector<16xi32>
        %gather3A_881 = tpu.dynamic_gather %get3A_340[%gather3A_880] in [0] : vector<16xf32>, vector<16xi32> -> vector<16xf32>
        %get3A_882 = arith.index_cast %add3A_877 : i32 to index
        %get3A_883 = arith.constant 0 : index
        %get3A_884 = tpu.vector_load %arg10[%get3A_882, %get3A_883] {strides = array<i32>} : memref<320x128xf32, #tpu.memory_space<vmem>>, vector<1x16xf32>,
        %get3A_885 = vector.shape_cast %get3A_884 : vector<1x16xf32> to vector<16xf32>
        %mul3A_886 = arith.mulf %get3A_885, %gather3A_881 : vector<16xf32>
        %swap3A_887 = arith.index_cast %add3A_877 : i32 to index
        %swap3A_888 = arith.constant 0 : index
        %swap3A_889 = tpu.vector_load %arg10[%swap3A_887, %swap3A_888] {strides = array<i32>} : memref<320x128xf32, #tpu.memory_space<vmem>>, vector<1x16xf32>,
        %swap3A_890 = vector.shape_cast %swap3A_889 : vector<1x16xf32> to vector<16xf32>
        %swap3A_891 = vector.shape_cast %mul3A_886 : vector<16xf32> to vector<1x16xf32>
        tpu.vector_store %arg10[%swap3A_887, %swap3A_888], %swap3A_891 {strides = array<i32>} : memref<320x128xf32, #tpu.memory_space<vmem>>, vector<1x16xf32>,
        %get3A_892 = arith.index_cast %add3A_877 : i32 to index
        %get3A_893 = arith.constant 16 : index
        %get3A_894 = tpu.vector_load %arg10[%get3A_892, %get3A_893] {strides = array<i32>} : memref<320x128xf32, #tpu.memory_space<vmem>>, vector<1x16xf32>,
        %get3A_895 = vector.shape_cast %get3A_894 : vector<1x16xf32> to vector<16xf32>
        %mul3A_896 = arith.mulf %get3A_895, %gather3A_881 : vector<16xf32>
        %swap3A_897 = arith.index_cast %add3A_877 : i32 to index
        %swap3A_898 = arith.constant 16 : index
        %swap3A_899 = tpu.vector_load %arg10[%swap3A_897, %swap3A_898] {strides = array<i32>} : memref<320x128xf32, #tpu.memory_space<vmem>>, vector<1x16xf32>,
        %swap3A_900 = vector.shape_cast %swap3A_899 : vector<1x16xf32> to vector<16xf32>
        %swap3A_901 = vector.shape_cast %mul3A_896 : vector<16xf32> to vector<1x16xf32>
        tpu.vector_store %arg10[%swap3A_897, %swap3A_898], %swap3A_901 {strides = array<i32>} : memref<320x128xf32, #tpu.memory_space<vmem>>, vector<1x16xf32>,
        %get3A_902 = arith.index_cast %add3A_877 : i32 to index
        %get3A_903 = arith.constant 32 : index
        %get3A_904 = tpu.vector_load %arg10[%get3A_902, %get3A_903] {strides = array<i32>} : memref<320x128xf32, #tpu.memory_space<vmem>>, vector<1x16xf32>,
        %get3A_905 = vector.shape_cast %get3A_904 : vector<1x16xf32> to vector<16xf32>
        %mul3A_906 = arith.mulf %get3A_905, %gather3A_881 : vector<16xf32>
        %swap3A_907 = arith.index_cast %add3A_877 : i32 to index
        %swap3A_908 = arith.constant 32 : index
        %swap3A_909 = tpu.vector_load %arg10[%swap3A_907, %swap3A_908] {strides = array<i32>} : memref<320x128xf32, #tpu.memory_space<vmem>>, vector<1x16xf32>,
        %swap3A_910 = vector.shape_cast %swap3A_909 : vector<1x16xf32> to vector<16xf32>
        %swap3A_911 = vector.shape_cast %mul3A_906 : vector<16xf32> to vector<1x16xf32>
        tpu.vector_store %arg10[%swap3A_907, %swap3A_908], %swap3A_911 {strides = array<i32>} : memref<320x128xf32, #tpu.memory_space<vmem>>, vector<1x16xf32>,
        %get3A_912 = arith.index_cast %add3A_877 : i32 to index
        %get3A_913 = arith.constant 48 : index
        %get3A_914 = tpu.vector_load %arg10[%get3A_912, %get3A_913] {strides = array<i32>} : memref<320x128xf32, #tpu.memory_space<vmem>>, vector<1x16xf32>,
        %get3A_915 = vector.shape_cast %get3A_914 : vector<1x16xf32> to vector<16xf32>
        %mul3A_916 = arith.mulf %get3A_915, %gather3A_881 : vector<16xf32>
        %swap3A_917 = arith.index_cast %add3A_877 : i32 to index
        %swap3A_918 = arith.constant 48 : index
        %swap3A_919 = tpu.vector_load %arg10[%swap3A_917, %swap3A_918] {strides = array<i32>} : memref<320x128xf32, #tpu.memory_space<vmem>>, vector<1x16xf32>,
        %swap3A_920 = vector.shape_cast %swap3A_919 : vector<1x16xf32> to vector<16xf32>
        %swap3A_921 = vector.shape_cast %mul3A_916 : vector<16xf32> to vector<1x16xf32>
        tpu.vector_store %arg10[%swap3A_917, %swap3A_918], %swap3A_921 {strides = array<i32>} : memref<320x128xf32, #tpu.memory_space<vmem>>, vector<1x16xf32>,
        %get3A_922 = arith.index_cast %add3A_877 : i32 to index
        %get3A_923 = arith.constant 64 : index
        %get3A_924 = tpu.vector_load %arg10[%get3A_922, %get3A_923] {strides = array<i32>} : memref<320x128xf32, #tpu.memory_space<vmem>>, vector<1x16xf32>,
        %get3A_925 = vector.shape_cast %get3A_924 : vector<1x16xf32> to vector<16xf32>
        %mul3A_926 = arith.mulf %get3A_925, %gather3A_881 : vector<16xf32>
        %swap3A_927 = arith.index_cast %add3A_877 : i32 to index
        %swap3A_928 = arith.constant 64 : index
        %swap3A_929 = tpu.vector_load %arg10[%swap3A_927, %swap3A_928] {strides = array<i32>} : memref<320x128xf32, #tpu.memory_space<vmem>>, vector<1x16xf32>,
        %swap3A_930 = vector.shape_cast %swap3A_929 : vector<1x16xf32> to vector<16xf32>
        %swap3A_931 = vector.shape_cast %mul3A_926 : vector<16xf32> to vector<1x16xf32>
        tpu.vector_store %arg10[%swap3A_927, %swap3A_928], %swap3A_931 {strides = array<i32>} : memref<320x128xf32, #tpu.memory_space<vmem>>, vector<1x16xf32>,
        %get3A_932 = arith.index_cast %add3A_877 : i32 to index
        %get3A_933 = arith.constant 80 : index
        %get3A_934 = tpu.vector_load %arg10[%get3A_932, %get3A_933] {strides = array<i32>} : memref<320x128xf32, #tpu.memory_space<vmem>>, vector<1x16xf32>,
        %get3A_935 = vector.shape_cast %get3A_934 : vector<1x16xf32> to vector<16xf32>
        %mul3A_936 = arith.mulf %get3A_935, %gather3A_881 : vector<16xf32>
        %swap3A_937 = arith.index_cast %add3A_877 : i32 to index
        %swap3A_938 = arith.constant 80 : index
        %swap3A_939 = tpu.vector_load %arg10[%swap3A_937, %swap3A_938] {strides = array<i32>} : memref<320x128xf32, #tpu.memory_space<vmem>>, vector<1x16xf32>,
        %swap3A_940 = vector.shape_cast %swap3A_939 : vector<1x16xf32> to vector<16xf32>
        %swap3A_941 = vector.shape_cast %mul3A_936 : vector<16xf32> to vector<1x16xf32>
        tpu.vector_store %arg10[%swap3A_937, %swap3A_938], %swap3A_941 {strides = array<i32>} : memref<320x128xf32, #tpu.memory_space<vmem>>, vector<1x16xf32>,
        %get3A_942 = arith.index_cast %add3A_877 : i32 to index
        %get3A_943 = arith.constant 96 : index
        %get3A_944 = tpu.vector_load %arg10[%get3A_942, %get3A_943] {strides = array<i32>} : memref<320x128xf32, #tpu.memory_space<vmem>>, vector<1x16xf32>,
        %get3A_945 = vector.shape_cast %get3A_944 : vector<1x16xf32> to vector<16xf32>
        %mul3A_946 = arith.mulf %get3A_945, %gather3A_881 : vector<16xf32>
        %swap3A_947 = arith.index_cast %add3A_877 : i32 to index
        %swap3A_948 = arith.constant 96 : index
        %swap3A_949 = tpu.vector_load %arg10[%swap3A_947, %swap3A_948] {strides = array<i32>} : memref<320x128xf32, #tpu.memory_space<vmem>>, vector<1x16xf32>,
        %swap3A_950 = vector.shape_cast %swap3A_949 : vector<1x16xf32> to vector<16xf32>
        %swap3A_951 = vector.shape_cast %mul3A_946 : vector<16xf32> to vector<1x16xf32>
        tpu.vector_store %arg10[%swap3A_947, %swap3A_948], %swap3A_951 {strides = array<i32>} : memref<320x128xf32, #tpu.memory_space<vmem>>, vector<1x16xf32>,
        %get3A_952 = arith.index_cast %add3A_877 : i32 to index
        %get3A_953 = arith.constant 112 : index
        %get3A_954 = tpu.vector_load %arg10[%get3A_952, %get3A_953] {strides = array<i32>} : memref<320x128xf32, #tpu.memory_space<vmem>>, vector<1x16xf32>,
        %get3A_955 = vector.shape_cast %get3A_954 : vector<1x16xf32> to vector<16xf32>
        %mul3A_956 = arith.mulf %get3A_955, %gather3A_881 : vector<16xf32>
        %swap3A_957 = arith.index_cast %add3A_877 : i32 to index
        %swap3A_958 = arith.constant 112 : index
        %swap3A_959 = tpu.vector_load %arg10[%swap3A_957, %swap3A_958] {strides = array<i32>} : memref<320x128xf32, #tpu.memory_space<vmem>>, vector<1x16xf32>,
        %swap3A_960 = vector.shape_cast %swap3A_959 : vector<1x16xf32> to vector<16xf32>
        %swap3A_961 = vector.shape_cast %mul3A_956 : vector<16xf32> to vector<1x16xf32>
        tpu.vector_store %arg10[%swap3A_957, %swap3A_958], %swap3A_961 {strides = array<i32>} : memref<320x128xf32, #tpu.memory_space<vmem>>, vector<1x16xf32>,
        %mul3A_962 = arith.constant 16 : i32
        %mul3A_963 = arith.muli %scan3A_319, %mul3A_962 : i32
        %add3A_964 = arith.addi %mul3A_259, %mul3A_963 : i32
        %add3A_965 = arith.constant 7 : i32
        %add3A_966 = arith.addi %add3A_964, %add3A_965 : i32
        %broadcast_in_dim3A_967 = arith.constant 7 : i32
        %broadcast_in_dim3A_968 = vector.broadcast %broadcast_in_dim3A_967 : i32 to vector<16x1xi32>
        %gather3A_969 = vector.shape_cast %broadcast_in_dim3A_968 : vector<16x1xi32> to vector<16xi32>
        %gather3A_970 = tpu.dynamic_gather %get3A_340[%gather3A_969] in [0] : vector<16xf32>, vector<16xi32> -> vector<16xf32>
        %get3A_971 = arith.index_cast %add3A_966 : i32 to index
        %get3A_972 = arith.constant 0 : index
        %get3A_973 = tpu.vector_load %arg10[%get3A_971, %get3A_972] {strides = array<i32>} : memref<320x128xf32, #tpu.memory_space<vmem>>, vector<1x16xf32>,
        %get3A_974 = vector.shape_cast %get3A_973 : vector<1x16xf32> to vector<16xf32>
        %mul3A_975 = arith.mulf %get3A_974, %gather3A_970 : vector<16xf32>
        %swap3A_976 = arith.index_cast %add3A_966 : i32 to index
        %swap3A_977 = arith.constant 0 : index
        %swap3A_978 = tpu.vector_load %arg10[%swap3A_976, %swap3A_977] {strides = array<i32>} : memref<320x128xf32, #tpu.memory_space<vmem>>, vector<1x16xf32>,
        %swap3A_979 = vector.shape_cast %swap3A_978 : vector<1x16xf32> to vector<16xf32>
        %swap3A_980 = vector.shape_cast %mul3A_975 : vector<16xf32> to vector<1x16xf32>
        tpu.vector_store %arg10[%swap3A_976, %swap3A_977], %swap3A_980 {strides = array<i32>} : memref<320x128xf32, #tpu.memory_space<vmem>>, vector<1x16xf32>,
        %get3A_981 = arith.index_cast %add3A_966 : i32 to index
        %get3A_982 = arith.constant 16 : index
        %get3A_983 = tpu.vector_load %arg10[%get3A_981, %get3A_982] {strides = array<i32>} : memref<320x128xf32, #tpu.memory_space<vmem>>, vector<1x16xf32>,
        %get3A_984 = vector.shape_cast %get3A_983 : vector<1x16xf32> to vector<16xf32>
        %mul3A_985 = arith.mulf %get3A_984, %gather3A_970 : vector<16xf32>
        %swap3A_986 = arith.index_cast %add3A_966 : i32 to index
        %swap3A_987 = arith.constant 16 : index
        %swap3A_988 = tpu.vector_load %arg10[%swap3A_986, %swap3A_987] {strides = array<i32>} : memref<320x128xf32, #tpu.memory_space<vmem>>, vector<1x16xf32>,
        %swap3A_989 = vector.shape_cast %swap3A_988 : vector<1x16xf32> to vector<16xf32>
        %swap3A_990 = vector.shape_cast %mul3A_985 : vector<16xf32> to vector<1x16xf32>
        tpu.vector_store %arg10[%swap3A_986, %swap3A_987], %swap3A_990 {strides = array<i32>} : memref<320x128xf32, #tpu.memory_space<vmem>>, vector<1x16xf32>,
        %get3A_991 = arith.index_cast %add3A_966 : i32 to index
        %get3A_992 = arith.constant 32 : index
        %get3A_993 = tpu.vector_load %arg10[%get3A_991, %get3A_992] {strides = array<i32>} : memref<320x128xf32, #tpu.memory_space<vmem>>, vector<1x16xf32>,
        %get3A_994 = vector.shape_cast %get3A_993 : vector<1x16xf32> to vector<16xf32>
        %mul3A_995 = arith.mulf %get3A_994, %gather3A_970 : vector<16xf32>
        %swap3A_996 = arith.index_cast %add3A_966 : i32 to index
        %swap3A_997 = arith.constant 32 : index
        %swap3A_998 = tpu.vector_load %arg10[%swap3A_996, %swap3A_997] {strides = array<i32>} : memref<320x128xf32, #tpu.memory_space<vmem>>, vector<1x16xf32>,
        %swap3A_999 = vector.shape_cast %swap3A_998 : vector<1x16xf32> to vector<16xf32>
        %swap3A_1000 = vector.shape_cast %mul3A_995 : vector<16xf32> to vector<1x16xf32>
        tpu.vector_store %arg10[%swap3A_996, %swap3A_997], %swap3A_1000 {strides = array<i32>} : memref<320x128xf32, #tpu.memory_space<vmem>>, vector<1x16xf32>,
        %get3A_1001 = arith.index_cast %add3A_966 : i32 to index
        %get3A_1002 = arith.constant 48 : index
        %get3A_1003 = tpu.vector_load %arg10[%get3A_1001, %get3A_1002] {strides = array<i32>} : memref<320x128xf32, #tpu.memory_space<vmem>>, vector<1x16xf32>,
        %get3A_1004 = vector.shape_cast %get3A_1003 : vector<1x16xf32> to vector<16xf32>
        %mul3A_1005 = arith.mulf %get3A_1004, %gather3A_970 : vector<16xf32>
        %swap3A_1006 = arith.index_cast %add3A_966 : i32 to index
        %swap3A_1007 = arith.constant 48 : index
        %swap3A_1008 = tpu.vector_load %arg10[%swap3A_1006, %swap3A_1007] {strides = array<i32>} : memref<320x128xf32, #tpu.memory_space<vmem>>, vector<1x16xf32>,
        %swap3A_1009 = vector.shape_cast %swap3A_1008 : vector<1x16xf32> to vector<16xf32>
        %swap3A_1010 = vector.shape_cast %mul3A_1005 : vector<16xf32> to vector<1x16xf32>
        tpu.vector_store %arg10[%swap3A_1006, %swap3A_1007], %swap3A_1010 {strides = array<i32>} : memref<320x128xf32, #tpu.memory_space<vmem>>, vector<1x16xf32>,
        %get3A_1011 = arith.index_cast %add3A_966 : i32 to index
        %get3A_1012 = arith.constant 64 : index
        %get3A_1013 = tpu.vector_load %arg10[%get3A_1011, %get3A_1012] {strides = array<i32>} : memref<320x128xf32, #tpu.memory_space<vmem>>, vector<1x16xf32>,
        %get3A_1014 = vector.shape_cast %get3A_1013 : vector<1x16xf32> to vector<16xf32>
        %mul3A_1015 = arith.mulf %get3A_1014, %gather3A_970 : vector<16xf32>
        %swap3A_1016 = arith.index_cast %add3A_966 : i32 to index
        %swap3A_1017 = arith.constant 64 : index
        %swap3A_1018 = tpu.vector_load %arg10[%swap3A_1016, %swap3A_1017] {strides = array<i32>} : memref<320x128xf32, #tpu.memory_space<vmem>>, vector<1x16xf32>,
        %swap3A_1019 = vector.shape_cast %swap3A_1018 : vector<1x16xf32> to vector<16xf32>
        %swap3A_1020 = vector.shape_cast %mul3A_1015 : vector<16xf32> to vector<1x16xf32>
        tpu.vector_store %arg10[%swap3A_1016, %swap3A_1017], %swap3A_1020 {strides = array<i32>} : memref<320x128xf32, #tpu.memory_space<vmem>>, vector<1x16xf32>,
        %get3A_1021 = arith.index_cast %add3A_966 : i32 to index
        %get3A_1022 = arith.constant 80 : index
        %get3A_1023 = tpu.vector_load %arg10[%get3A_1021, %get3A_1022] {strides = array<i32>} : memref<320x128xf32, #tpu.memory_space<vmem>>, vector<1x16xf32>,
        %get3A_1024 = vector.shape_cast %get3A_1023 : vector<1x16xf32> to vector<16xf32>
        %mul3A_1025 = arith.mulf %get3A_1024, %gather3A_970 : vector<16xf32>
        %swap3A_1026 = arith.index_cast %add3A_966 : i32 to index
        %swap3A_1027 = arith.constant 80 : index
        %swap3A_1028 = tpu.vector_load %arg10[%swap3A_1026, %swap3A_1027] {strides = array<i32>} : memref<320x128xf32, #tpu.memory_space<vmem>>, vector<1x16xf32>,
        %swap3A_1029 = vector.shape_cast %swap3A_1028 : vector<1x16xf32> to vector<16xf32>
        %swap3A_1030 = vector.shape_cast %mul3A_1025 : vector<16xf32> to vector<1x16xf32>
        tpu.vector_store %arg10[%swap3A_1026, %swap3A_1027], %swap3A_1030 {strides = array<i32>} : memref<320x128xf32, #tpu.memory_space<vmem>>, vector<1x16xf32>,
        %get3A_1031 = arith.index_cast %add3A_966 : i32 to index
        %get3A_1032 = arith.constant 96 : index
        %get3A_1033 = tpu.vector_load %arg10[%get3A_1031, %get3A_1032] {strides = array<i32>} : memref<320x128xf32, #tpu.memory_space<vmem>>, vector<1x16xf32>,
        %get3A_1034 = vector.shape_cast %get3A_1033 : vector<1x16xf32> to vector<16xf32>
        %mul3A_1035 = arith.mulf %get3A_1034, %gather3A_970 : vector<16xf32>
        %swap3A_1036 = arith.index_cast %add3A_966 : i32 to index
        %swap3A_1037 = arith.constant 96 : index
        %swap3A_1038 = tpu.vector_load %arg10[%swap3A_1036, %swap3A_1037] {strides = array<i32>} : memref<320x128xf32, #tpu.memory_space<vmem>>, vector<1x16xf32>,
        %swap3A_1039 = vector.shape_cast %swap3A_1038 : vector<1x16xf32> to vector<16xf32>
        %swap3A_1040 = vector.shape_cast %mul3A_1035 : vector<16xf32> to vector<1x16xf32>
        tpu.vector_store %arg10[%swap3A_1036, %swap3A_1037], %swap3A_1040 {strides = array<i32>} : memref<320x128xf32, #tpu.memory_space<vmem>>, vector<1x16xf32>,
        %get3A_1041 = arith.index_cast %add3A_966 : i32 to index
        %get3A_1042 = arith.constant 112 : index
        %get3A_1043 = tpu.vector_load %arg10[%get3A_1041, %get3A_1042] {strides = array<i32>} : memref<320x128xf32, #tpu.memory_space<vmem>>, vector<1x16xf32>,
        %get3A_1044 = vector.shape_cast %get3A_1043 : vector<1x16xf32> to vector<16xf32>
        %mul3A_1045 = arith.mulf %get3A_1044, %gather3A_970 : vector<16xf32>
        %swap3A_1046 = arith.index_cast %add3A_966 : i32 to index
        %swap3A_1047 = arith.constant 112 : index
        %swap3A_1048 = tpu.vector_load %arg10[%swap3A_1046, %swap3A_1047] {strides = array<i32>} : memref<320x128xf32, #tpu.memory_space<vmem>>, vector<1x16xf32>,
        %swap3A_1049 = vector.shape_cast %swap3A_1048 : vector<1x16xf32> to vector<16xf32>
        %swap3A_1050 = vector.shape_cast %mul3A_1045 : vector<16xf32> to vector<1x16xf32>
        tpu.vector_store %arg10[%swap3A_1046, %swap3A_1047], %swap3A_1050 {strides = array<i32>} : memref<320x128xf32, #tpu.memory_space<vmem>>, vector<1x16xf32>,
        %mul3A_1051 = arith.constant 16 : i32
        %mul3A_1052 = arith.muli %scan3A_319, %mul3A_1051 : i32
        %add3A_1053 = arith.addi %mul3A_259, %mul3A_1052 : i32
        %add3A_1054 = arith.constant 8 : i32
        %add3A_1055 = arith.addi %add3A_1053, %add3A_1054 : i32
        %broadcast_in_dim3A_1056 = arith.constant 8 : i32
        %broadcast_in_dim3A_1057 = vector.broadcast %broadcast_in_dim3A_1056 : i32 to vector<16x1xi32>
        %gather3A_1058 = vector.shape_cast %broadcast_in_dim3A_1057 : vector<16x1xi32> to vector<16xi32>
        %gather3A_1059 = tpu.dynamic_gather %get3A_340[%gather3A_1058] in [0] : vector<16xf32>, vector<16xi32> -> vector<16xf32>
        %get3A_1060 = arith.index_cast %add3A_1055 : i32 to index
        %get3A_1061 = arith.constant 0 : index
        %get3A_1062 = tpu.vector_load %arg10[%get3A_1060, %get3A_1061] {strides = array<i32>} : memref<320x128xf32, #tpu.memory_space<vmem>>, vector<1x16xf32>,
        %get3A_1063 = vector.shape_cast %get3A_1062 : vector<1x16xf32> to vector<16xf32>
        %mul3A_1064 = arith.mulf %get3A_1063, %gather3A_1059 : vector<16xf32>
        %swap3A_1065 = arith.index_cast %add3A_1055 : i32 to index
        %swap3A_1066 = arith.constant 0 : index
        %swap3A_1067 = tpu.vector_load %arg10[%swap3A_1065, %swap3A_1066] {strides = array<i32>} : memref<320x128xf32, #tpu.memory_space<vmem>>, vector<1x16xf32>,
        %swap3A_1068 = vector.shape_cast %swap3A_1067 : vector<1x16xf32> to vector<16xf32>
        %swap3A_1069 = vector.shape_cast %mul3A_1064 : vector<16xf32> to vector<1x16xf32>
        tpu.vector_store %arg10[%swap3A_1065, %swap3A_1066], %swap3A_1069 {strides = array<i32>} : memref<320x128xf32, #tpu.memory_space<vmem>>, vector<1x16xf32>,
        %get3A_1070 = arith.index_cast %add3A_1055 : i32 to index
        %get3A_1071 = arith.constant 16 : index
        %get3A_1072 = tpu.vector_load %arg10[%get3A_1070, %get3A_1071] {strides = array<i32>} : memref<320x128xf32, #tpu.memory_space<vmem>>, vector<1x16xf32>,
        %get3A_1073 = vector.shape_cast %get3A_1072 : vector<1x16xf32> to vector<16xf32>
        %mul3A_1074 = arith.mulf %get3A_1073, %gather3A_1059 : vector<16xf32>
        %swap3A_1075 = arith.index_cast %add3A_1055 : i32 to index
        %swap3A_1076 = arith.constant 16 : index
        %swap3A_1077 = tpu.vector_load %arg10[%swap3A_1075, %swap3A_1076] {strides = array<i32>} : memref<320x128xf32, #tpu.memory_space<vmem>>, vector<1x16xf32>,
        %swap3A_1078 = vector.shape_cast %swap3A_1077 : vector<1x16xf32> to vector<16xf32>
        %swap3A_1079 = vector.shape_cast %mul3A_1074 : vector<16xf32> to vector<1x16xf32>
        tpu.vector_store %arg10[%swap3A_1075, %swap3A_1076], %swap3A_1079 {strides = array<i32>} : memref<320x128xf32, #tpu.memory_space<vmem>>, vector<1x16xf32>,
        %get3A_1080 = arith.index_cast %add3A_1055 : i32 to index
        %get3A_1081 = arith.constant 32 : index
        %get3A_1082 = tpu.vector_load %arg10[%get3A_1080, %get3A_1081] {strides = array<i32>} : memref<320x128xf32, #tpu.memory_space<vmem>>, vector<1x16xf32>,
        %get3A_1083 = vector.shape_cast %get3A_1082 : vector<1x16xf32> to vector<16xf32>
        %mul3A_1084 = arith.mulf %get3A_1083, %gather3A_1059 : vector<16xf32>
        %swap3A_1085 = arith.index_cast %add3A_1055 : i32 to index
        %swap3A_1086 = arith.constant 32 : index
        %swap3A_1087 = tpu.vector_load %arg10[%swap3A_1085, %swap3A_1086] {strides = array<i32>} : memref<320x128xf32, #tpu.memory_space<vmem>>, vector<1x16xf32>,
        %swap3A_1088 = vector.shape_cast %swap3A_1087 : vector<1x16xf32> to vector<16xf32>
        %swap3A_1089 = vector.shape_cast %mul3A_1084 : vector<16xf32> to vector<1x16xf32>
        tpu.vector_store %arg10[%swap3A_1085, %swap3A_1086], %swap3A_1089 {strides = array<i32>} : memref<320x128xf32, #tpu.memory_space<vmem>>, vector<1x16xf32>,
        %get3A_1090 = arith.index_cast %add3A_1055 : i32 to index
        %get3A_1091 = arith.constant 48 : index
        %get3A_1092 = tpu.vector_load %arg10[%get3A_1090, %get3A_1091] {strides = array<i32>} : memref<320x128xf32, #tpu.memory_space<vmem>>, vector<1x16xf32>,
        %get3A_1093 = vector.shape_cast %get3A_1092 : vector<1x16xf32> to vector<16xf32>
        %mul3A_1094 = arith.mulf %get3A_1093, %gather3A_1059 : vector<16xf32>
        %swap3A_1095 = arith.index_cast %add3A_1055 : i32 to index
        %swap3A_1096 = arith.constant 48 : index
        %swap3A_1097 = tpu.vector_load %arg10[%swap3A_1095, %swap3A_1096] {strides = array<i32>} : memref<320x128xf32, #tpu.memory_space<vmem>>, vector<1x16xf32>,
        %swap3A_1098 = vector.shape_cast %swap3A_1097 : vector<1x16xf32> to vector<16xf32>
        %swap3A_1099 = vector.shape_cast %mul3A_1094 : vector<16xf32> to vector<1x16xf32>
        tpu.vector_store %arg10[%swap3A_1095, %swap3A_1096], %swap3A_1099 {strides = array<i32>} : memref<320x128xf32, #tpu.memory_space<vmem>>, vector<1x16xf32>,
        %get3A_1100 = arith.index_cast %add3A_1055 : i32 to index
        %get3A_1101 = arith.constant 64 : index
        %get3A_1102 = tpu.vector_load %arg10[%get3A_1100, %get3A_1101] {strides = array<i32>} : memref<320x128xf32, #tpu.memory_space<vmem>>, vector<1x16xf32>,
        %get3A_1103 = vector.shape_cast %get3A_1102 : vector<1x16xf32> to vector<16xf32>
        %mul3A_1104 = arith.mulf %get3A_1103, %gather3A_1059 : vector<16xf32>
        %swap3A_1105 = arith.index_cast %add3A_1055 : i32 to index
        %swap3A_1106 = arith.constant 64 : index
        %swap3A_1107 = tpu.vector_load %arg10[%swap3A_1105, %swap3A_1106] {strides = array<i32>} : memref<320x128xf32, #tpu.memory_space<vmem>>, vector<1x16xf32>,
        %swap3A_1108 = vector.shape_cast %swap3A_1107 : vector<1x16xf32> to vector<16xf32>
        %swap3A_1109 = vector.shape_cast %mul3A_1104 : vector<16xf32> to vector<1x16xf32>
        tpu.vector_store %arg10[%swap3A_1105, %swap3A_1106], %swap3A_1109 {strides = array<i32>} : memref<320x128xf32, #tpu.memory_space<vmem>>, vector<1x16xf32>,
        %get3A_1110 = arith.index_cast %add3A_1055 : i32 to index
        %get3A_1111 = arith.constant 80 : index
        %get3A_1112 = tpu.vector_load %arg10[%get3A_1110, %get3A_1111] {strides = array<i32>} : memref<320x128xf32, #tpu.memory_space<vmem>>, vector<1x16xf32>,
        %get3A_1113 = vector.shape_cast %get3A_1112 : vector<1x16xf32> to vector<16xf32>
        %mul3A_1114 = arith.mulf %get3A_1113, %gather3A_1059 : vector<16xf32>
        %swap3A_1115 = arith.index_cast %add3A_1055 : i32 to index
        %swap3A_1116 = arith.constant 80 : index
        %swap3A_1117 = tpu.vector_load %arg10[%swap3A_1115, %swap3A_1116] {strides = array<i32>} : memref<320x128xf32, #tpu.memory_space<vmem>>, vector<1x16xf32>,
        %swap3A_1118 = vector.shape_cast %swap3A_1117 : vector<1x16xf32> to vector<16xf32>
        %swap3A_1119 = vector.shape_cast %mul3A_1114 : vector<16xf32> to vector<1x16xf32>
        tpu.vector_store %arg10[%swap3A_1115, %swap3A_1116], %swap3A_1119 {strides = array<i32>} : memref<320x128xf32, #tpu.memory_space<vmem>>, vector<1x16xf32>,
        %get3A_1120 = arith.index_cast %add3A_1055 : i32 to index
        %get3A_1121 = arith.constant 96 : index
        %get3A_1122 = tpu.vector_load %arg10[%get3A_1120, %get3A_1121] {strides = array<i32>} : memref<320x128xf32, #tpu.memory_space<vmem>>, vector<1x16xf32>,
        %get3A_1123 = vector.shape_cast %get3A_1122 : vector<1x16xf32> to vector<16xf32>
        %mul3A_1124 = arith.mulf %get3A_1123, %gather3A_1059 : vector<16xf32>
        %swap3A_1125 = arith.index_cast %add3A_1055 : i32 to index
        %swap3A_1126 = arith.constant 96 : index
        %swap3A_1127 = tpu.vector_load %arg10[%swap3A_1125, %swap3A_1126] {strides = array<i32>} : memref<320x128xf32, #tpu.memory_space<vmem>>, vector<1x16xf32>,
        %swap3A_1128 = vector.shape_cast %swap3A_1127 : vector<1x16xf32> to vector<16xf32>
        %swap3A_1129 = vector.shape_cast %mul3A_1124 : vector<16xf32> to vector<1x16xf32>
        tpu.vector_store %arg10[%swap3A_1125, %swap3A_1126], %swap3A_1129 {strides = array<i32>} : memref<320x128xf32, #tpu.memory_space<vmem>>, vector<1x16xf32>,
        %get3A_1130 = arith.index_cast %add3A_1055 : i32 to index
        %get3A_1131 = arith.constant 112 : index
        %get3A_1132 = tpu.vector_load %arg10[%get3A_1130, %get3A_1131] {strides = array<i32>} : memref<320x128xf32, #tpu.memory_space<vmem>>, vector<1x16xf32>,
        %get3A_1133 = vector.shape_cast %get3A_1132 : vector<1x16xf32> to vector<16xf32>
        %mul3A_1134 = arith.mulf %get3A_1133, %gather3A_1059 : vector<16xf32>
        %swap3A_1135 = arith.index_cast %add3A_1055 : i32 to index
        %swap3A_1136 = arith.constant 112 : index
        %swap3A_1137 = tpu.vector_load %arg10[%swap3A_1135, %swap3A_1136] {strides = array<i32>} : memref<320x128xf32, #tpu.memory_space<vmem>>, vector<1x16xf32>,
        %swap3A_1138 = vector.shape_cast %swap3A_1137 : vector<1x16xf32> to vector<16xf32>
        %swap3A_1139 = vector.shape_cast %mul3A_1134 : vector<16xf32> to vector<1x16xf32>
        tpu.vector_store %arg10[%swap3A_1135, %swap3A_1136], %swap3A_1139 {strides = array<i32>} : memref<320x128xf32, #tpu.memory_space<vmem>>, vector<1x16xf32>,
        %mul3A_1140 = arith.constant 16 : i32
        %mul3A_1141 = arith.muli %scan3A_319, %mul3A_1140 : i32
        %add3A_1142 = arith.addi %mul3A_259, %mul3A_1141 : i32
        %add3A_1143 = arith.constant 9 : i32
        %add3A_1144 = arith.addi %add3A_1142, %add3A_1143 : i32
        %broadcast_in_dim3A_1145 = arith.constant 9 : i32
        %broadcast_in_dim3A_1146 = vector.broadcast %broadcast_in_dim3A_1145 : i32 to vector<16x1xi32>
        %gather3A_1147 = vector.shape_cast %broadcast_in_dim3A_1146 : vector<16x1xi32> to vector<16xi32>
        %gather3A_1148 = tpu.dynamic_gather %get3A_340[%gather3A_1147] in [0] : vector<16xf32>, vector<16xi32> -> vector<16xf32>
        %get3A_1149 = arith.index_cast %add3A_1144 : i32 to index
        %get3A_1150 = arith.constant 0 : index
        %get3A_1151 = tpu.vector_load %arg10[%get3A_1149, %get3A_1150] {strides = array<i32>} : memref<320x128xf32, #tpu.memory_space<vmem>>, vector<1x16xf32>,
        %get3A_1152 = vector.shape_cast %get3A_1151 : vector<1x16xf32> to vector<16xf32>
        %mul3A_1153 = arith.mulf %get3A_1152, %gather3A_1148 : vector<16xf32>
        %swap3A_1154 = arith.index_cast %add3A_1144 : i32 to index
        %swap3A_1155 = arith.constant 0 : index
        %swap3A_1156 = tpu.vector_load %arg10[%swap3A_1154, %swap3A_1155] {strides = array<i32>} : memref<320x128xf32, #tpu.memory_space<vmem>>, vector<1x16xf32>,
        %swap3A_1157 = vector.shape_cast %swap3A_1156 : vector<1x16xf32> to vector<16xf32>
        %swap3A_1158 = vector.shape_cast %mul3A_1153 : vector<16xf32> to vector<1x16xf32>
        tpu.vector_store %arg10[%swap3A_1154, %swap3A_1155], %swap3A_1158 {strides = array<i32>} : memref<320x128xf32, #tpu.memory_space<vmem>>, vector<1x16xf32>,
        %get3A_1159 = arith.index_cast %add3A_1144 : i32 to index
        %get3A_1160 = arith.constant 16 : index
        %get3A_1161 = tpu.vector_load %arg10[%get3A_1159, %get3A_1160] {strides = array<i32>} : memref<320x128xf32, #tpu.memory_space<vmem>>, vector<1x16xf32>,
        %get3A_1162 = vector.shape_cast %get3A_1161 : vector<1x16xf32> to vector<16xf32>
        %mul3A_1163 = arith.mulf %get3A_1162, %gather3A_1148 : vector<16xf32>
        %swap3A_1164 = arith.index_cast %add3A_1144 : i32 to index
        %swap3A_1165 = arith.constant 16 : index
        %swap3A_1166 = tpu.vector_load %arg10[%swap3A_1164, %swap3A_1165] {strides = array<i32>} : memref<320x128xf32, #tpu.memory_space<vmem>>, vector<1x16xf32>,
        %swap3A_1167 = vector.shape_cast %swap3A_1166 : vector<1x16xf32> to vector<16xf32>
        %swap3A_1168 = vector.shape_cast %mul3A_1163 : vector<16xf32> to vector<1x16xf32>
        tpu.vector_store %arg10[%swap3A_1164, %swap3A_1165], %swap3A_1168 {strides = array<i32>} : memref<320x128xf32, #tpu.memory_space<vmem>>, vector<1x16xf32>,
        %get3A_1169 = arith.index_cast %add3A_1144 : i32 to index
        %get3A_1170 = arith.constant 32 : index
        %get3A_1171 = tpu.vector_load %arg10[%get3A_1169, %get3A_1170] {strides = array<i32>} : memref<320x128xf32, #tpu.memory_space<vmem>>, vector<1x16xf32>,
        %get3A_1172 = vector.shape_cast %get3A_1171 : vector<1x16xf32> to vector<16xf32>
        %mul3A_1173 = arith.mulf %get3A_1172, %gather3A_1148 : vector<16xf32>
        %swap3A_1174 = arith.index_cast %add3A_1144 : i32 to index
        %swap3A_1175 = arith.constant 32 : index
        %swap3A_1176 = tpu.vector_load %arg10[%swap3A_1174, %swap3A_1175] {strides = array<i32>} : memref<320x128xf32, #tpu.memory_space<vmem>>, vector<1x16xf32>,
        %swap3A_1177 = vector.shape_cast %swap3A_1176 : vector<1x16xf32> to vector<16xf32>
        %swap3A_1178 = vector.shape_cast %mul3A_1173 : vector<16xf32> to vector<1x16xf32>
        tpu.vector_store %arg10[%swap3A_1174, %swap3A_1175], %swap3A_1178 {strides = array<i32>} : memref<320x128xf32, #tpu.memory_space<vmem>>, vector<1x16xf32>,
        %get3A_1179 = arith.index_cast %add3A_1144 : i32 to index
        %get3A_1180 = arith.constant 48 : index
        %get3A_1181 = tpu.vector_load %arg10[%get3A_1179, %get3A_1180] {strides = array<i32>} : memref<320x128xf32, #tpu.memory_space<vmem>>, vector<1x16xf32>,
        %get3A_1182 = vector.shape_cast %get3A_1181 : vector<1x16xf32> to vector<16xf32>
        %mul3A_1183 = arith.mulf %get3A_1182, %gather3A_1148 : vector<16xf32>
        %swap3A_1184 = arith.index_cast %add3A_1144 : i32 to index
        %swap3A_1185 = arith.constant 48 : index
        %swap3A_1186 = tpu.vector_load %arg10[%swap3A_1184, %swap3A_1185] {strides = array<i32>} : memref<320x128xf32, #tpu.memory_space<vmem>>, vector<1x16xf32>,
        %swap3A_1187 = vector.shape_cast %swap3A_1186 : vector<1x16xf32> to vector<16xf32>
        %swap3A_1188 = vector.shape_cast %mul3A_1183 : vector<16xf32> to vector<1x16xf32>
        tpu.vector_store %arg10[%swap3A_1184, %swap3A_1185], %swap3A_1188 {strides = array<i32>} : memref<320x128xf32, #tpu.memory_space<vmem>>, vector<1x16xf32>,
        %get3A_1189 = arith.index_cast %add3A_1144 : i32 to index
        %get3A_1190 = arith.constant 64 : index
        %get3A_1191 = tpu.vector_load %arg10[%get3A_1189, %get3A_1190] {strides = array<i32>} : memref<320x128xf32, #tpu.memory_space<vmem>>, vector<1x16xf32>,
        %get3A_1192 = vector.shape_cast %get3A_1191 : vector<1x16xf32> to vector<16xf32>
        %mul3A_1193 = arith.mulf %get3A_1192, %gather3A_1148 : vector<16xf32>
        %swap3A_1194 = arith.index_cast %add3A_1144 : i32 to index
        %swap3A_1195 = arith.constant 64 : index
        %swap3A_1196 = tpu.vector_load %arg10[%swap3A_1194, %swap3A_1195] {strides = array<i32>} : memref<320x128xf32, #tpu.memory_space<vmem>>, vector<1x16xf32>,
        %swap3A_1197 = vector.shape_cast %swap3A_1196 : vector<1x16xf32> to vector<16xf32>
        %swap3A_1198 = vector.shape_cast %mul3A_1193 : vector<16xf32> to vector<1x16xf32>
        tpu.vector_store %arg10[%swap3A_1194, %swap3A_1195], %swap3A_1198 {strides = array<i32>} : memref<320x128xf32, #tpu.memory_space<vmem>>, vector<1x16xf32>,
        %get3A_1199 = arith.index_cast %add3A_1144 : i32 to index
        %get3A_1200 = arith.constant 80 : index
        %get3A_1201 = tpu.vector_load %arg10[%get3A_1199, %get3A_1200] {strides = array<i32>} : memref<320x128xf32, #tpu.memory_space<vmem>>, vector<1x16xf32>,
        %get3A_1202 = vector.shape_cast %get3A_1201 : vector<1x16xf32> to vector<16xf32>
        %mul3A_1203 = arith.mulf %get3A_1202, %gather3A_1148 : vector<16xf32>
        %swap3A_1204 = arith.index_cast %add3A_1144 : i32 to index
        %swap3A_1205 = arith.constant 80 : index
        %swap3A_1206 = tpu.vector_load %arg10[%swap3A_1204, %swap3A_1205] {strides = array<i32>} : memref<320x128xf32, #tpu.memory_space<vmem>>, vector<1x16xf32>,
        %swap3A_1207 = vector.shape_cast %swap3A_1206 : vector<1x16xf32> to vector<16xf32>
        %swap3A_1208 = vector.shape_cast %mul3A_1203 : vector<16xf32> to vector<1x16xf32>
        tpu.vector_store %arg10[%swap3A_1204, %swap3A_1205], %swap3A_1208 {strides = array<i32>} : memref<320x128xf32, #tpu.memory_space<vmem>>, vector<1x16xf32>,
        %get3A_1209 = arith.index_cast %add3A_1144 : i32 to index
        %get3A_1210 = arith.constant 96 : index
        %get3A_1211 = tpu.vector_load %arg10[%get3A_1209, %get3A_1210] {strides = array<i32>} : memref<320x128xf32, #tpu.memory_space<vmem>>, vector<1x16xf32>,
        %get3A_1212 = vector.shape_cast %get3A_1211 : vector<1x16xf32> to vector<16xf32>
        %mul3A_1213 = arith.mulf %get3A_1212, %gather3A_1148 : vector<16xf32>
        %swap3A_1214 = arith.index_cast %add3A_1144 : i32 to index
        %swap3A_1215 = arith.constant 96 : index
        %swap3A_1216 = tpu.vector_load %arg10[%swap3A_1214, %swap3A_1215] {strides = array<i32>} : memref<320x128xf32, #tpu.memory_space<vmem>>, vector<1x16xf32>,
        %swap3A_1217 = vector.shape_cast %swap3A_1216 : vector<1x16xf32> to vector<16xf32>
        %swap3A_1218 = vector.shape_cast %mul3A_1213 : vector<16xf32> to vector<1x16xf32>
        tpu.vector_store %arg10[%swap3A_1214, %swap3A_1215], %swap3A_1218 {strides = array<i32>} : memref<320x128xf32, #tpu.memory_space<vmem>>, vector<1x16xf32>,
        %get3A_1219 = arith.index_cast %add3A_1144 : i32 to index
        %get3A_1220 = arith.constant 112 : index
        %get3A_1221 = tpu.vector_load %arg10[%get3A_1219, %get3A_1220] {strides = array<i32>} : memref<320x128xf32, #tpu.memory_space<vmem>>, vector<1x16xf32>,
        %get3A_1222 = vector.shape_cast %get3A_1221 : vector<1x16xf32> to vector<16xf32>
        %mul3A_1223 = arith.mulf %get3A_1222, %gather3A_1148 : vector<16xf32>
        %swap3A_1224 = arith.index_cast %add3A_1144 : i32 to index
        %swap3A_1225 = arith.constant 112 : index
        %swap3A_1226 = tpu.vector_load %arg10[%swap3A_1224, %swap3A_1225] {strides = array<i32>} : memref<320x128xf32, #tpu.memory_space<vmem>>, vector<1x16xf32>,
        %swap3A_1227 = vector.shape_cast %swap3A_1226 : vector<1x16xf32> to vector<16xf32>
        %swap3A_1228 = vector.shape_cast %mul3A_1223 : vector<16xf32> to vector<1x16xf32>
        tpu.vector_store %arg10[%swap3A_1224, %swap3A_1225], %swap3A_1228 {strides = array<i32>} : memref<320x128xf32, #tpu.memory_space<vmem>>, vector<1x16xf32>,
        %mul3A_1229 = arith.constant 16 : i32
        %mul3A_1230 = arith.muli %scan3A_319, %mul3A_1229 : i32
        %add3A_1231 = arith.addi %mul3A_259, %mul3A_1230 : i32
        %add3A_1232 = arith.constant 10 : i32
        %add3A_1233 = arith.addi %add3A_1231, %add3A_1232 : i32
        %broadcast_in_dim3A_1234 = arith.constant 10 : i32
        %broadcast_in_dim3A_1235 = vector.broadcast %broadcast_in_dim3A_1234 : i32 to vector<16x1xi32>
        %gather3A_1236 = vector.shape_cast %broadcast_in_dim3A_1235 : vector<16x1xi32> to vector<16xi32>
        %gather3A_1237 = tpu.dynamic_gather %get3A_340[%gather3A_1236] in [0] : vector<16xf32>, vector<16xi32> -> vector<16xf32>
        %get3A_1238 = arith.index_cast %add3A_1233 : i32 to index
        %get3A_1239 = arith.constant 0 : index
        %get3A_1240 = tpu.vector_load %arg10[%get3A_1238, %get3A_1239] {strides = array<i32>} : memref<320x128xf32, #tpu.memory_space<vmem>>, vector<1x16xf32>,
        %get3A_1241 = vector.shape_cast %get3A_1240 : vector<1x16xf32> to vector<16xf32>
        %mul3A_1242 = arith.mulf %get3A_1241, %gather3A_1237 : vector<16xf32>
        %swap3A_1243 = arith.index_cast %add3A_1233 : i32 to index
        %swap3A_1244 = arith.constant 0 : index
        %swap3A_1245 = tpu.vector_load %arg10[%swap3A_1243, %swap3A_1244] {strides = array<i32>} : memref<320x128xf32, #tpu.memory_space<vmem>>, vector<1x16xf32>,
        %swap3A_1246 = vector.shape_cast %swap3A_1245 : vector<1x16xf32> to vector<16xf32>
        %swap3A_1247 = vector.shape_cast %mul3A_1242 : vector<16xf32> to vector<1x16xf32>
        tpu.vector_store %arg10[%swap3A_1243, %swap3A_1244], %swap3A_1247 {strides = array<i32>} : memref<320x128xf32, #tpu.memory_space<vmem>>, vector<1x16xf32>,
        %get3A_1248 = arith.index_cast %add3A_1233 : i32 to index
        %get3A_1249 = arith.constant 16 : index
        %get3A_1250 = tpu.vector_load %arg10[%get3A_1248, %get3A_1249] {strides = array<i32>} : memref<320x128xf32, #tpu.memory_space<vmem>>, vector<1x16xf32>,
        %get3A_1251 = vector.shape_cast %get3A_1250 : vector<1x16xf32> to vector<16xf32>
        %mul3A_1252 = arith.mulf %get3A_1251, %gather3A_1237 : vector<16xf32>
        %swap3A_1253 = arith.index_cast %add3A_1233 : i32 to index
        %swap3A_1254 = arith.constant 16 : index
        %swap3A_1255 = tpu.vector_load %arg10[%swap3A_1253, %swap3A_1254] {strides = array<i32>} : memref<320x128xf32, #tpu.memory_space<vmem>>, vector<1x16xf32>,
        %swap3A_1256 = vector.shape_cast %swap3A_1255 : vector<1x16xf32> to vector<16xf32>
        %swap3A_1257 = vector.shape_cast %mul3A_1252 : vector<16xf32> to vector<1x16xf32>
        tpu.vector_store %arg10[%swap3A_1253, %swap3A_1254], %swap3A_1257 {strides = array<i32>} : memref<320x128xf32, #tpu.memory_space<vmem>>, vector<1x16xf32>,
        %get3A_1258 = arith.index_cast %add3A_1233 : i32 to index
        %get3A_1259 = arith.constant 32 : index
        %get3A_1260 = tpu.vector_load %arg10[%get3A_1258, %get3A_1259] {strides = array<i32>} : memref<320x128xf32, #tpu.memory_space<vmem>>, vector<1x16xf32>,
        %get3A_1261 = vector.shape_cast %get3A_1260 : vector<1x16xf32> to vector<16xf32>
        %mul3A_1262 = arith.mulf %get3A_1261, %gather3A_1237 : vector<16xf32>
        %swap3A_1263 = arith.index_cast %add3A_1233 : i32 to index
        %swap3A_1264 = arith.constant 32 : index
        %swap3A_1265 = tpu.vector_load %arg10[%swap3A_1263, %swap3A_1264] {strides = array<i32>} : memref<320x128xf32, #tpu.memory_space<vmem>>, vector<1x16xf32>,
        %swap3A_1266 = vector.shape_cast %swap3A_1265 : vector<1x16xf32> to vector<16xf32>
        %swap3A_1267 = vector.shape_cast %mul3A_1262 : vector<16xf32> to vector<1x16xf32>
        tpu.vector_store %arg10[%swap3A_1263, %swap3A_1264], %swap3A_1267 {strides = array<i32>} : memref<320x128xf32, #tpu.memory_space<vmem>>, vector<1x16xf32>,
        %get3A_1268 = arith.index_cast %add3A_1233 : i32 to index
        %get3A_1269 = arith.constant 48 : index
        %get3A_1270 = tpu.vector_load %arg10[%get3A_1268, %get3A_1269] {strides = array<i32>} : memref<320x128xf32, #tpu.memory_space<vmem>>, vector<1x16xf32>,
        %get3A_1271 = vector.shape_cast %get3A_1270 : vector<1x16xf32> to vector<16xf32>
        %mul3A_1272 = arith.mulf %get3A_1271, %gather3A_1237 : vector<16xf32>
        %swap3A_1273 = arith.index_cast %add3A_1233 : i32 to index
        %swap3A_1274 = arith.constant 48 : index
        %swap3A_1275 = tpu.vector_load %arg10[%swap3A_1273, %swap3A_1274] {strides = array<i32>} : memref<320x128xf32, #tpu.memory_space<vmem>>, vector<1x16xf32>,
        %swap3A_1276 = vector.shape_cast %swap3A_1275 : vector<1x16xf32> to vector<16xf32>
        %swap3A_1277 = vector.shape_cast %mul3A_1272 : vector<16xf32> to vector<1x16xf32>
        tpu.vector_store %arg10[%swap3A_1273, %swap3A_1274], %swap3A_1277 {strides = array<i32>} : memref<320x128xf32, #tpu.memory_space<vmem>>, vector<1x16xf32>,
        %get3A_1278 = arith.index_cast %add3A_1233 : i32 to index
        %get3A_1279 = arith.constant 64 : index
        %get3A_1280 = tpu.vector_load %arg10[%get3A_1278, %get3A_1279] {strides = array<i32>} : memref<320x128xf32, #tpu.memory_space<vmem>>, vector<1x16xf32>,
        %get3A_1281 = vector.shape_cast %get3A_1280 : vector<1x16xf32> to vector<16xf32>
        %mul3A_1282 = arith.mulf %get3A_1281, %gather3A_1237 : vector<16xf32>
        %swap3A_1283 = arith.index_cast %add3A_1233 : i32 to index
        %swap3A_1284 = arith.constant 64 : index
        %swap3A_1285 = tpu.vector_load %arg10[%swap3A_1283, %swap3A_1284] {strides = array<i32>} : memref<320x128xf32, #tpu.memory_space<vmem>>, vector<1x16xf32>,
        %swap3A_1286 = vector.shape_cast %swap3A_1285 : vector<1x16xf32> to vector<16xf32>
        %swap3A_1287 = vector.shape_cast %mul3A_1282 : vector<16xf32> to vector<1x16xf32>
        tpu.vector_store %arg10[%swap3A_1283, %swap3A_1284], %swap3A_1287 {strides = array<i32>} : memref<320x128xf32, #tpu.memory_space<vmem>>, vector<1x16xf32>,
        %get3A_1288 = arith.index_cast %add3A_1233 : i32 to index
        %get3A_1289 = arith.constant 80 : index
        %get3A_1290 = tpu.vector_load %arg10[%get3A_1288, %get3A_1289] {strides = array<i32>} : memref<320x128xf32, #tpu.memory_space<vmem>>, vector<1x16xf32>,
        %get3A_1291 = vector.shape_cast %get3A_1290 : vector<1x16xf32> to vector<16xf32>
        %mul3A_1292 = arith.mulf %get3A_1291, %gather3A_1237 : vector<16xf32>
        %swap3A_1293 = arith.index_cast %add3A_1233 : i32 to index
        %swap3A_1294 = arith.constant 80 : index
        %swap3A_1295 = tpu.vector_load %arg10[%swap3A_1293, %swap3A_1294] {strides = array<i32>} : memref<320x128xf32, #tpu.memory_space<vmem>>, vector<1x16xf32>,
        %swap3A_1296 = vector.shape_cast %swap3A_1295 : vector<1x16xf32> to vector<16xf32>
        %swap3A_1297 = vector.shape_cast %mul3A_1292 : vector<16xf32> to vector<1x16xf32>
        tpu.vector_store %arg10[%swap3A_1293, %swap3A_1294], %swap3A_1297 {strides = array<i32>} : memref<320x128xf32, #tpu.memory_space<vmem>>, vector<1x16xf32>,
        %get3A_1298 = arith.index_cast %add3A_1233 : i32 to index
        %get3A_1299 = arith.constant 96 : index
        %get3A_1300 = tpu.vector_load %arg10[%get3A_1298, %get3A_1299] {strides = array<i32>} : memref<320x128xf32, #tpu.memory_space<vmem>>, vector<1x16xf32>,
        %get3A_1301 = vector.shape_cast %get3A_1300 : vector<1x16xf32> to vector<16xf32>
        %mul3A_1302 = arith.mulf %get3A_1301, %gather3A_1237 : vector<16xf32>
        %swap3A_1303 = arith.index_cast %add3A_1233 : i32 to index
        %swap3A_1304 = arith.constant 96 : index
        %swap3A_1305 = tpu.vector_load %arg10[%swap3A_1303, %swap3A_1304] {strides = array<i32>} : memref<320x128xf32, #tpu.memory_space<vmem>>, vector<1x16xf32>,
        %swap3A_1306 = vector.shape_cast %swap3A_1305 : vector<1x16xf32> to vector<16xf32>
        %swap3A_1307 = vector.shape_cast %mul3A_1302 : vector<16xf32> to vector<1x16xf32>
        tpu.vector_store %arg10[%swap3A_1303, %swap3A_1304], %swap3A_1307 {strides = array<i32>} : memref<320x128xf32, #tpu.memory_space<vmem>>, vector<1x16xf32>,
        %get3A_1308 = arith.index_cast %add3A_1233 : i32 to index
        %get3A_1309 = arith.constant 112 : index
        %get3A_1310 = tpu.vector_load %arg10[%get3A_1308, %get3A_1309] {strides = array<i32>} : memref<320x128xf32, #tpu.memory_space<vmem>>, vector<1x16xf32>,
        %get3A_1311 = vector.shape_cast %get3A_1310 : vector<1x16xf32> to vector<16xf32>
        %mul3A_1312 = arith.mulf %get3A_1311, %gather3A_1237 : vector<16xf32>
        %swap3A_1313 = arith.index_cast %add3A_1233 : i32 to index
        %swap3A_1314 = arith.constant 112 : index
        %swap3A_1315 = tpu.vector_load %arg10[%swap3A_1313, %swap3A_1314] {strides = array<i32>} : memref<320x128xf32, #tpu.memory_space<vmem>>, vector<1x16xf32>,
        %swap3A_1316 = vector.shape_cast %swap3A_1315 : vector<1x16xf32> to vector<16xf32>
        %swap3A_1317 = vector.shape_cast %mul3A_1312 : vector<16xf32> to vector<1x16xf32>
        tpu.vector_store %arg10[%swap3A_1313, %swap3A_1314], %swap3A_1317 {strides = array<i32>} : memref<320x128xf32, #tpu.memory_space<vmem>>, vector<1x16xf32>,
        %mul3A_1318 = arith.constant 16 : i32
        %mul3A_1319 = arith.muli %scan3A_319, %mul3A_1318 : i32
        %add3A_1320 = arith.addi %mul3A_259, %mul3A_1319 : i32
        %add3A_1321 = arith.constant 11 : i32
        %add3A_1322 = arith.addi %add3A_1320, %add3A_1321 : i32
        %broadcast_in_dim3A_1323 = arith.constant 11 : i32
        %broadcast_in_dim3A_1324 = vector.broadcast %broadcast_in_dim3A_1323 : i32 to vector<16x1xi32>
        %gather3A_1325 = vector.shape_cast %broadcast_in_dim3A_1324 : vector<16x1xi32> to vector<16xi32>
        %gather3A_1326 = tpu.dynamic_gather %get3A_340[%gather3A_1325] in [0] : vector<16xf32>, vector<16xi32> -> vector<16xf32>
        %get3A_1327 = arith.index_cast %add3A_1322 : i32 to index
        %get3A_1328 = arith.constant 0 : index
        %get3A_1329 = tpu.vector_load %arg10[%get3A_1327, %get3A_1328] {strides = array<i32>} : memref<320x128xf32, #tpu.memory_space<vmem>>, vector<1x16xf32>,
        %get3A_1330 = vector.shape_cast %get3A_1329 : vector<1x16xf32> to vector<16xf32>
        %mul3A_1331 = arith.mulf %get3A_1330, %gather3A_1326 : vector<16xf32>
        %swap3A_1332 = arith.index_cast %add3A_1322 : i32 to index
        %swap3A_1333 = arith.constant 0 : index
        %swap3A_1334 = tpu.vector_load %arg10[%swap3A_1332, %swap3A_1333] {strides = array<i32>} : memref<320x128xf32, #tpu.memory_space<vmem>>, vector<1x16xf32>,
        %swap3A_1335 = vector.shape_cast %swap3A_1334 : vector<1x16xf32> to vector<16xf32>
        %swap3A_1336 = vector.shape_cast %mul3A_1331 : vector<16xf32> to vector<1x16xf32>
        tpu.vector_store %arg10[%swap3A_1332, %swap3A_1333], %swap3A_1336 {strides = array<i32>} : memref<320x128xf32, #tpu.memory_space<vmem>>, vector<1x16xf32>,
        %get3A_1337 = arith.index_cast %add3A_1322 : i32 to index
        %get3A_1338 = arith.constant 16 : index
        %get3A_1339 = tpu.vector_load %arg10[%get3A_1337, %get3A_1338] {strides = array<i32>} : memref<320x128xf32, #tpu.memory_space<vmem>>, vector<1x16xf32>,
        %get3A_1340 = vector.shape_cast %get3A_1339 : vector<1x16xf32> to vector<16xf32>
        %mul3A_1341 = arith.mulf %get3A_1340, %gather3A_1326 : vector<16xf32>
        %swap3A_1342 = arith.index_cast %add3A_1322 : i32 to index
        %swap3A_1343 = arith.constant 16 : index
        %swap3A_1344 = tpu.vector_load %arg10[%swap3A_1342, %swap3A_1343] {strides = array<i32>} : memref<320x128xf32, #tpu.memory_space<vmem>>, vector<1x16xf32>,
        %swap3A_1345 = vector.shape_cast %swap3A_1344 : vector<1x16xf32> to vector<16xf32>
        %swap3A_1346 = vector.shape_cast %mul3A_1341 : vector<16xf32> to vector<1x16xf32>
        tpu.vector_store %arg10[%swap3A_1342, %swap3A_1343], %swap3A_1346 {strides = array<i32>} : memref<320x128xf32, #tpu.memory_space<vmem>>, vector<1x16xf32>,
        %get3A_1347 = arith.index_cast %add3A_1322 : i32 to index
        %get3A_1348 = arith.constant 32 : index
        %get3A_1349 = tpu.vector_load %arg10[%get3A_1347, %get3A_1348] {strides = array<i32>} : memref<320x128xf32, #tpu.memory_space<vmem>>, vector<1x16xf32>,
        %get3A_1350 = vector.shape_cast %get3A_1349 : vector<1x16xf32> to vector<16xf32>
        %mul3A_1351 = arith.mulf %get3A_1350, %gather3A_1326 : vector<16xf32>
        %swap3A_1352 = arith.index_cast %add3A_1322 : i32 to index
        %swap3A_1353 = arith.constant 32 : index
        %swap3A_1354 = tpu.vector_load %arg10[%swap3A_1352, %swap3A_1353] {strides = array<i32>} : memref<320x128xf32, #tpu.memory_space<vmem>>, vector<1x16xf32>,
        %swap3A_1355 = vector.shape_cast %swap3A_1354 : vector<1x16xf32> to vector<16xf32>
        %swap3A_1356 = vector.shape_cast %mul3A_1351 : vector<16xf32> to vector<1x16xf32>
        tpu.vector_store %arg10[%swap3A_1352, %swap3A_1353], %swap3A_1356 {strides = array<i32>} : memref<320x128xf32, #tpu.memory_space<vmem>>, vector<1x16xf32>,
        %get3A_1357 = arith.index_cast %add3A_1322 : i32 to index
        %get3A_1358 = arith.constant 48 : index
        %get3A_1359 = tpu.vector_load %arg10[%get3A_1357, %get3A_1358] {strides = array<i32>} : memref<320x128xf32, #tpu.memory_space<vmem>>, vector<1x16xf32>,
        %get3A_1360 = vector.shape_cast %get3A_1359 : vector<1x16xf32> to vector<16xf32>
        %mul3A_1361 = arith.mulf %get3A_1360, %gather3A_1326 : vector<16xf32>
        %swap3A_1362 = arith.index_cast %add3A_1322 : i32 to index
        %swap3A_1363 = arith.constant 48 : index
        %swap3A_1364 = tpu.vector_load %arg10[%swap3A_1362, %swap3A_1363] {strides = array<i32>} : memref<320x128xf32, #tpu.memory_space<vmem>>, vector<1x16xf32>,
        %swap3A_1365 = vector.shape_cast %swap3A_1364 : vector<1x16xf32> to vector<16xf32>
        %swap3A_1366 = vector.shape_cast %mul3A_1361 : vector<16xf32> to vector<1x16xf32>
        tpu.vector_store %arg10[%swap3A_1362, %swap3A_1363], %swap3A_1366 {strides = array<i32>} : memref<320x128xf32, #tpu.memory_space<vmem>>, vector<1x16xf32>,
        %get3A_1367 = arith.index_cast %add3A_1322 : i32 to index
        %get3A_1368 = arith.constant 64 : index
        %get3A_1369 = tpu.vector_load %arg10[%get3A_1367, %get3A_1368] {strides = array<i32>} : memref<320x128xf32, #tpu.memory_space<vmem>>, vector<1x16xf32>,
        %get3A_1370 = vector.shape_cast %get3A_1369 : vector<1x16xf32> to vector<16xf32>
        %mul3A_1371 = arith.mulf %get3A_1370, %gather3A_1326 : vector<16xf32>
        %swap3A_1372 = arith.index_cast %add3A_1322 : i32 to index
        %swap3A_1373 = arith.constant 64 : index
        %swap3A_1374 = tpu.vector_load %arg10[%swap3A_1372, %swap3A_1373] {strides = array<i32>} : memref<320x128xf32, #tpu.memory_space<vmem>>, vector<1x16xf32>,
        %swap3A_1375 = vector.shape_cast %swap3A_1374 : vector<1x16xf32> to vector<16xf32>
        %swap3A_1376 = vector.shape_cast %mul3A_1371 : vector<16xf32> to vector<1x16xf32>
        tpu.vector_store %arg10[%swap3A_1372, %swap3A_1373], %swap3A_1376 {strides = array<i32>} : memref<320x128xf32, #tpu.memory_space<vmem>>, vector<1x16xf32>,
        %get3A_1377 = arith.index_cast %add3A_1322 : i32 to index
        %get3A_1378 = arith.constant 80 : index
        %get3A_1379 = tpu.vector_load %arg10[%get3A_1377, %get3A_1378] {strides = array<i32>} : memref<320x128xf32, #tpu.memory_space<vmem>>, vector<1x16xf32>,
        %get3A_1380 = vector.shape_cast %get3A_1379 : vector<1x16xf32> to vector<16xf32>
        %mul3A_1381 = arith.mulf %get3A_1380, %gather3A_1326 : vector<16xf32>
        %swap3A_1382 = arith.index_cast %add3A_1322 : i32 to index
        %swap3A_1383 = arith.constant 80 : index
        %swap3A_1384 = tpu.vector_load %arg10[%swap3A_1382, %swap3A_1383] {strides = array<i32>} : memref<320x128xf32, #tpu.memory_space<vmem>>, vector<1x16xf32>,
        %swap3A_1385 = vector.shape_cast %swap3A_1384 : vector<1x16xf32> to vector<16xf32>
        %swap3A_1386 = vector.shape_cast %mul3A_1381 : vector<16xf32> to vector<1x16xf32>
        tpu.vector_store %arg10[%swap3A_1382, %swap3A_1383], %swap3A_1386 {strides = array<i32>} : memref<320x128xf32, #tpu.memory_space<vmem>>, vector<1x16xf32>,
        %get3A_1387 = arith.index_cast %add3A_1322 : i32 to index
        %get3A_1388 = arith.constant 96 : index
        %get3A_1389 = tpu.vector_load %arg10[%get3A_1387, %get3A_1388] {strides = array<i32>} : memref<320x128xf32, #tpu.memory_space<vmem>>, vector<1x16xf32>,
        %get3A_1390 = vector.shape_cast %get3A_1389 : vector<1x16xf32> to vector<16xf32>
        %mul3A_1391 = arith.mulf %get3A_1390, %gather3A_1326 : vector<16xf32>
        %swap3A_1392 = arith.index_cast %add3A_1322 : i32 to index
        %swap3A_1393 = arith.constant 96 : index
        %swap3A_1394 = tpu.vector_load %arg10[%swap3A_1392, %swap3A_1393] {strides = array<i32>} : memref<320x128xf32, #tpu.memory_space<vmem>>, vector<1x16xf32>,
        %swap3A_1395 = vector.shape_cast %swap3A_1394 : vector<1x16xf32> to vector<16xf32>
        %swap3A_1396 = vector.shape_cast %mul3A_1391 : vector<16xf32> to vector<1x16xf32>
        tpu.vector_store %arg10[%swap3A_1392, %swap3A_1393], %swap3A_1396 {strides = array<i32>} : memref<320x128xf32, #tpu.memory_space<vmem>>, vector<1x16xf32>,
        %get3A_1397 = arith.index_cast %add3A_1322 : i32 to index
        %get3A_1398 = arith.constant 112 : index
        %get3A_1399 = tpu.vector_load %arg10[%get3A_1397, %get3A_1398] {strides = array<i32>} : memref<320x128xf32, #tpu.memory_space<vmem>>, vector<1x16xf32>,
        %get3A_1400 = vector.shape_cast %get3A_1399 : vector<1x16xf32> to vector<16xf32>
        %mul3A_1401 = arith.mulf %get3A_1400, %gather3A_1326 : vector<16xf32>
        %swap3A_1402 = arith.index_cast %add3A_1322 : i32 to index
        %swap3A_1403 = arith.constant 112 : index
        %swap3A_1404 = tpu.vector_load %arg10[%swap3A_1402, %swap3A_1403] {strides = array<i32>} : memref<320x128xf32, #tpu.memory_space<vmem>>, vector<1x16xf32>,
        %swap3A_1405 = vector.shape_cast %swap3A_1404 : vector<1x16xf32> to vector<16xf32>
        %swap3A_1406 = vector.shape_cast %mul3A_1401 : vector<16xf32> to vector<1x16xf32>
        tpu.vector_store %arg10[%swap3A_1402, %swap3A_1403], %swap3A_1406 {strides = array<i32>} : memref<320x128xf32, #tpu.memory_space<vmem>>, vector<1x16xf32>,
        %mul3A_1407 = arith.constant 16 : i32
        %mul3A_1408 = arith.muli %scan3A_319, %mul3A_1407 : i32
        %add3A_1409 = arith.addi %mul3A_259, %mul3A_1408 : i32
        %add3A_1410 = arith.constant 12 : i32
        %add3A_1411 = arith.addi %add3A_1409, %add3A_1410 : i32
        %broadcast_in_dim3A_1412 = arith.constant 12 : i32
        %broadcast_in_dim3A_1413 = vector.broadcast %broadcast_in_dim3A_1412 : i32 to vector<16x1xi32>
        %gather3A_1414 = vector.shape_cast %broadcast_in_dim3A_1413 : vector<16x1xi32> to vector<16xi32>
        %gather3A_1415 = tpu.dynamic_gather %get3A_340[%gather3A_1414] in [0] : vector<16xf32>, vector<16xi32> -> vector<16xf32>
        %get3A_1416 = arith.index_cast %add3A_1411 : i32 to index
        %get3A_1417 = arith.constant 0 : index
        %get3A_1418 = tpu.vector_load %arg10[%get3A_1416, %get3A_1417] {strides = array<i32>} : memref<320x128xf32, #tpu.memory_space<vmem>>, vector<1x16xf32>,
        %get3A_1419 = vector.shape_cast %get3A_1418 : vector<1x16xf32> to vector<16xf32>
        %mul3A_1420 = arith.mulf %get3A_1419, %gather3A_1415 : vector<16xf32>
        %swap3A_1421 = arith.index_cast %add3A_1411 : i32 to index
        %swap3A_1422 = arith.constant 0 : index
        %swap3A_1423 = tpu.vector_load %arg10[%swap3A_1421, %swap3A_1422] {strides = array<i32>} : memref<320x128xf32, #tpu.memory_space<vmem>>, vector<1x16xf32>,
        %swap3A_1424 = vector.shape_cast %swap3A_1423 : vector<1x16xf32> to vector<16xf32>
        %swap3A_1425 = vector.shape_cast %mul3A_1420 : vector<16xf32> to vector<1x16xf32>
        tpu.vector_store %arg10[%swap3A_1421, %swap3A_1422], %swap3A_1425 {strides = array<i32>} : memref<320x128xf32, #tpu.memory_space<vmem>>, vector<1x16xf32>,
        %get3A_1426 = arith.index_cast %add3A_1411 : i32 to index
        %get3A_1427 = arith.constant 16 : index
        %get3A_1428 = tpu.vector_load %arg10[%get3A_1426, %get3A_1427] {strides = array<i32>} : memref<320x128xf32, #tpu.memory_space<vmem>>, vector<1x16xf32>,
        %get3A_1429 = vector.shape_cast %get3A_1428 : vector<1x16xf32> to vector<16xf32>
        %mul3A_1430 = arith.mulf %get3A_1429, %gather3A_1415 : vector<16xf32>
        %swap3A_1431 = arith.index_cast %add3A_1411 : i32 to index
        %swap3A_1432 = arith.constant 16 : index
        %swap3A_1433 = tpu.vector_load %arg10[%swap3A_1431, %swap3A_1432] {strides = array<i32>} : memref<320x128xf32, #tpu.memory_space<vmem>>, vector<1x16xf32>,
        %swap3A_1434 = vector.shape_cast %swap3A_1433 : vector<1x16xf32> to vector<16xf32>
        %swap3A_1435 = vector.shape_cast %mul3A_1430 : vector<16xf32> to vector<1x16xf32>
        tpu.vector_store %arg10[%swap3A_1431, %swap3A_1432], %swap3A_1435 {strides = array<i32>} : memref<320x128xf32, #tpu.memory_space<vmem>>, vector<1x16xf32>,
        %get3A_1436 = arith.index_cast %add3A_1411 : i32 to index
        %get3A_1437 = arith.constant 32 : index
        %get3A_1438 = tpu.vector_load %arg10[%get3A_1436, %get3A_1437] {strides = array<i32>} : memref<320x128xf32, #tpu.memory_space<vmem>>, vector<1x16xf32>,
        %get3A_1439 = vector.shape_cast %get3A_1438 : vector<1x16xf32> to vector<16xf32>
        %mul3A_1440 = arith.mulf %get3A_1439, %gather3A_1415 : vector<16xf32>
        %swap3A_1441 = arith.index_cast %add3A_1411 : i32 to index
        %swap3A_1442 = arith.constant 32 : index
        %swap3A_1443 = tpu.vector_load %arg10[%swap3A_1441, %swap3A_1442] {strides = array<i32>} : memref<320x128xf32, #tpu.memory_space<vmem>>, vector<1x16xf32>,
        %swap3A_1444 = vector.shape_cast %swap3A_1443 : vector<1x16xf32> to vector<16xf32>
        %swap3A_1445 = vector.shape_cast %mul3A_1440 : vector<16xf32> to vector<1x16xf32>
        tpu.vector_store %arg10[%swap3A_1441, %swap3A_1442], %swap3A_1445 {strides = array<i32>} : memref<320x128xf32, #tpu.memory_space<vmem>>, vector<1x16xf32>,
        %get3A_1446 = arith.index_cast %add3A_1411 : i32 to index
        %get3A_1447 = arith.constant 48 : index
        %get3A_1448 = tpu.vector_load %arg10[%get3A_1446, %get3A_1447] {strides = array<i32>} : memref<320x128xf32, #tpu.memory_space<vmem>>, vector<1x16xf32>,
        %get3A_1449 = vector.shape_cast %get3A_1448 : vector<1x16xf32> to vector<16xf32>
        %mul3A_1450 = arith.mulf %get3A_1449, %gather3A_1415 : vector<16xf32>
        %swap3A_1451 = arith.index_cast %add3A_1411 : i32 to index
        %swap3A_1452 = arith.constant 48 : index
        %swap3A_1453 = tpu.vector_load %arg10[%swap3A_1451, %swap3A_1452] {strides = array<i32>} : memref<320x128xf32, #tpu.memory_space<vmem>>, vector<1x16xf32>,
        %swap3A_1454 = vector.shape_cast %swap3A_1453 : vector<1x16xf32> to vector<16xf32>
        %swap3A_1455 = vector.shape_cast %mul3A_1450 : vector<16xf32> to vector<1x16xf32>
        tpu.vector_store %arg10[%swap3A_1451, %swap3A_1452], %swap3A_1455 {strides = array<i32>} : memref<320x128xf32, #tpu.memory_space<vmem>>, vector<1x16xf32>,
        %get3A_1456 = arith.index_cast %add3A_1411 : i32 to index
        %get3A_1457 = arith.constant 64 : index
        %get3A_1458 = tpu.vector_load %arg10[%get3A_1456, %get3A_1457] {strides = array<i32>} : memref<320x128xf32, #tpu.memory_space<vmem>>, vector<1x16xf32>,
        %get3A_1459 = vector.shape_cast %get3A_1458 : vector<1x16xf32> to vector<16xf32>
        %mul3A_1460 = arith.mulf %get3A_1459, %gather3A_1415 : vector<16xf32>
        %swap3A_1461 = arith.index_cast %add3A_1411 : i32 to index
        %swap3A_1462 = arith.constant 64 : index
        %swap3A_1463 = tpu.vector_load %arg10[%swap3A_1461, %swap3A_1462] {strides = array<i32>} : memref<320x128xf32, #tpu.memory_space<vmem>>, vector<1x16xf32>,
        %swap3A_1464 = vector.shape_cast %swap3A_1463 : vector<1x16xf32> to vector<16xf32>
        %swap3A_1465 = vector.shape_cast %mul3A_1460 : vector<16xf32> to vector<1x16xf32>
        tpu.vector_store %arg10[%swap3A_1461, %swap3A_1462], %swap3A_1465 {strides = array<i32>} : memref<320x128xf32, #tpu.memory_space<vmem>>, vector<1x16xf32>,
        %get3A_1466 = arith.index_cast %add3A_1411 : i32 to index
        %get3A_1467 = arith.constant 80 : index
        %get3A_1468 = tpu.vector_load %arg10[%get3A_1466, %get3A_1467] {strides = array<i32>} : memref<320x128xf32, #tpu.memory_space<vmem>>, vector<1x16xf32>,
        %get3A_1469 = vector.shape_cast %get3A_1468 : vector<1x16xf32> to vector<16xf32>
        %mul3A_1470 = arith.mulf %get3A_1469, %gather3A_1415 : vector<16xf32>
        %swap3A_1471 = arith.index_cast %add3A_1411 : i32 to index
        %swap3A_1472 = arith.constant 80 : index
        %swap3A_1473 = tpu.vector_load %arg10[%swap3A_1471, %swap3A_1472] {strides = array<i32>} : memref<320x128xf32, #tpu.memory_space<vmem>>, vector<1x16xf32>,
        %swap3A_1474 = vector.shape_cast %swap3A_1473 : vector<1x16xf32> to vector<16xf32>
        %swap3A_1475 = vector.shape_cast %mul3A_1470 : vector<16xf32> to vector<1x16xf32>
        tpu.vector_store %arg10[%swap3A_1471, %swap3A_1472], %swap3A_1475 {strides = array<i32>} : memref<320x128xf32, #tpu.memory_space<vmem>>, vector<1x16xf32>,
        %get3A_1476 = arith.index_cast %add3A_1411 : i32 to index
        %get3A_1477 = arith.constant 96 : index
        %get3A_1478 = tpu.vector_load %arg10[%get3A_1476, %get3A_1477] {strides = array<i32>} : memref<320x128xf32, #tpu.memory_space<vmem>>, vector<1x16xf32>,
        %get3A_1479 = vector.shape_cast %get3A_1478 : vector<1x16xf32> to vector<16xf32>
        %mul3A_1480 = arith.mulf %get3A_1479, %gather3A_1415 : vector<16xf32>
        %swap3A_1481 = arith.index_cast %add3A_1411 : i32 to index
        %swap3A_1482 = arith.constant 96 : index
        %swap3A_1483 = tpu.vector_load %arg10[%swap3A_1481, %swap3A_1482] {strides = array<i32>} : memref<320x128xf32, #tpu.memory_space<vmem>>, vector<1x16xf32>,
        %swap3A_1484 = vector.shape_cast %swap3A_1483 : vector<1x16xf32> to vector<16xf32>
        %swap3A_1485 = vector.shape_cast %mul3A_1480 : vector<16xf32> to vector<1x16xf32>
        tpu.vector_store %arg10[%swap3A_1481, %swap3A_1482], %swap3A_1485 {strides = array<i32>} : memref<320x128xf32, #tpu.memory_space<vmem>>, vector<1x16xf32>,
        %get3A_1486 = arith.index_cast %add3A_1411 : i32 to index
        %get3A_1487 = arith.constant 112 : index
        %get3A_1488 = tpu.vector_load %arg10[%get3A_1486, %get3A_1487] {strides = array<i32>} : memref<320x128xf32, #tpu.memory_space<vmem>>, vector<1x16xf32>,
        %get3A_1489 = vector.shape_cast %get3A_1488 : vector<1x16xf32> to vector<16xf32>
        %mul3A_1490 = arith.mulf %get3A_1489, %gather3A_1415 : vector<16xf32>
        %swap3A_1491 = arith.index_cast %add3A_1411 : i32 to index
        %swap3A_1492 = arith.constant 112 : index
        %swap3A_1493 = tpu.vector_load %arg10[%swap3A_1491, %swap3A_1492] {strides = array<i32>} : memref<320x128xf32, #tpu.memory_space<vmem>>, vector<1x16xf32>,
        %swap3A_1494 = vector.shape_cast %swap3A_1493 : vector<1x16xf32> to vector<16xf32>
        %swap3A_1495 = vector.shape_cast %mul3A_1490 : vector<16xf32> to vector<1x16xf32>
        tpu.vector_store %arg10[%swap3A_1491, %swap3A_1492], %swap3A_1495 {strides = array<i32>} : memref<320x128xf32, #tpu.memory_space<vmem>>, vector<1x16xf32>,
        %mul3A_1496 = arith.constant 16 : i32
        %mul3A_1497 = arith.muli %scan3A_319, %mul3A_1496 : i32
        %add3A_1498 = arith.addi %mul3A_259, %mul3A_1497 : i32
        %add3A_1499 = arith.constant 13 : i32
        %add3A_1500 = arith.addi %add3A_1498, %add3A_1499 : i32
        %broadcast_in_dim3A_1501 = arith.constant 13 : i32
        %broadcast_in_dim3A_1502 = vector.broadcast %broadcast_in_dim3A_1501 : i32 to vector<16x1xi32>
        %gather3A_1503 = vector.shape_cast %broadcast_in_dim3A_1502 : vector<16x1xi32> to vector<16xi32>
        %gather3A_1504 = tpu.dynamic_gather %get3A_340[%gather3A_1503] in [0] : vector<16xf32>, vector<16xi32> -> vector<16xf32>
        %get3A_1505 = arith.index_cast %add3A_1500 : i32 to index
        %get3A_1506 = arith.constant 0 : index
        %get3A_1507 = tpu.vector_load %arg10[%get3A_1505, %get3A_1506] {strides = array<i32>} : memref<320x128xf32, #tpu.memory_space<vmem>>, vector<1x16xf32>,
        %get3A_1508 = vector.shape_cast %get3A_1507 : vector<1x16xf32> to vector<16xf32>
        %mul3A_1509 = arith.mulf %get3A_1508, %gather3A_1504 : vector<16xf32>
        %swap3A_1510 = arith.index_cast %add3A_1500 : i32 to index
        %swap3A_1511 = arith.constant 0 : index
        %swap3A_1512 = tpu.vector_load %arg10[%swap3A_1510, %swap3A_1511] {strides = array<i32>} : memref<320x128xf32, #tpu.memory_space<vmem>>, vector<1x16xf32>,
        %swap3A_1513 = vector.shape_cast %swap3A_1512 : vector<1x16xf32> to vector<16xf32>
        %swap3A_1514 = vector.shape_cast %mul3A_1509 : vector<16xf32> to vector<1x16xf32>
        tpu.vector_store %arg10[%swap3A_1510, %swap3A_1511], %swap3A_1514 {strides = array<i32>} : memref<320x128xf32, #tpu.memory_space<vmem>>, vector<1x16xf32>,
        %get3A_1515 = arith.index_cast %add3A_1500 : i32 to index
        %get3A_1516 = arith.constant 16 : index
        %get3A_1517 = tpu.vector_load %arg10[%get3A_1515, %get3A_1516] {strides = array<i32>} : memref<320x128xf32, #tpu.memory_space<vmem>>, vector<1x16xf32>,
        %get3A_1518 = vector.shape_cast %get3A_1517 : vector<1x16xf32> to vector<16xf32>
        %mul3A_1519 = arith.mulf %get3A_1518, %gather3A_1504 : vector<16xf32>
        %swap3A_1520 = arith.index_cast %add3A_1500 : i32 to index
        %swap3A_1521 = arith.constant 16 : index
        %swap3A_1522 = tpu.vector_load %arg10[%swap3A_1520, %swap3A_1521] {strides = array<i32>} : memref<320x128xf32, #tpu.memory_space<vmem>>, vector<1x16xf32>,
        %swap3A_1523 = vector.shape_cast %swap3A_1522 : vector<1x16xf32> to vector<16xf32>
        %swap3A_1524 = vector.shape_cast %mul3A_1519 : vector<16xf32> to vector<1x16xf32>
        tpu.vector_store %arg10[%swap3A_1520, %swap3A_1521], %swap3A_1524 {strides = array<i32>} : memref<320x128xf32, #tpu.memory_space<vmem>>, vector<1x16xf32>,
        %get3A_1525 = arith.index_cast %add3A_1500 : i32 to index
        %get3A_1526 = arith.constant 32 : index
        %get3A_1527 = tpu.vector_load %arg10[%get3A_1525, %get3A_1526] {strides = array<i32>} : memref<320x128xf32, #tpu.memory_space<vmem>>, vector<1x16xf32>,
        %get3A_1528 = vector.shape_cast %get3A_1527 : vector<1x16xf32> to vector<16xf32>
        %mul3A_1529 = arith.mulf %get3A_1528, %gather3A_1504 : vector<16xf32>
        %swap3A_1530 = arith.index_cast %add3A_1500 : i32 to index
        %swap3A_1531 = arith.constant 32 : index
        %swap3A_1532 = tpu.vector_load %arg10[%swap3A_1530, %swap3A_1531] {strides = array<i32>} : memref<320x128xf32, #tpu.memory_space<vmem>>, vector<1x16xf32>,
        %swap3A_1533 = vector.shape_cast %swap3A_1532 : vector<1x16xf32> to vector<16xf32>
        %swap3A_1534 = vector.shape_cast %mul3A_1529 : vector<16xf32> to vector<1x16xf32>
        tpu.vector_store %arg10[%swap3A_1530, %swap3A_1531], %swap3A_1534 {strides = array<i32>} : memref<320x128xf32, #tpu.memory_space<vmem>>, vector<1x16xf32>,
        %get3A_1535 = arith.index_cast %add3A_1500 : i32 to index
        %get3A_1536 = arith.constant 48 : index
        %get3A_1537 = tpu.vector_load %arg10[%get3A_1535, %get3A_1536] {strides = array<i32>} : memref<320x128xf32, #tpu.memory_space<vmem>>, vector<1x16xf32>,
        %get3A_1538 = vector.shape_cast %get3A_1537 : vector<1x16xf32> to vector<16xf32>
        %mul3A_1539 = arith.mulf %get3A_1538, %gather3A_1504 : vector<16xf32>
        %swap3A_1540 = arith.index_cast %add3A_1500 : i32 to index
        %swap3A_1541 = arith.constant 48 : index
        %swap3A_1542 = tpu.vector_load %arg10[%swap3A_1540, %swap3A_1541] {strides = array<i32>} : memref<320x128xf32, #tpu.memory_space<vmem>>, vector<1x16xf32>,
        %swap3A_1543 = vector.shape_cast %swap3A_1542 : vector<1x16xf32> to vector<16xf32>
        %swap3A_1544 = vector.shape_cast %mul3A_1539 : vector<16xf32> to vector<1x16xf32>
        tpu.vector_store %arg10[%swap3A_1540, %swap3A_1541], %swap3A_1544 {strides = array<i32>} : memref<320x128xf32, #tpu.memory_space<vmem>>, vector<1x16xf32>,
        %get3A_1545 = arith.index_cast %add3A_1500 : i32 to index
        %get3A_1546 = arith.constant 64 : index
        %get3A_1547 = tpu.vector_load %arg10[%get3A_1545, %get3A_1546] {strides = array<i32>} : memref<320x128xf32, #tpu.memory_space<vmem>>, vector<1x16xf32>,
        %get3A_1548 = vector.shape_cast %get3A_1547 : vector<1x16xf32> to vector<16xf32>
        %mul3A_1549 = arith.mulf %get3A_1548, %gather3A_1504 : vector<16xf32>
        %swap3A_1550 = arith.index_cast %add3A_1500 : i32 to index
        %swap3A_1551 = arith.constant 64 : index
        %swap3A_1552 = tpu.vector_load %arg10[%swap3A_1550, %swap3A_1551] {strides = array<i32>} : memref<320x128xf32, #tpu.memory_space<vmem>>, vector<1x16xf32>,
        %swap3A_1553 = vector.shape_cast %swap3A_1552 : vector<1x16xf32> to vector<16xf32>
        %swap3A_1554 = vector.shape_cast %mul3A_1549 : vector<16xf32> to vector<1x16xf32>
        tpu.vector_store %arg10[%swap3A_1550, %swap3A_1551], %swap3A_1554 {strides = array<i32>} : memref<320x128xf32, #tpu.memory_space<vmem>>, vector<1x16xf32>,
        %get3A_1555 = arith.index_cast %add3A_1500 : i32 to index
        %get3A_1556 = arith.constant 80 : index
        %get3A_1557 = tpu.vector_load %arg10[%get3A_1555, %get3A_1556] {strides = array<i32>} : memref<320x128xf32, #tpu.memory_space<vmem>>, vector<1x16xf32>,
        %get3A_1558 = vector.shape_cast %get3A_1557 : vector<1x16xf32> to vector<16xf32>
        %mul3A_1559 = arith.mulf %get3A_1558, %gather3A_1504 : vector<16xf32>
        %swap3A_1560 = arith.index_cast %add3A_1500 : i32 to index
        %swap3A_1561 = arith.constant 80 : index
        %swap3A_1562 = tpu.vector_load %arg10[%swap3A_1560, %swap3A_1561] {strides = array<i32>} : memref<320x128xf32, #tpu.memory_space<vmem>>, vector<1x16xf32>,
        %swap3A_1563 = vector.shape_cast %swap3A_1562 : vector<1x16xf32> to vector<16xf32>
        %swap3A_1564 = vector.shape_cast %mul3A_1559 : vector<16xf32> to vector<1x16xf32>
        tpu.vector_store %arg10[%swap3A_1560, %swap3A_1561], %swap3A_1564 {strides = array<i32>} : memref<320x128xf32, #tpu.memory_space<vmem>>, vector<1x16xf32>,
        %get3A_1565 = arith.index_cast %add3A_1500 : i32 to index
        %get3A_1566 = arith.constant 96 : index
        %get3A_1567 = tpu.vector_load %arg10[%get3A_1565, %get3A_1566] {strides = array<i32>} : memref<320x128xf32, #tpu.memory_space<vmem>>, vector<1x16xf32>,
        %get3A_1568 = vector.shape_cast %get3A_1567 : vector<1x16xf32> to vector<16xf32>
        %mul3A_1569 = arith.mulf %get3A_1568, %gather3A_1504 : vector<16xf32>
        %swap3A_1570 = arith.index_cast %add3A_1500 : i32 to index
        %swap3A_1571 = arith.constant 96 : index
        %swap3A_1572 = tpu.vector_load %arg10[%swap3A_1570, %swap3A_1571] {strides = array<i32>} : memref<320x128xf32, #tpu.memory_space<vmem>>, vector<1x16xf32>,
        %swap3A_1573 = vector.shape_cast %swap3A_1572 : vector<1x16xf32> to vector<16xf32>
        %swap3A_1574 = vector.shape_cast %mul3A_1569 : vector<16xf32> to vector<1x16xf32>
        tpu.vector_store %arg10[%swap3A_1570, %swap3A_1571], %swap3A_1574 {strides = array<i32>} : memref<320x128xf32, #tpu.memory_space<vmem>>, vector<1x16xf32>,
        %get3A_1575 = arith.index_cast %add3A_1500 : i32 to index
        %get3A_1576 = arith.constant 112 : index
        %get3A_1577 = tpu.vector_load %arg10[%get3A_1575, %get3A_1576] {strides = array<i32>} : memref<320x128xf32, #tpu.memory_space<vmem>>, vector<1x16xf32>,
        %get3A_1578 = vector.shape_cast %get3A_1577 : vector<1x16xf32> to vector<16xf32>
        %mul3A_1579 = arith.mulf %get3A_1578, %gather3A_1504 : vector<16xf32>
        %swap3A_1580 = arith.index_cast %add3A_1500 : i32 to index
        %swap3A_1581 = arith.constant 112 : index
        %swap3A_1582 = tpu.vector_load %arg10[%swap3A_1580, %swap3A_1581] {strides = array<i32>} : memref<320x128xf32, #tpu.memory_space<vmem>>, vector<1x16xf32>,
        %swap3A_1583 = vector.shape_cast %swap3A_1582 : vector<1x16xf32> to vector<16xf32>
        %swap3A_1584 = vector.shape_cast %mul3A_1579 : vector<16xf32> to vector<1x16xf32>
        tpu.vector_store %arg10[%swap3A_1580, %swap3A_1581], %swap3A_1584 {strides = array<i32>} : memref<320x128xf32, #tpu.memory_space<vmem>>, vector<1x16xf32>,
        %mul3A_1585 = arith.constant 16 : i32
        %mul3A_1586 = arith.muli %scan3A_319, %mul3A_1585 : i32
        %add3A_1587 = arith.addi %mul3A_259, %mul3A_1586 : i32
        %add3A_1588 = arith.constant 14 : i32
        %add3A_1589 = arith.addi %add3A_1587, %add3A_1588 : i32
        %broadcast_in_dim3A_1590 = arith.constant 14 : i32
        %broadcast_in_dim3A_1591 = vector.broadcast %broadcast_in_dim3A_1590 : i32 to vector<16x1xi32>
        %gather3A_1592 = vector.shape_cast %broadcast_in_dim3A_1591 : vector<16x1xi32> to vector<16xi32>
        %gather3A_1593 = tpu.dynamic_gather %get3A_340[%gather3A_1592] in [0] : vector<16xf32>, vector<16xi32> -> vector<16xf32>
        %get3A_1594 = arith.index_cast %add3A_1589 : i32 to index
        %get3A_1595 = arith.constant 0 : index
        %get3A_1596 = tpu.vector_load %arg10[%get3A_1594, %get3A_1595] {strides = array<i32>} : memref<320x128xf32, #tpu.memory_space<vmem>>, vector<1x16xf32>,
        %get3A_1597 = vector.shape_cast %get3A_1596 : vector<1x16xf32> to vector<16xf32>
        %mul3A_1598 = arith.mulf %get3A_1597, %gather3A_1593 : vector<16xf32>
        %swap3A_1599 = arith.index_cast %add3A_1589 : i32 to index
        %swap3A_1600 = arith.constant 0 : index
        %swap3A_1601 = tpu.vector_load %arg10[%swap3A_1599, %swap3A_1600] {strides = array<i32>} : memref<320x128xf32, #tpu.memory_space<vmem>>, vector<1x16xf32>,
        %swap3A_1602 = vector.shape_cast %swap3A_1601 : vector<1x16xf32> to vector<16xf32>
        %swap3A_1603 = vector.shape_cast %mul3A_1598 : vector<16xf32> to vector<1x16xf32>
        tpu.vector_store %arg10[%swap3A_1599, %swap3A_1600], %swap3A_1603 {strides = array<i32>} : memref<320x128xf32, #tpu.memory_space<vmem>>, vector<1x16xf32>,
        %get3A_1604 = arith.index_cast %add3A_1589 : i32 to index
        %get3A_1605 = arith.constant 16 : index
        %get3A_1606 = tpu.vector_load %arg10[%get3A_1604, %get3A_1605] {strides = array<i32>} : memref<320x128xf32, #tpu.memory_space<vmem>>, vector<1x16xf32>,
        %get3A_1607 = vector.shape_cast %get3A_1606 : vector<1x16xf32> to vector<16xf32>
        %mul3A_1608 = arith.mulf %get3A_1607, %gather3A_1593 : vector<16xf32>
        %swap3A_1609 = arith.index_cast %add3A_1589 : i32 to index
        %swap3A_1610 = arith.constant 16 : index
        %swap3A_1611 = tpu.vector_load %arg10[%swap3A_1609, %swap3A_1610] {strides = array<i32>} : memref<320x128xf32, #tpu.memory_space<vmem>>, vector<1x16xf32>,
        %swap3A_1612 = vector.shape_cast %swap3A_1611 : vector<1x16xf32> to vector<16xf32>
        %swap3A_1613 = vector.shape_cast %mul3A_1608 : vector<16xf32> to vector<1x16xf32>
        tpu.vector_store %arg10[%swap3A_1609, %swap3A_1610], %swap3A_1613 {strides = array<i32>} : memref<320x128xf32, #tpu.memory_space<vmem>>, vector<1x16xf32>,
        %get3A_1614 = arith.index_cast %add3A_1589 : i32 to index
        %get3A_1615 = arith.constant 32 : index
        %get3A_1616 = tpu.vector_load %arg10[%get3A_1614, %get3A_1615] {strides = array<i32>} : memref<320x128xf32, #tpu.memory_space<vmem>>, vector<1x16xf32>,
        %get3A_1617 = vector.shape_cast %get3A_1616 : vector<1x16xf32> to vector<16xf32>
        %mul3A_1618 = arith.mulf %get3A_1617, %gather3A_1593 : vector<16xf32>
        %swap3A_1619 = arith.index_cast %add3A_1589 : i32 to index
        %swap3A_1620 = arith.constant 32 : index
        %swap3A_1621 = tpu.vector_load %arg10[%swap3A_1619, %swap3A_1620] {strides = array<i32>} : memref<320x128xf32, #tpu.memory_space<vmem>>, vector<1x16xf32>,
        %swap3A_1622 = vector.shape_cast %swap3A_1621 : vector<1x16xf32> to vector<16xf32>
        %swap3A_1623 = vector.shape_cast %mul3A_1618 : vector<16xf32> to vector<1x16xf32>
        tpu.vector_store %arg10[%swap3A_1619, %swap3A_1620], %swap3A_1623 {strides = array<i32>} : memref<320x128xf32, #tpu.memory_space<vmem>>, vector<1x16xf32>,
        %get3A_1624 = arith.index_cast %add3A_1589 : i32 to index
        %get3A_1625 = arith.constant 48 : index
        %get3A_1626 = tpu.vector_load %arg10[%get3A_1624, %get3A_1625] {strides = array<i32>} : memref<320x128xf32, #tpu.memory_space<vmem>>, vector<1x16xf32>,
        %get3A_1627 = vector.shape_cast %get3A_1626 : vector<1x16xf32> to vector<16xf32>
        %mul3A_1628 = arith.mulf %get3A_1627, %gather3A_1593 : vector<16xf32>
        %swap3A_1629 = arith.index_cast %add3A_1589 : i32 to index
        %swap3A_1630 = arith.constant 48 : index
        %swap3A_1631 = tpu.vector_load %arg10[%swap3A_1629, %swap3A_1630] {strides = array<i32>} : memref<320x128xf32, #tpu.memory_space<vmem>>, vector<1x16xf32>,
        %swap3A_1632 = vector.shape_cast %swap3A_1631 : vector<1x16xf32> to vector<16xf32>
        %swap3A_1633 = vector.shape_cast %mul3A_1628 : vector<16xf32> to vector<1x16xf32>
        tpu.vector_store %arg10[%swap3A_1629, %swap3A_1630], %swap3A_1633 {strides = array<i32>} : memref<320x128xf32, #tpu.memory_space<vmem>>, vector<1x16xf32>,
        %get3A_1634 = arith.index_cast %add3A_1589 : i32 to index
        %get3A_1635 = arith.constant 64 : index
        %get3A_1636 = tpu.vector_load %arg10[%get3A_1634, %get3A_1635] {strides = array<i32>} : memref<320x128xf32, #tpu.memory_space<vmem>>, vector<1x16xf32>,
        %get3A_1637 = vector.shape_cast %get3A_1636 : vector<1x16xf32> to vector<16xf32>
        %mul3A_1638 = arith.mulf %get3A_1637, %gather3A_1593 : vector<16xf32>
        %swap3A_1639 = arith.index_cast %add3A_1589 : i32 to index
        %swap3A_1640 = arith.constant 64 : index
        %swap3A_1641 = tpu.vector_load %arg10[%swap3A_1639, %swap3A_1640] {strides = array<i32>} : memref<320x128xf32, #tpu.memory_space<vmem>>, vector<1x16xf32>,
        %swap3A_1642 = vector.shape_cast %swap3A_1641 : vector<1x16xf32> to vector<16xf32>
        %swap3A_1643 = vector.shape_cast %mul3A_1638 : vector<16xf32> to vector<1x16xf32>
        tpu.vector_store %arg10[%swap3A_1639, %swap3A_1640], %swap3A_1643 {strides = array<i32>} : memref<320x128xf32, #tpu.memory_space<vmem>>, vector<1x16xf32>,
        %get3A_1644 = arith.index_cast %add3A_1589 : i32 to index
        %get3A_1645 = arith.constant 80 : index
        %get3A_1646 = tpu.vector_load %arg10[%get3A_1644, %get3A_1645] {strides = array<i32>} : memref<320x128xf32, #tpu.memory_space<vmem>>, vector<1x16xf32>,
        %get3A_1647 = vector.shape_cast %get3A_1646 : vector<1x16xf32> to vector<16xf32>
        %mul3A_1648 = arith.mulf %get3A_1647, %gather3A_1593 : vector<16xf32>
        %swap3A_1649 = arith.index_cast %add3A_1589 : i32 to index
        %swap3A_1650 = arith.constant 80 : index
        %swap3A_1651 = tpu.vector_load %arg10[%swap3A_1649, %swap3A_1650] {strides = array<i32>} : memref<320x128xf32, #tpu.memory_space<vmem>>, vector<1x16xf32>,
        %swap3A_1652 = vector.shape_cast %swap3A_1651 : vector<1x16xf32> to vector<16xf32>
        %swap3A_1653 = vector.shape_cast %mul3A_1648 : vector<16xf32> to vector<1x16xf32>
        tpu.vector_store %arg10[%swap3A_1649, %swap3A_1650], %swap3A_1653 {strides = array<i32>} : memref<320x128xf32, #tpu.memory_space<vmem>>, vector<1x16xf32>,
        %get3A_1654 = arith.index_cast %add3A_1589 : i32 to index
        %get3A_1655 = arith.constant 96 : index
        %get3A_1656 = tpu.vector_load %arg10[%get3A_1654, %get3A_1655] {strides = array<i32>} : memref<320x128xf32, #tpu.memory_space<vmem>>, vector<1x16xf32>,
        %get3A_1657 = vector.shape_cast %get3A_1656 : vector<1x16xf32> to vector<16xf32>
        %mul3A_1658 = arith.mulf %get3A_1657, %gather3A_1593 : vector<16xf32>
        %swap3A_1659 = arith.index_cast %add3A_1589 : i32 to index
        %swap3A_1660 = arith.constant 96 : index
        %swap3A_1661 = tpu.vector_load %arg10[%swap3A_1659, %swap3A_1660] {strides = array<i32>} : memref<320x128xf32, #tpu.memory_space<vmem>>, vector<1x16xf32>,
        %swap3A_1662 = vector.shape_cast %swap3A_1661 : vector<1x16xf32> to vector<16xf32>
        %swap3A_1663 = vector.shape_cast %mul3A_1658 : vector<16xf32> to vector<1x16xf32>
        tpu.vector_store %arg10[%swap3A_1659, %swap3A_1660], %swap3A_1663 {strides = array<i32>} : memref<320x128xf32, #tpu.memory_space<vmem>>, vector<1x16xf32>,
        %get3A_1664 = arith.index_cast %add3A_1589 : i32 to index
        %get3A_1665 = arith.constant 112 : index
        %get3A_1666 = tpu.vector_load %arg10[%get3A_1664, %get3A_1665] {strides = array<i32>} : memref<320x128xf32, #tpu.memory_space<vmem>>, vector<1x16xf32>,
        %get3A_1667 = vector.shape_cast %get3A_1666 : vector<1x16xf32> to vector<16xf32>
        %mul3A_1668 = arith.mulf %get3A_1667, %gather3A_1593 : vector<16xf32>
        %swap3A_1669 = arith.index_cast %add3A_1589 : i32 to index
        %swap3A_1670 = arith.constant 112 : index
        %swap3A_1671 = tpu.vector_load %arg10[%swap3A_1669, %swap3A_1670] {strides = array<i32>} : memref<320x128xf32, #tpu.memory_space<vmem>>, vector<1x16xf32>,
        %swap3A_1672 = vector.shape_cast %swap3A_1671 : vector<1x16xf32> to vector<16xf32>
        %swap3A_1673 = vector.shape_cast %mul3A_1668 : vector<16xf32> to vector<1x16xf32>
        tpu.vector_store %arg10[%swap3A_1669, %swap3A_1670], %swap3A_1673 {strides = array<i32>} : memref<320x128xf32, #tpu.memory_space<vmem>>, vector<1x16xf32>,
        %mul3A_1674 = arith.constant 16 : i32
        %mul3A_1675 = arith.muli %scan3A_319, %mul3A_1674 : i32
        %add3A_1676 = arith.addi %mul3A_259, %mul3A_1675 : i32
        %add3A_1677 = arith.constant 15 : i32
        %add3A_1678 = arith.addi %add3A_1676, %add3A_1677 : i32
        %broadcast_in_dim3A_1679 = arith.constant 15 : i32
        %broadcast_in_dim3A_1680 = vector.broadcast %broadcast_in_dim3A_1679 : i32 to vector<16x1xi32>
        %gather3A_1681 = vector.shape_cast %broadcast_in_dim3A_1680 : vector<16x1xi32> to vector<16xi32>
        %gather3A_1682 = tpu.dynamic_gather %get3A_340[%gather3A_1681] in [0] : vector<16xf32>, vector<16xi32> -> vector<16xf32>
        %get3A_1683 = arith.index_cast %add3A_1678 : i32 to index
        %get3A_1684 = arith.constant 0 : index
        %get3A_1685 = tpu.vector_load %arg10[%get3A_1683, %get3A_1684] {strides = array<i32>} : memref<320x128xf32, #tpu.memory_space<vmem>>, vector<1x16xf32>,
        %get3A_1686 = vector.shape_cast %get3A_1685 : vector<1x16xf32> to vector<16xf32>
        %mul3A_1687 = arith.mulf %get3A_1686, %gather3A_1682 : vector<16xf32>
        %swap3A_1688 = arith.index_cast %add3A_1678 : i32 to index
        %swap3A_1689 = arith.constant 0 : index
        %swap3A_1690 = tpu.vector_load %arg10[%swap3A_1688, %swap3A_1689] {strides = array<i32>} : memref<320x128xf32, #tpu.memory_space<vmem>>, vector<1x16xf32>,
        %swap3A_1691 = vector.shape_cast %swap3A_1690 : vector<1x16xf32> to vector<16xf32>
        %swap3A_1692 = vector.shape_cast %mul3A_1687 : vector<16xf32> to vector<1x16xf32>
        tpu.vector_store %arg10[%swap3A_1688, %swap3A_1689], %swap3A_1692 {strides = array<i32>} : memref<320x128xf32, #tpu.memory_space<vmem>>, vector<1x16xf32>,
        %get3A_1693 = arith.index_cast %add3A_1678 : i32 to index
        %get3A_1694 = arith.constant 16 : index
        %get3A_1695 = tpu.vector_load %arg10[%get3A_1693, %get3A_1694] {strides = array<i32>} : memref<320x128xf32, #tpu.memory_space<vmem>>, vector<1x16xf32>,
        %get3A_1696 = vector.shape_cast %get3A_1695 : vector<1x16xf32> to vector<16xf32>
        %mul3A_1697 = arith.mulf %get3A_1696, %gather3A_1682 : vector<16xf32>
        %swap3A_1698 = arith.index_cast %add3A_1678 : i32 to index
        %swap3A_1699 = arith.constant 16 : index
        %swap3A_1700 = tpu.vector_load %arg10[%swap3A_1698, %swap3A_1699] {strides = array<i32>} : memref<320x128xf32, #tpu.memory_space<vmem>>, vector<1x16xf32>,
        %swap3A_1701 = vector.shape_cast %swap3A_1700 : vector<1x16xf32> to vector<16xf32>
        %swap3A_1702 = vector.shape_cast %mul3A_1697 : vector<16xf32> to vector<1x16xf32>
        tpu.vector_store %arg10[%swap3A_1698, %swap3A_1699], %swap3A_1702 {strides = array<i32>} : memref<320x128xf32, #tpu.memory_space<vmem>>, vector<1x16xf32>,
        %get3A_1703 = arith.index_cast %add3A_1678 : i32 to index
        %get3A_1704 = arith.constant 32 : index
        %get3A_1705 = tpu.vector_load %arg10[%get3A_1703, %get3A_1704] {strides = array<i32>} : memref<320x128xf32, #tpu.memory_space<vmem>>, vector<1x16xf32>,
        %get3A_1706 = vector.shape_cast %get3A_1705 : vector<1x16xf32> to vector<16xf32>
        %mul3A_1707 = arith.mulf %get3A_1706, %gather3A_1682 : vector<16xf32>
        %swap3A_1708 = arith.index_cast %add3A_1678 : i32 to index
        %swap3A_1709 = arith.constant 32 : index
        %swap3A_1710 = tpu.vector_load %arg10[%swap3A_1708, %swap3A_1709] {strides = array<i32>} : memref<320x128xf32, #tpu.memory_space<vmem>>, vector<1x16xf32>,
        %swap3A_1711 = vector.shape_cast %swap3A_1710 : vector<1x16xf32> to vector<16xf32>
        %swap3A_1712 = vector.shape_cast %mul3A_1707 : vector<16xf32> to vector<1x16xf32>
        tpu.vector_store %arg10[%swap3A_1708, %swap3A_1709], %swap3A_1712 {strides = array<i32>} : memref<320x128xf32, #tpu.memory_space<vmem>>, vector<1x16xf32>,
        %get3A_1713 = arith.index_cast %add3A_1678 : i32 to index
        %get3A_1714 = arith.constant 48 : index
        %get3A_1715 = tpu.vector_load %arg10[%get3A_1713, %get3A_1714] {strides = array<i32>} : memref<320x128xf32, #tpu.memory_space<vmem>>, vector<1x16xf32>,
        %get3A_1716 = vector.shape_cast %get3A_1715 : vector<1x16xf32> to vector<16xf32>
        %mul3A_1717 = arith.mulf %get3A_1716, %gather3A_1682 : vector<16xf32>
        %swap3A_1718 = arith.index_cast %add3A_1678 : i32 to index
        %swap3A_1719 = arith.constant 48 : index
        %swap3A_1720 = tpu.vector_load %arg10[%swap3A_1718, %swap3A_1719] {strides = array<i32>} : memref<320x128xf32, #tpu.memory_space<vmem>>, vector<1x16xf32>,
        %swap3A_1721 = vector.shape_cast %swap3A_1720 : vector<1x16xf32> to vector<16xf32>
        %swap3A_1722 = vector.shape_cast %mul3A_1717 : vector<16xf32> to vector<1x16xf32>
        tpu.vector_store %arg10[%swap3A_1718, %swap3A_1719], %swap3A_1722 {strides = array<i32>} : memref<320x128xf32, #tpu.memory_space<vmem>>, vector<1x16xf32>,
        %get3A_1723 = arith.index_cast %add3A_1678 : i32 to index
        %get3A_1724 = arith.constant 64 : index
        %get3A_1725 = tpu.vector_load %arg10[%get3A_1723, %get3A_1724] {strides = array<i32>} : memref<320x128xf32, #tpu.memory_space<vmem>>, vector<1x16xf32>,
        %get3A_1726 = vector.shape_cast %get3A_1725 : vector<1x16xf32> to vector<16xf32>
        %mul3A_1727 = arith.mulf %get3A_1726, %gather3A_1682 : vector<16xf32>
        %swap3A_1728 = arith.index_cast %add3A_1678 : i32 to index
        %swap3A_1729 = arith.constant 64 : index
        %swap3A_1730 = tpu.vector_load %arg10[%swap3A_1728, %swap3A_1729] {strides = array<i32>} : memref<320x128xf32, #tpu.memory_space<vmem>>, vector<1x16xf32>,
        %swap3A_1731 = vector.shape_cast %swap3A_1730 : vector<1x16xf32> to vector<16xf32>
        %swap3A_1732 = vector.shape_cast %mul3A_1727 : vector<16xf32> to vector<1x16xf32>
        tpu.vector_store %arg10[%swap3A_1728, %swap3A_1729], %swap3A_1732 {strides = array<i32>} : memref<320x128xf32, #tpu.memory_space<vmem>>, vector<1x16xf32>,
        %get3A_1733 = arith.index_cast %add3A_1678 : i32 to index
        %get3A_1734 = arith.constant 80 : index
        %get3A_1735 = tpu.vector_load %arg10[%get3A_1733, %get3A_1734] {strides = array<i32>} : memref<320x128xf32, #tpu.memory_space<vmem>>, vector<1x16xf32>,
        %get3A_1736 = vector.shape_cast %get3A_1735 : vector<1x16xf32> to vector<16xf32>
        %mul3A_1737 = arith.mulf %get3A_1736, %gather3A_1682 : vector<16xf32>
        %swap3A_1738 = arith.index_cast %add3A_1678 : i32 to index
        %swap3A_1739 = arith.constant 80 : index
        %swap3A_1740 = tpu.vector_load %arg10[%swap3A_1738, %swap3A_1739] {strides = array<i32>} : memref<320x128xf32, #tpu.memory_space<vmem>>, vector<1x16xf32>,
        %swap3A_1741 = vector.shape_cast %swap3A_1740 : vector<1x16xf32> to vector<16xf32>
        %swap3A_1742 = vector.shape_cast %mul3A_1737 : vector<16xf32> to vector<1x16xf32>
        tpu.vector_store %arg10[%swap3A_1738, %swap3A_1739], %swap3A_1742 {strides = array<i32>} : memref<320x128xf32, #tpu.memory_space<vmem>>, vector<1x16xf32>,
        %get3A_1743 = arith.index_cast %add3A_1678 : i32 to index
        %get3A_1744 = arith.constant 96 : index
        %get3A_1745 = tpu.vector_load %arg10[%get3A_1743, %get3A_1744] {strides = array<i32>} : memref<320x128xf32, #tpu.memory_space<vmem>>, vector<1x16xf32>,
        %get3A_1746 = vector.shape_cast %get3A_1745 : vector<1x16xf32> to vector<16xf32>
        %mul3A_1747 = arith.mulf %get3A_1746, %gather3A_1682 : vector<16xf32>
        %swap3A_1748 = arith.index_cast %add3A_1678 : i32 to index
        %swap3A_1749 = arith.constant 96 : index
        %swap3A_1750 = tpu.vector_load %arg10[%swap3A_1748, %swap3A_1749] {strides = array<i32>} : memref<320x128xf32, #tpu.memory_space<vmem>>, vector<1x16xf32>,
        %swap3A_1751 = vector.shape_cast %swap3A_1750 : vector<1x16xf32> to vector<16xf32>
        %swap3A_1752 = vector.shape_cast %mul3A_1747 : vector<16xf32> to vector<1x16xf32>
        tpu.vector_store %arg10[%swap3A_1748, %swap3A_1749], %swap3A_1752 {strides = array<i32>} : memref<320x128xf32, #tpu.memory_space<vmem>>, vector<1x16xf32>,
        %get3A_1753 = arith.index_cast %add3A_1678 : i32 to index
        %get3A_1754 = arith.constant 112 : index
        %get3A_1755 = tpu.vector_load %arg10[%get3A_1753, %get3A_1754] {strides = array<i32>} : memref<320x128xf32, #tpu.memory_space<vmem>>, vector<1x16xf32>,
        %get3A_1756 = vector.shape_cast %get3A_1755 : vector<1x16xf32> to vector<16xf32>
        %mul3A_1757 = arith.mulf %get3A_1756, %gather3A_1682 : vector<16xf32>
        %swap3A_1758 = arith.index_cast %add3A_1678 : i32 to index
        %swap3A_1759 = arith.constant 112 : index
        %swap3A_1760 = tpu.vector_load %arg10[%swap3A_1758, %swap3A_1759] {strides = array<i32>} : memref<320x128xf32, #tpu.memory_space<vmem>>, vector<1x16xf32>,
        %swap3A_1761 = vector.shape_cast %swap3A_1760 : vector<1x16xf32> to vector<16xf32>
        %swap3A_1762 = vector.shape_cast %mul3A_1757 : vector<16xf32> to vector<1x16xf32>
        tpu.vector_store %arg10[%swap3A_1758, %swap3A_1759], %swap3A_1762 {strides = array<i32>} : memref<320x128xf32, #tpu.memory_space<vmem>>, vector<1x16xf32>,
      }
      %scan3A_294 = arith.constant 5 : i32
      %jit3A_295 = arith.constant 7 : i32
      %eq3A_296 = arith.constant 0 : i32
      %eq3A_297 = arith.cmpi eq, %jit3A_295, %eq3A_296 : i32
      %jit3A_298 = arith.constant 1 : i32
      %select_n3A_299 = arith.select %eq3A_297, %jit3A_298, %jit3A_295 : i32
      %rem3A_300 = arith.remsi %scan3A_247, %select_n3A_299 : i32
      %ne3A_301 = arith.constant 0 : i32
      %ne3A_302 = arith.cmpi ne, %rem3A_300, %ne3A_301 : i32
      %lt3A_303 = arith.constant 0 : i32
      %lt3A_304 = arith.cmpi slt, %rem3A_300, %lt3A_303 : i32
      %lt3A_305 = arith.constant 0 : i32
      %lt3A_306 = arith.cmpi slt, %select_n3A_299, %lt3A_305 : i32
      %ne3A_307 = arith.xori %lt3A_304, %lt3A_306 : i1
      %and3A_308 = arith.andi %ne3A_307, %ne3A_302 : i1
      %add3A_309 = arith.addi %rem3A_300, %select_n3A_299 : i32
      %select_n3A_310 = arith.select %and3A_308, %add3A_309, %rem3A_300 : i32
      %dma_start3A_311 = arith.constant 0 : i32
      %dma_start3A_312 = tpu.memref_slice %arg10[%mul3A_259, %dma_start3A_311] : memref<320x128xf32, #tpu.memory_space<vmem>> -> memref<80x128xf32, #tpu.memory_space<vmem>>
      %dma_start3A_313 = arith.constant 0 : i32
      %dma_start3A_314 = tpu.memref_slice %arg8[%select_n3A_310, %dma_start3A_313] : memref<7x80xi32, #tpu.memory_space<vmem>> -> memref<1x80xi32, #tpu.memory_space<vmem>>
      %dma_start3A_315 = tpu.memref_squeeze %dma_start3A_314 : memref<1x80xi32, #tpu.memory_space<vmem>> -> memref<80xi32, #tpu.memory_space<vmem>>
      %dma_start3A_316 = arith.constant 0 : i32
      %dma_start3A_317 = arith.constant 0 : i32
      %dma_start3A_318 = tpu.memref_slice %arg11[%dma_start3A_316, %dma_start3A_317] : memref<10000x128xf32, #tpu.memory_space<vmem_shared>> -> memref<10000x128xf32, #tpu.memory_space<vmem_shared>>
      tpu.enqueue_indirect_dma source(%dma_start3A_312 : memref<80x128xf32, #tpu.memory_space<vmem>>) target(%dma_start3A_318 : memref<10000x128xf32, #tpu.memory_space<vmem_shared>>) offsets(%dma_start3A_315 : memref<80xi32, #tpu.memory_space<vmem>>) semaphore(%arg14 : memref<!tpu.dma_semaphore, #tpu.memory_space<semaphore_mem>>) {add = true}
    }
    %scan3A_216 = arith.constant 125 : i32
    %dma_wait3A_217 = arith.constant 0 : i32
    %dma_wait3A_218 = arith.constant 0 : i32
    %dma_wait3A_219 = tpu.memref_slice %arg10[%dma_wait3A_217, %dma_wait3A_218] : memref<320x128xf32, #tpu.memory_space<vmem>> -> memref<80x128xf32, #tpu.memory_space<vmem>>
    %dma_wait3A_220 = arith.constant 0 : i32
    %dma_wait3A_221 = arith.constant 0 : i32
    %dma_wait3A_222 = tpu.memref_slice %arg11[%dma_wait3A_220, %dma_wait3A_221] : memref<10000x128xf32, #tpu.memory_space<vmem_shared>> -> memref<80x128xf32, #tpu.memory_space<vmem_shared>>
    %dma_wait3A_223 = arith.constant 0 : i32
    %dma_wait3A_224 = arith.constant 0 : i32
    %dma_wait3A_225 = tpu.memref_slice %arg11[%dma_wait3A_223, %dma_wait3A_224] : memref<10000x128xf32, #tpu.memory_space<vmem_shared>> -> memref<80x128xf32, #tpu.memory_space<vmem_shared>>
    %dma_wait3A_226 = arith.constant 0 : i32
    %dma_wait3A_227 = arith.constant 0 : i32
    %dma_wait3A_228 = tpu.memref_slice %arg10[%dma_wait3A_226, %dma_wait3A_227] : memref<320x128xf32, #tpu.memory_space<vmem>> -> memref<80x128xf32, #tpu.memory_space<vmem>>
    tpu.wait_dma2 semaphore(%arg14 : memref<!tpu.dma_semaphore, #tpu.memory_space<semaphore_mem>>) src(%dma_wait3A_228 : memref<80x128xf32, #tpu.memory_space<vmem>>) dst(%dma_wait3A_225 : memref<80x128xf32, #tpu.memory_space<vmem_shared>>)
    %dma_wait3A_229 = arith.constant 0 : i32
    %dma_wait3A_230 = arith.constant 0 : i32
    %dma_wait3A_231 = tpu.memref_slice %arg10[%dma_wait3A_229, %dma_wait3A_230] : memref<320x128xf32, #tpu.memory_space<vmem>> -> memref<80x128xf32, #tpu.memory_space<vmem>>
    %dma_wait3A_232 = arith.constant 0 : i32
    %dma_wait3A_233 = arith.constant 0 : i32
    %dma_wait3A_234 = tpu.memref_slice %arg11[%dma_wait3A_232, %dma_wait3A_233] : memref<10000x128xf32, #tpu.memory_space<vmem_shared>> -> memref<80x128xf32, #tpu.memory_space<vmem_shared>>
    %dma_wait3A_235 = arith.constant 0 : i32
    %dma_wait3A_236 = arith.constant 0 : i32
    %dma_wait3A_237 = tpu.memref_slice %arg11[%dma_wait3A_235, %dma_wait3A_236] : memref<10000x128xf32, #tpu.memory_space<vmem_shared>> -> memref<80x128xf32, #tpu.memory_space<vmem_shared>>
    %dma_wait3A_238 = arith.constant 0 : i32
    %dma_wait3A_239 = arith.constant 0 : i32
    %dma_wait3A_240 = tpu.memref_slice %arg10[%dma_wait3A_238, %dma_wait3A_239] : memref<320x128xf32, #tpu.memory_space<vmem>> -> memref<80x128xf32, #tpu.memory_space<vmem>>
    tpu.wait_dma2 semaphore(%arg14 : memref<!tpu.dma_semaphore, #tpu.memory_space<semaphore_mem>>) src(%dma_wait3A_240 : memref<80x128xf32, #tpu.memory_space<vmem>>) dst(%dma_wait3A_237 : memref<80x128xf32, #tpu.memory_space<vmem_shared>>)
    %barrier3A_241 = arith.constant 0 : index
    tpu.barrier barrier_id(%barrier3A_241)
    %lt3A_242 = arith.constant 10 : i32
    %lt3A_243 = arith.cmpi slt, %arg1, %lt3A_242 : i32
    %convert_element_type3A_244 = arith.extui %lt3A_243 : i1 to i32
    %cond3A_245 = arith.constant 0 : i32
    %cond3A_246 = arith.cmpi ne, %convert_element_type3A_244, %cond3A_245 : i32
    scf.if %cond3A_246 {
      "tpu.region"() ({
        %run_scoped3A = tpu.sem_alloc : memref<!tpu.dma_semaphore, #tpu.memory_space<semaphore_mem>>
        %dma_start3A_247 = arith.constant 0 : i32
        %dma_start3A_248 = tpu.memref_slice %arg6[%arg0, %mul3A_4, %dma_start3A_247] : memref<2x10000x128xf32, #tpu.memory_space<hbm>> -> memref<1x1000x128xf32, #tpu.memory_space<hbm>>
        %dma_start3A_249 = tpu.memref_squeeze %dma_start3A_248 : memref<1x1000x128xf32, #tpu.memory_space<hbm>> -> memref<1000x128xf32, #tpu.memory_space<hbm>>
        %dma_start3A_250 = arith.constant 0 : i32
        %dma_start3A_251 = tpu.memref_slice %arg11[%mul3A_4, %dma_start3A_250] : memref<10000x128xf32, #tpu.memory_space<vmem_shared>> -> memref<1000x128xf32, #tpu.memory_space<vmem_shared>>
        tpu.enqueue_dma source(%dma_start3A_251 : memref<1000x128xf32, #tpu.memory_space<vmem_shared>>) target(%dma_start3A_249 : memref<1000x128xf32, #tpu.memory_space<hbm>>) target_semaphore(%run_scoped3A : memref<!tpu.dma_semaphore, #tpu.memory_space<semaphore_mem>>)
        %dma_wait3A_252 = arith.constant 0 : i32
        %dma_wait3A_253 = tpu.memref_slice %arg6[%arg0, %mul3A_4, %dma_wait3A_252] : memref<2x10000x128xf32, #tpu.memory_space<hbm>> -> memref<1x1000x128xf32, #tpu.memory_space<hbm>>
        %dma_wait3A_254 = tpu.memref_squeeze %dma_wait3A_253 : memref<1x1000x128xf32, #tpu.memory_space<hbm>> -> memref<1000x128xf32, #tpu.memory_space<hbm>>
        %dma_wait3A_255 = arith.constant 0 : i32
        %dma_wait3A_256 = tpu.memref_slice %arg11[%mul3A_4, %dma_wait3A_255] : memref<10000x128xf32, #tpu.memory_space<vmem_shared>> -> memref<1000x128xf32, #tpu.memory_space<vmem_shared>>
        tpu.wait_dma2 semaphore(%run_scoped3A : memref<!tpu.dma_semaphore, #tpu.memory_space<semaphore_mem>>) src(%dma_wait3A_256 : memref<1000x128xf32, #tpu.memory_space<vmem_shared>>) dst(%dma_wait3A_254 : memref<1000x128xf32, #tpu.memory_space<hbm>>)
        tpu.yield
      }) : () -> ()
    } else {
    }
    return
  }
}

module attributes {stable_mosaic.version = 14 : i64} {
  func.func @_tc_matmul_body(%arg0: memref<2x10000x128xf32, #tpu.memory_space<vmem>>, %arg1: memref<128x128xf32, #tpu.memory_space<vmem>>, %arg2: memref<1x128xf32, #tpu.memory_space<vmem>>, %arg3: memref<10000x128xf32, #tpu.memory_space<vmem>>) attributes {dimension_semantics = [], scalar_prefetch = 0 : i64, scratch_operands = 0 : i64, tpu.core_type = #tpu.core_type<tc>} {
    %get3A = arith.constant 0 : index
    %get3A_0 = arith.constant 0 : index
    %get3A_1 = arith.constant 0 : index
    %get3A_2 = vector.load %arg0[%get3A, %get3A_0, %get3A_1] : memref<2x10000x128xf32, #tpu.memory_space<vmem>>, vector<1x10000x128xf32>
    %get3A_3 = vector.shape_cast %get3A_2 : vector<1x10000x128xf32> to vector<10000x128xf32>
    %get3A_4 = arith.constant 1 : index
    %get3A_5 = arith.constant 0 : index
    %get3A_6 = arith.constant 0 : index
    %get3A_7 = vector.load %arg0[%get3A_4, %get3A_5, %get3A_6] : memref<2x10000x128xf32, #tpu.memory_space<vmem>>, vector<1x10000x128xf32>
    %get3A_8 = vector.shape_cast %get3A_7 : vector<1x10000x128xf32> to vector<10000x128xf32>
    %add3A = arith.addf %get3A_3, %get3A_8 : vector<10000x128xf32>
    %get3A_9 = arith.constant 0 : index
    %get3A_10 = arith.constant 0 : index
    %get3A_11 = vector.load %arg1[%get3A_9, %get3A_10] : memref<128x128xf32, #tpu.memory_space<vmem>>, vector<128x128xf32>
    %dot_general3A = arith.constant dense<0.000000e+00> : vector<10000x128xf32>
    %dot_general3A_12 = tpu.matmul %add3A, %get3A_11, %dot_general3A {dimension_numbers = #tpu.dot_dimension_numbers<[1], [0], [0], [1], [0, 0, 1, 1], [], []>, transpose_lhs_hint = false} : vector<10000x128xf32>, vector<128x128xf32>, vector<10000x128xf32> -> vector<10000x128xf32>
    %get3A_13 = arith.constant 0 : index
    %get3A_14 = arith.constant 0 : index
    %get3A_15 = vector.load %arg2[%get3A_13, %get3A_14] : memref<1x128xf32, #tpu.memory_space<vmem>>, vector<1x128xf32>
    %add3A_16 = vector.broadcast %get3A_15 : vector<1x128xf32> to vector<10000x128xf32>
    %add3A_17 = arith.addf %dot_general3A_12, %add3A_16 : vector<10000x128xf32>
    %swap3A = arith.constant 0 : index
    %swap3A_18 = arith.constant 0 : index
    %swap3A_19 = vector.load %arg3[%swap3A, %swap3A_18] : memref<10000x128xf32, #tpu.memory_space<vmem>>, vector<10000x128xf32>
    tpu.vector_store %arg3[%swap3A, %swap3A_18], %add3A_17 {strides = array<i32>} : memref<10000x128xf32, #tpu.memory_space<vmem>>, vector<10000x128xf32>,
    return
  }
}

</mosaic_0001>

<sc_bundles>
// kernel: kernel.4.cloned.1.call-start
scs
__scs_entry_jumppad:
0x0: {  	(pc) =	sbr.rel $0x88, $3  }
0x1: {  	(tag) =	ssettag $0x0;
	lr =	simm.s32 $0x1  }
0x2: {  	[smem:$0x3F9C] =	sst lr;
	_ =	strace $0xD0000000  }
0x3: {  	_ = 	snop  }
0x4: {  	_ = 	snop  }
0x5: {  	_ = 	snop  }
0x6: {  	_ = 	snop  }
0x7: {  	_ = 	snop  }
__scs_overlays_trampoline_lowered:
0x8: {  	[smem:$0x3FAB] =	sst s0  }
0x9: {  	[smem:$0x3FAC] =	sst s1  }
0xa: {  	[smem:$0x3FAD] =	sst s2  }
0xb: {  	[smem:$0x3FAE] =	sst s3  }
0xc: {  	[smem:$0x3FAF] =	sst s4  }
0xd: {  	[smem:$0x3FB0] =	sst s5  }
0xe: {  	[smem:$0x3FB1] =	sst s6  }
0xf: {  	[smem:$0x3FB2] =	sst s7  }
0x10: {  	[smem:$0x3FB3] =	sst s8  }
0x11: {  	[smem:$0x3FB4] =	sst s9;
	s0 =	simm.s32 @!p0 $0x0  }
0x12: {  	s1 =	sld [smem:$0x3F9A];
	s0 =	simm.s32 @p0 $0x1  }
0x13: {  	[smem:$0x3FB5] =	sst s0;
	s0 =	simm.s32 @!p1 $0x0  }
0x14: {  	s2 =	sld [smem:$0x3F99];
	s0 =	simm.s32 @p1 $0x1  }
0x15: {  	[smem:$0x3FB6] =	sst s0;
	s0 =	simm.s32 @!p2 $0x0  }
0x16: {  	s3 =	sld [smem:$0x3FDB];
	s0 =	simm.s32 @p2 $0x1  }
0x17: {  	s4 =	simm.s32 $0x1BF5;
	[smem:$0x3FB8] =	sst s0  }
0x18: {  	s0 =	sld [smem:$0x3F9B];
	_ =	swait.ge [sflag:s4], $0x0  }
0x19: {  	s7 =	sld [smem:$0x3F9C]  }
0x1a: {  	s8 =	sadd.s32 $0xFFFFE003, lr  }
0x1b: {  	s9 =	sadd.s32 $0xFFFFFEF7, lr;
	s5 =	simm.s32 $0xFFFFFFFF;
	p2 =	slt.u32 s8, $0xFFFFF086  }
0x1c: {  	p1 =	slt.u32 s9, $0xF7A;
	s5 =	simm.s32 @!p2 $0x0  }
0x1d: {  	s5 =	simm.s32 @p1 $0x1;
	p0 =	seq.s32 s7, s2  }
0x1e: {  	s7 =	smul.u32 @!p0 $0xF7A, s2;
	p2 =	seq.s32 @!p0 s5, $0x0  }
0x1f: {  	s9 =	smul.u32 $0xF7A, s1;
	s8 =	simm.s32 @!p0 $0x1BF5;
	p2 =	por !p2, p0  }
0x20: {  	[sflag:s8] =	ssyncset.s32 @!p0 $0xFFFFF086;
	s6 =	sadd.s32 @!p0 s3, s7;
	s7 =	simm.s32 @!p0 $0x108  }
0x21: {  	s3 =	sadd.s32 s3, s9;
	s6 =	sadd.s32 @!p0 $0x88, s6;
	s7 =	simm.s32 @p2 $0x1082  }
0x22: {  	[simem:s7], [sflag:s8] =	dma.local @!p0 [hbm:s6], $0xF7A  }
0x23: {  	s9 =	sor.u32 $0xD0000000, s2;
	s6 =	simm.s32 $0x108;
	_ =	swait.ge @!p0 [sflag:s8], $0x0  }
0x24: {  	s3 =	sadd.s32 $0x88, s3;
	s6 =	simm.s32 @!p1 $0x1082;
	[sflag:s4] =	ssyncset.s32 $0xFFFFF086  }
0x25: {  	[simem:s6], [sflag:s4] =	dma.local [hbm:s3], $0xF7A  }
0x26: {  	[smem:$0x3F9C] =	sst s1;
	(tag) =	ssettag s2;
	_ =	strace s9  }
0x27: {  	s1 =	sld [smem:$0x3FAC]  }
0x28: {  	s2 =	sld [smem:$0x3FAD]  }
0x29: {  	s4 =	sld [smem:$0x3FAF]  }
0x2a: {  	p0 =	seq.s32 s5, $0x0;
	s5 =	sld [smem:$0x3FB0]  }
0x2b: {  	s6 =	sld [smem:$0x3FB1]  }
0x2c: {  	s7 =	sld [smem:$0x3FB2]  }
0x2d: {  	s3 =	simm.s32 $0x108;
	s8 =	sld [smem:$0x3FB3]  }
0x2e: {  	s3 =	simm.s32 @!p0 $0x1082;
	s9 =	sld [smem:$0x3FB4]  }
0x2f: {  	lr =	sadd.s32 s0, s3;
	s0 =	sld [smem:$0x3FAB]  }
0x30: {  	s3 =	sld [smem:$0x3FAE]  }
0x31: {  	[smem:$0x3FB7] =	sst s10  }
0x32: {  	s10 =	sld [smem:$0x3FB5];
	_ =	sdelay $0x3  }
0x33: {  	p0 =	seq.s32 s10, $0x1;
	s10 =	sld [smem:$0x3FB7];
	_ =	sdelay $0x3  }
0x34: {  	[smem:$0x3FB7] =	sst s10  }
0x35: {  	s10 =	sld [smem:$0x3FB6];
	_ =	sdelay $0x3  }
0x36: {  	p1 =	seq.s32 s10, $0x1;
	s10 =	sld [smem:$0x3FB7];
	_ =	sdelay $0x3  }
0x37: {  	[smem:$0x3FB7] =	sst s10  }
0x38: {  	s10 =	sld [smem:$0x3FB8]  }
0x39: {  	_ = 	snop;
	(pc) =	sbr.ind lr, $3  }
0x3a: {  	_ = 	snop  }
0x3b: {  	_ = 	snop  }
0x3c: {  	p2 =	seq.s32 s10, $0x1;
	s10 =	sld [smem:$0x3FB7]  }
0x3d: {  	_ =	shalt  }
0x3e: {  	_ =	shalt  }
0x3f: {  	_ =	shalt  }
0x40: {  	_ =	shalt  }
0x41: {  	_ =	shalt  }
0x42: {  	_ =	shalt  }
0x43: {  	_ =	shalt  }
0x44: {  	_ =	shalt  }
0x45: {  	_ =	shalt  }
0x46: {  	_ =	shalt  }
0x47: {  	_ =	shalt  }
0x48: {  	_ =	shalt  }
0x49: {  	_ =	shalt  }
0x4a: {  	_ =	shalt  }
0x4b: {  	_ =	shalt  }
0x4c: {  	_ =	shalt  }
0x4d: {  	_ =	shalt  }
0x4e: {  	_ =	shalt  }
0x4f: {  	_ =	shalt  }
0x50: {  	_ =	shalt  }
0x51: {  	_ =	shalt  }
0x52: {  	_ =	shalt  }
0x53: {  	_ =	shalt  }
0x54: {  	_ =	shalt  }
0x55: {  	_ =	shalt  }
0x56: {  	_ =	shalt  }
0x57: {  	_ =	shalt  }
0x58: {  	_ =	shalt  }
0x59: {  	_ =	shalt  }
0x5a: {  	_ =	shalt  }
0x5b: {  	_ =	shalt  }
0x5c: {  	_ =	shalt  }
0x5d: {  	_ =	shalt  }
0x5e: {  	_ =	shalt  }
0x5f: {  	_ =	shalt  }
0x60: {  	_ =	shalt  }
0x61: {  	_ =	shalt  }
0x62: {  	_ =	shalt  }
0x63: {  	_ =	shalt  }
0x64: {  	_ =	shalt  }
0x65: {  	_ =	shalt  }
0x66: {  	_ =	shalt  }
0x67: {  	_ =	shalt  }
0x68: {  	_ =	shalt  }
0x69: {  	_ =	shalt  }
0x6a: {  	_ =	shalt  }
0x6b: {  	_ =	shalt  }
0x6c: {  	_ =	shalt  }
0x6d: {  	_ =	shalt  }
0x6e: {  	_ =	shalt  }
0x6f: {  	_ =	shalt  }
0x70: {  	_ =	shalt  }
0x71: {  	_ =	shalt  }
0x72: {  	_ =	shalt  }
0x73: {  	_ =	shalt  }
0x74: {  	_ =	shalt  }
0x75: {  	_ =	shalt  }
0x76: {  	_ =	shalt  }
0x77: {  	_ =	shalt  }
0x78: {  	_ =	shalt  }
0x79: {  	_ =	shalt  }
0x7a: {  	_ =	shalt  }
0x7b: {  	_ =	shalt  }
0x7c: {  	_ =	shalt  }
0x7d: {  	_ =	shalt  }
0x7e: {  	_ =	shalt  }
0x7f: {  	_ =	shalt  }
0x80: {  	_ =	shalt  }
0x81: {  	_ =	shalt  }
0x82: {  	_ =	shalt  }
0x83: {  	_ =	shalt  }
0x84: {  	_ =	shalt  }
0x85: {  	_ =	shalt  }
0x86: {  	_ =	shalt  }
0x87: {  	_ =	shalt  }
.Lfunc_end0:
.L_simem_size_0:
called_computation_lowered:
.L_overlay_start_0:
0x88: {  	s2 =	sld [smem:$0x3FD9]  }
0x89: {  	s3 =	sld [smem:$0x3FFE];
	_ =	sdelay $0x1  }
0x8a: {  	s1 =	srdreg.scid  }
0x8b: {  	s0 =	sand.u32 $0x1, s1  }
0x8c: {  	s17 =	sshll.u32 s0, $0xA;
	s2 =	sadd.s32 s3, s2  }
0x8d: {  	s2 =	sadd.s32 s2, s17  }
0x8e: {  	[smem:$0x3FC3] =	sst s2  }
0x8f: {  	_ = 	snop  }
0x90: {  	s2 =	sld [smem:$0x3FC9]  }
0x91: {  	s18 =	sld [smem:$0x3FD0];
	(tm) =	ssettm $0x1  }
0x92: {  	s4 =	sld [smem:$0x3FFB];
	_ =	sdelay $0x3  }
0x93: {  	_ =	strace s4  }
0x94: {  	s4 =	sld [smem:$0x3FFC];
	_ =	sdelay $0x3  }
0x95: {  	_ =	strace s4  }
0x96: {  	s4 =	sld [smem:$0x3FFD];
	_ =	sdelay $0x3  }
0x97: {  	_ =	strace s4  }
0x98: {  	_ =	strace $0x8FFFFFFF  }
0x99: {  	s19 =	sld [smem:$0x3FDB];
	_ =	sdelay $0x1  }
0x9a: {  	s5 =	simm.s32 $_scs_section_size  }
0x9b: {  	s6 =	simm.s32 $_size__tile_overlayer_lowered;
	s7 =	simm.s32 $_tile_overlayer_lowered  }
0x9c: {  	s22 =	simm.s32 $0x1BFF;
	s21 =	sshll.u32 s7, $0x1;
	s4 =	sadd.s32 s5, s19  }
0x9d: {  	s8 =	simm.s32 $0x0;
	s20 =	sshll.u32 s6, $0x1;
	s6 =	sadd.s32 s21, s4  }
0x9e: {  	[timem:s8], [sflag:s22] =	dma.local [hbm:s6], s20  }
0x9f: {  	_ =	swait.ge [sflag:s22], s20  }
0xa0: {  	s5 =	ssub.s32 $0x0, s20;
	[sflag:s22] =	ssyncset.done $0x0  }
0xa1: {  	[sflag:s22] =	ssyncadd.s32 s5;
	_ =	sdelay $0x1  }
0xa2: {  	s23 =	simm.s32 $0x1B8B  }
0xa3: {  	_ =	swait.ge [sflag:s23], $0x1  }
0xa4: {  	[sflag:s23] =	ssyncset.done $0x0  }
0xa5: {  	s25 =	simm.s32 $0x1B8E;
	s24 =	sld [smem:$0x3FFE];
	[sflag:s23] =	ssyncadd.s32 $0xFFFFFFFF  }
0xa6: {  	s26 =	simm.s32 $execute0_lowered;
	[smem:$0x3FD2] =	sst s25  }
0xa7: {  	s6 =	sshll.u32 s26, $0x1;
	_ =	strace $0x80000046;
	[dreg:$0x1] =	wrdreg $0xFFFFFFFF  }
0xa8: {  	s28 =	simm.s32 $_size_execute0_lowered;
	s4 =	sadd.s32 s4, s6;
	[dreg:$0x0] =	wrdreg $0x0  }
0xa9: {  	s6 =	sshll.u32 s28, $0x1;
	[dreg:$0x2] =	wrdreg s4  }
0xaa: {  	[dreg:$0x3] =	wrdreg s6  }
0xab: {  	[dreg:$0x4] =	wrdreg $0xC0  }
0xac: {  	_ =	task [dreg:s8], $0x5FFFF  }
0xad: {  	[dreg:$0x1] =	wrdreg $0xFFFFFFFF  }
0xae: {  	[dreg:$0x0] =	wrdreg $0x60  }
0xaf: {  	[dreg:$0x2] =	wrdreg s24  }
0xb0: {  	[dreg:$0x3] =	wrdreg s18  }
0xb1: {  	[dreg:$0x4] =	wrdreg s2  }
0xb2: {  	[dreg:$0x5] =	wrdreg $0xAC000  }
0xb3: {  	[dreg:$0x6] =	wrdreg $0x9  }
0xb4: {  	_ =	task.clear_ibuf [dreg:s8], $0x7FFFF;
	_ =	strace $0x90000046  }
0xb5: {  	s29 =	simm.s32 $0x9;
	_ =	strace $0x80000048  }
0xb6: {  	_ =	swait.ge [sflag:s29], $0x1  }
0xb7: {  	[sflag:s29] =	ssyncadd.s32 $0xFFFFFFFF  }
0xb8: {  	_ =	strace $0x90000048  }
0xb9: {  	_ =	sfence  }
0xba: {  	s30 =	sld [smem:$0x0];
	_ =	sdelay $0x2  }
0xbb: {  	s31 =	sshll.u32 s1, $0xD;
	s1 =	sshrl.u32 s1, $0x2  }
0xbc: {  	s3 =	sand.u32 $0x4000, s31;
	s1 =	sadd.s32 s1, s30  }
0xbd: {  	s0 =	sor.u32 s3, s0;
	s1 =	sshll.u32 s1, $0x11  }
0xbe: {  	s0 =	sor.u32 s1, s0  }
0xbf: {  	s0 =	sadd.s32 $0x8F2B, s0  }
0xc0: {  	[sflag:s0] =	ssyncadd.remote.s32 $0x1  }
0xc1: {  	_ =	sfence.sel $0xFFFF  }
0xc2: {  	[dreg:$0x0] =	wrdreg $0xFFFFFFFF;
	(pc) =	sbr.abs _section_cstart, $3  }
0xc3: {  	[dreg:$0x1] =	wrdreg $0xFFFFFFFF  }
0xc4: {  	_ =	task.clear_ibuf [dreg:s8], $0x2FFFF;
	_ =	strace $0x9FFFFFFF  }
0xc5: {  	(tm) =	ssettm $0x7FFFFFFF  }
tec
execute0_lowered:
.L_overlay_start_1:
0x0: {  	(tag) =	ssettag $0x1  }
0x1: {  	s0 =	rddreg [dreg:$0x0]  }
0x2: {  	s2 =	rddreg [dreg:$0x1]  }
0x3: {  	s1 =	srdreg.scid;
	s4 =	rddreg [dreg:$0x2]  }
0x4: {  	s13 =	stileid.u32;
	s5 =	rddreg [dreg:$0x3]  }
0x5: {  	s6 =	simm.s32 $0x0;
	s30 =	simm.s32 $0x80;
	s7 =	smul.u32 $0x1F400, s13  }
0x6: {  	s31 =	simm.s32 $0x1;
	s28 =	simm.s32 $0x3;
	s9 =	smul.u32 $0x2710, s13  }
0x7: {  	s29 =	simm.s32 $0x2;
	s1 =	sand.u32 $0x1, s1;
	s10 =	smul.u32 $0x7D000, s13  }
0x8: {  	[smem:$0x7FF] =	sst s6;
	p0 =	sgt.u32 s13, $0x9;
	s3 =	smul.u32 $0x138800, s1  }
0x9: {  	s8 =	smul.u32 $0x27100, s1;
	_ =	strace $0x80000047;
	s1 =	ssub.s32 $0x2, s1  }
0xa: {  	s11 =	sshrl.u32 s1, $0x1;
	s18 =	sshrl.u32 s10, $0x2;
	s3 =	sadd.s32 s7, s3  }
0xb: {  	s7 =	sadd.s32 $0x9E00, s0;
	s8 =	sadd.s32 s9, s8;
	s9 =	sadd.s32 s18, s5  }
0xc: {  	s1 =	ssub.s32 s1, s11;
	s3 =	sshrl.u32 s3, $0x3;
	s20 =	sadd.s32 $0xA000, s9  }
0xd: {  	s19 =	sshrl.u32 s8, $0x3;
	s21 =	sadd.s32 $0x14000, s9;
	[dreg:$0x5] =	wrdreg s20  }
0xe: {  	s3 =	sadd.s32 s3, s0;
	[dreg:$0x6] =	wrdreg s21;
	s22 =	sadd.s32 s0, s19  }
0xf: {  	s23 =	sadd.s32 s7, s19;
	s24 =	sadd.s32 s2, s19;
	[dreg:$0x7] =	wrdreg s22  }
0x10: {  	s25 =	sadd.s32 $0xA, s19;
	s26 =	sadd.s32 $0x14, s19;
	[dreg:$0x8] =	wrdreg s23  }
0x11: {  	v0 =	vimm.f32 $0.0e+00;
	v1 =	vimm.s32 $0x0;
	s10 =	sadd.s32 $0x1E, s19;
	[dreg:$0x9] =	wrdreg s24;
	s12 =	sadd.s32 s0, s25  }
.Ltmp0:
0x12: {  	v2 =	vimm.s32 $0x1;
	v3 =	vimm.s32 $0x2;
	v4 =	vimm.s32 $0x3;
	s16 =	sadd.s32 s7, s25;
	s17 =	sadd.s32 s2, s25;
	(pc) =	sbr.rel .LBB2_1-.Ltmp0, $4  }
0x13: {  	v5 =	vimm.s32 $0x4;
	v6 =	vimm.s32 $0x5;
	v7 =	vimm.s32 $0x6;
	s18 =	sadd.s32 s0, s26;
	s19 =	sadd.s32 s7, s26;
	s20 =	sadd.s32 s2, s26  }
0x14: {  	v8 =	vimm.s32 $0x7;
	v9 =	vimm.s32 $0x8;
	v10 =	vimm.s32 $0x9;
	s21 =	sadd.s32 s0, s10;
	s22 =	sadd.s32 s7, s10;
	s23 =	sadd.s32 s2, s10  }
0x15: {  	v11 =	vimm.s32 $0xA;
	v12 =	vimm.s32 $0xB;
	v13 =	vimm.s32 $0xC;
	s24 =	sadd.s32 $0x13C00, s3;
	s25 =	smax.u32 s1, $0x1;
	s26 =	sadd.s32 $0x1E000, s9  }
0x16: {  	v14 =	vimm.s32 $0xD;
	v15 =	vimm.s32 $0xE;
	v16 =	vimm.s32 $0xF;
	s3 =	simm.s32 $0x50;
	s1 =	simm.s32 $0x0;
	[dreg:$0xa] =	wrdreg s12  }
.LBB2_14:
0x17: {  	_ =	swait.ge [sflag:s28], $0x2800  }
0x18: {  	[sflag:s28] =	ssyncset.done $0x0  }
0x19: {  	[sflag:s28] =	ssyncadd.s32 $0xFFFFD800  }
0x1a: {  	_ =	swait.ge [sflag:s28], $0x2800  }
0x1b: {  	s10 =	stileid.u32;
	s11 =	sshrl.u32 @!p0 s9, $0x3;
	[sflag:s28] =	ssyncset.done $0x0  }
0x1c: {  	s1 =	sadd.s32 $0x1, s1;
	s10 =	sshll.u32 @!p0 s10, $0x6;
	[sflag:s28] =	ssyncadd.s32 $0xFFFFD800  }
0x1d: {  	p1 =	sne.s32 s1, s25;
	s10 =	sor.u32 @!p0 $0x1C04, s10;
	[bflag:$0x0] =	sbarrier.arrive $0xFFFF  }
0x1e: {  	[hbm:s24], [sflag:s10] =	dma.local @!p0 [spmem:s11], $0x3E80  }
.Ltmp1:
0x1f: {  	_ = 	snop;
	(pc) =	sbr.rel @!p1 .LBB2_15-.Ltmp1, $4  }
0x20: {  	s10 =	simm.s32 @!p0 $0x4  }
0x21: {  	_ =	swait.ge @!p0 [sflag:s10], $0x3E80  }
0x22: {  	[sflag:s10] =	ssyncset.done @!p0 $0x0  }
0x23: {  	[sflag:s10] =	ssyncadd.s32 @!p0 $0xFFFFC180  }
.LBB2_1:
0x24: {  	s10 =	sand.u32 $0x3FE00, s6  }
0x25: {  	s11 =	sand.u32 $0x70, s6;
	s12 =	sshrl.u32 s10, $0x2  }
0x26: {  	s10 =	simm.s32 $0x40;
	s12 =	sor.u32 s11, s12;
	s11 =	simm.s32 $0x0  }
.LBB2_2:
0x27: {  	p1 =	sne.s32 s10, $0x27FC0  }
0x28: {  	[tilespmem:s12+$0xC00] =	vst v0;
	s11 =	sadd.s32 $0x10, s11;
	s12 =	smov.u32 s10;
	s10 =	sadd.s32 $0x40, s10  }
.Ltmp2:
0x29: {  	(pc) =	sbr.rel @p1 .LBB2_2-.Ltmp2, $4  }
0x2a: {  	_ = 	snop  }
0x2b: {  	s12 =	sand.u32 $0x3FE00, s12  }
0x2c: {  	s13 =	sand.u32 $0x70, s11;
	s12 =	sshrl.u32 s12, $0x2  }
0x2d: {  	s12 =	sor.u32 s13, s12  }
0x2e: {  	[tilespmem:s12+$0xC00] =	vst v0;
	s10 =	simm.s32 @!p0 $0xC00;
	s11 =	simm.s32 @!p0 $0x4  }
0x2f: {  	[spmem:s9] =	stream.linear.scatter @!p0 [tilespmem:s10], [sflag:$0x4], $0xA000, $0x38;
	[tilespmem:$0x1E480] =	vst v63  }
0x30: {  	_ =	swait.ge @!p0 [sflag:s11], $0xA000  }
0x31: {  	[sflag:s11] =	ssyncset.done @!p0 $0x0  }
0x32: {  	s12 =	rddreg [dreg:$0x5];
	[sflag:s11] =	ssyncadd.s32 @!p0 $0xFFFF6000  }
0x33: {  	[spmem:s12] =	stream.linear.scatter @!p0 [tilespmem:s10], [sflag:$0x4], $0xA000, $0x38;
	[tilespmem:$0x1E480] =	vst v63  }
0x34: {  	_ =	swait.ge @!p0 [sflag:s11], $0xA000  }
0x35: {  	[sflag:s11] =	ssyncset.done @!p0 $0x0  }
0x36: {  	s12 =	rddreg [dreg:$0x6];
	[sflag:s11] =	ssyncadd.s32 @!p0 $0xFFFF6000  }
0x37: {  	[spmem:s12] =	stream.linear.scatter @!p0 [tilespmem:s10], [sflag:$0x4], $0xA000, $0x38;
	[tilespmem:$0x1E480] =	vst v63  }
0x38: {  	_ =	swait.ge @!p0 [sflag:s11], $0xA000  }
0x39: {  	[sflag:s11] =	ssyncset.done @!p0 $0x0  }
0x3a: {  	[sflag:s11] =	ssyncadd.s32 @!p0 $0xFFFF6000  }
0x3b: {  	[spmem:s26] =	stream.linear.scatter @!p0 [tilespmem:s10], [sflag:$0x4], $0x1400, $0x38;
	[tilespmem:$0x1E480] =	vst v63  }
0x3c: {  	_ =	swait.ge @!p0 [sflag:s11], $0x1400  }
0x3d: {  	[sflag:s11] =	ssyncset.done @!p0 $0x0  }
0x3e: {  	[sflag:s11] =	ssyncadd.s32 @!p0 $0xFFFFEC00  }
0x3f: {  	[bflag:$0x0] =	sbarrier.arrive $0xFFFF  }
0x40: {  	s10 =	simm.s32 $0x0;
	s15 =	rddreg [dreg:$0x7]  }
0x41: {  	[tilespmem:s10], [sflag:$0x1] =	stream.linear.gather [hbm4b:s15+s10], $0x50, $0x38;
	[tilespmem:$0x1E480] =	vst v63  }
0x42: {  	s13 =	simm.s32 $0x800;
	s12 =	rddreg [dreg:$0x8]  }
0x43: {  	[tilespmem:s13], [sflag:$0x1] =	stream.linear.gather [hbm4b:s12+s10], $0x50, $0x38;
	[tilespmem:$0x1E480] =	vst v63  }
0x44: {  	s14 =	rddreg [dreg:$0x9];
	s15 =	simm.s32 $0x400  }
0x45: {  	[tilespmem:s15], [sflag:$0x1] =	stream.linear.gather [hbm4b:s14+s10], $0x50, $0x38;
	[tilespmem:$0x1E480] =	vst v63  }
0x46: {  	s13 =	rddreg [dreg:$0xa]  }
0x47: {  	[tilespmem:s30], [sflag:$0x1] =	stream.linear.gather [hbm4b:s13+s10], $0x50, $0x38;
	[tilespmem:$0x1E480] =	vst v63  }
0x48: {  	s14 =	simm.s32 $0x880  }
0x49: {  	[tilespmem:s14], [sflag:$0x1] =	stream.linear.gather [hbm4b:s16+s10], $0x50, $0x38;
	[tilespmem:$0x1E480] =	vst v63  }
0x4a: {  	s15 =	simm.s32 $0x480  }
0x4b: {  	[tilespmem:s15], [sflag:$0x1] =	stream.linear.gather [hbm4b:s17+s10], $0x50, $0x38;
	[tilespmem:$0x1E480] =	vst v63  }
0x4c: {  	s12 =	simm.s32 $0x100  }
0x4d: {  	[tilespmem:s12], [sflag:$0x1] =	stream.linear.gather [hbm4b:s18+s10], $0x50, $0x38;
	[tilespmem:$0x1E480] =	vst v63  }
0x4e: {  	s13 =	simm.s32 $0x900  }
0x4f: {  	[tilespmem:s13], [sflag:$0x1] =	stream.linear.gather [hbm4b:s19+s10], $0x50, $0x38;
	[tilespmem:$0x1E480] =	vst v63  }
0x50: {  	s14 =	simm.s32 $0x500  }
0x51: {  	[tilespmem:s14], [sflag:$0x1] =	stream.linear.gather [hbm4b:s20+s10], $0x50, $0x38;
	[tilespmem:$0x1E480] =	vst v63  }
0x52: {  	s15 =	simm.s32 $0x180  }
0x53: {  	[tilespmem:s15], [sflag:$0x1] =	stream.linear.gather [hbm4b:s21+s10], $0x50, $0x38;
	[tilespmem:$0x1E480] =	vst v63  }
0x54: {  	s12 =	simm.s32 $0x980  }
0x55: {  	[tilespmem:s12], [sflag:$0x1] =	stream.linear.gather [hbm4b:s22+s10], $0x50, $0x38;
	[tilespmem:$0x1E480] =	vst v63  }
0x56: {  	s13 =	simm.s32 $0x580  }
0x57: {  	[tilespmem:s13], [sflag:$0x1] =	stream.linear.gather [hbm4b:s23+s10], $0x50, $0x38;
	[tilespmem:$0x1E480] =	vst v63  }
0x58: {  	_ =	swait.ge [sflag:s31], $0x50  }
0x59: {  	[sflag:s31] =	ssyncset.done $0x0  }
0x5a: {  	[sflag:s31] =	ssyncadd.s32 $0xFFFFFFB0  }
0x5b: {  	_ =	swait.ge [sflag:s31], $0x50  }
0x5c: {  	[sflag:s31] =	ssyncset.done $0x0  }
0x5d: {  	[sflag:s31] =	ssyncadd.s32 $0xFFFFFFB0  }
0x5e: {  	_ =	swait.ge [sflag:s31], $0x50  }
0x5f: {  	[sflag:s31] =	ssyncset.done $0x0  }
0x60: {  	s14 =	simm.s32 $0xC00;
	[sflag:s31] =	ssyncadd.s32 $0xFFFFFFB0  }
0x61: {  	[tilespmem:s14], [sflag:$0x2] =	stream.indirect.gather [hbm4b:s4+s3], $0x80, s10, s3, $0xb8;
	[tilespmem:$0x1E480] =	vst v63  }
0x62: {  	_ =	swait.ge [sflag:s31], $0x50  }
0x63: {  	[sflag:s31] =	ssyncset.done $0x0  }
0x64: {  	[sflag:s31] =	ssyncadd.s32 $0xFFFFFFB0  }
0x65: {  	_ =	swait.ge [sflag:s31], $0x50  }
0x66: {  	[sflag:s31] =	ssyncset.done $0x0  }
0x67: {  	[sflag:s31] =	ssyncadd.s32 $0xFFFFFFB0  }
0x68: {  	_ =	swait.ge [sflag:s31], $0x50  }
0x69: {  	[sflag:s31] =	ssyncset.done $0x0  }
0x6a: {  	s15 =	simm.s32 $0x3400;
	[sflag:s31] =	ssyncadd.s32 $0xFFFFFFB0  }
0x6b: {  	[tilespmem:s15], [sflag:$0x2] =	stream.indirect.gather [hbm4b:s4+s3], $0x80, s30, s3, $0xb8;
	[tilespmem:$0x1E480] =	vst v63  }
.LBB2_4:
0x6c: {  	p1 =	sgt.u32 s10, $0x1  }
.Ltmp3:
0x6d: {  	_ = 	snop;
	(pc) =	sbr.rel @!p1 .LBB2_5-.Ltmp3, $1  }
0x6e: {  	_ =	sdelay $0x3  }
0x6f: {  	p1 =	sgt.u32 s10, $0x78  }
.Ltmp4:
0x70: {  	_ = 	snop;
	(pc) =	sbr.rel @p1 .LBB2_9-.Ltmp4, $4  }
0x71: {  	_ = 	snop  }
0x72: {  	_ =	swait.ge [sflag:s28], $0x2800  }
0x73: {  	[sflag:s28] =	ssyncset.done $0x0  }
0x74: {  	[sflag:s28] =	ssyncadd.s32 $0xFFFFD800  }
.Ltmp5:
0x75: {  	(pc) =	sbr.rel .LBB2_8-.Ltmp5, $2  }
0x76: {  	_ =	sdelay $0x2  }
0x77: {  	s11 =	sadd.s32 $0x4, s10  }
.LBB2_5:
0x78: {  	s11 =	sor.u32 $0x4, s10  }
.LBB2_8:
0x79: {  	s12 =	smul.u32 $0xCD, s11;
	_ =	sdelay $0x1  }
0x7a: {  	s12 =	sshrl.u32 s12, $0xA  }
0x7b: {  	s13 =	smul.u32 $0x50, s11;
	s12 =	sand.u32 $0x3F, s12  }
0x7c: {  	s12 =	smul.u32 $0x5, s12;
	_ =	sdelay $0x1  }
0x7d: {  	s13 =	sadd.s32 s8, s13;
	s12 =	ssub.s32 s11, s12  }
0x7e: {  	s13 =	sshrl.u32 s13, $0x3;
	s12 =	sand.u32 $0xFF, s12  }
0x7f: {  	s15 =	smul.u32 $0x25, s11;
	s14 =	sadd.s32 s0, s13;
	s12 =	sshll.u32 s12, $0x7  }
0x80: {  	[tilespmem:s12], [sflag:$0x1] =	stream.linear.gather [hbm4b:s14+s6], $0x50, $0x38;
	[tilespmem:$0x1E480] =	vst v63  }
0x81: {  	s14 =	sshrl.u32 s15, $0x8  }
0x82: {  	s15 =	ssub.s32 s11, s14  }
0x83: {  	s15 =	sand.u32 $0xFE, s15  }
0x84: {  	s15 =	sshrl.u32 s15, $0x1  }
0x85: {  	s14 =	sadd.s32 s14, s15  }
0x86: {  	s14 =	sand.u32 $0xFC, s14  }
0x87: {  	s14 =	sshrl.u32 s14, $0x2  }
0x88: {  	s12 =	sor.u32 $0x800, s12;
	s15 =	sadd.s32 s7, s13;
	s14 =	smul.u32 $0x7, s14  }
0x89: {  	[tilespmem:s12], [sflag:$0x1] =	stream.linear.gather [hbm4b:s15+s6], $0x50, $0x38;
	[tilespmem:$0x1E480] =	vst v63  }
0x8a: {  	s14 =	ssub.s32 s11, s14  }
0x8b: {  	s11 =	sand.u32 $0xF7, s14  }
0x8c: {  	s11 =	sshll.u32 s11, $0x7  }
0x8d: {  	s15 =	sadd.s32 s2, s13;
	s11 =	sor.u32 $0x400, s11  }
0x8e: {  	[tilespmem:s11], [sflag:$0x1] =	stream.linear.gather [hbm4b:s15+s6], $0x50, $0x38;
	[tilespmem:$0x1E480] =	vst v63  }
.LBB2_10:
0x8f: {  	s11 =	sadd.s32 $0x2, s10  }
0x90: {  	_ =	swait.ge [sflag:s31], $0x50;
	s12 =	smul.u32 $0xCD, s11  }
0x91: {  	[sflag:s31] =	ssyncset.done $0x0  }
0x92: {  	[sflag:s31] =	ssyncadd.s32 $0xFFFFFFB0;
	s12 =	sshrl.u32 s12, $0xA  }
0x93: {  	_ =	swait.ge [sflag:s31], $0x50;
	s12 =	sand.u32 $0x3F, s12  }
0x94: {  	s13 =	sand.u32 $0x3, s11;
	[sflag:s31] =	ssyncset.done $0x0;
	s12 =	smul.u32 $0x5, s12  }
0x95: {  	s13 =	smul.u32 $0xA000, s13;
	[sflag:s31] =	ssyncadd.s32 $0xFFFFFFB0  }
0x96: {  	_ =	swait.ge [sflag:s31], $0x50;
	s11 =	ssub.s32 s11, s12  }
0x97: {  	s15 =	sshrl.u32 s13, $0x2;
	[sflag:s31] =	ssyncset.done $0x0;
	s11 =	sand.u32 $0xFF, s11  }
0x98: {  	s12 =	sadd.s32 $0xC00, s15;
	[sflag:s31] =	ssyncadd.s32 $0xFFFFFFB0;
	s11 =	sshll.u32 s11, $0x7  }
0x99: {  	[tilespmem:s12], [sflag:$0x2] =	stream.indirect.gather [hbm4b:s4+s3], $0x80, s11, s3, $0xb8;
	[tilespmem:$0x1E480] =	vst v63  }
.LBB2_11:
0x9a: {  	s11 =	smulhi.u32 $0xCCCCCCCD, s10;
	_ =	sdelay $0x1  }
0x9b: {  	s11 =	sshrl.u32 s11, $0x2  }
0x9c: {  	s11 =	smul.u32 $0x5, s11;
	_ =	sdelay $0x1  }
0x9d: {  	s11 =	ssub.s32 s10, s11  }
0x9e: {  	s11 =	sshll.u32 s11, $0x7  }
0x9f: {  	s11 =	sor.u32 $0x800, s11  }
0xa0: {  	v17 =	vmov s11;
	s11 =	sand.u32 $0x3, s10  }
0xa1: {  	s12 =	smul.u32 $0x50, s11  }
0xa2: {  	_ =	swait.ge [sflag:s29], $0x2800  }
0xa3: {  	[sflag:s29] =	ssyncset.done $0x0;
	s14 =	sadd.s32 $0x0, s12  }
0xa4: {  	s13 =	simm.s32 $0x0;
	[sflag:s29] =	ssyncadd.s32 $0xFFFFD800;
	s15 =	sshll.u32 s14, $0x7  }
0xa5: {  	v18 =	vld.idx.msk [tilespmem:v17+s13+$0x0 ss:$0x1], $0xffff;
	s13 =	sand.u32 $0x3FFFFF80, s15  }
0xa6: {  	v19 =	vld [tilespmem:s13+$0xC00]  }
0xa7: {  	v20 =	vld [tilespmem:s13+$0xC10]  }
0xa8: {  	v21 =	vld [tilespmem:s13+$0xC20]  }
0xa9: {  	v23 =	vld [tilespmem:s13+$0xC30]  }
0xaa: {  	v24 =	vld [tilespmem:s13+$0xC40];
	v22 =	vperm.xlane v18, v1  }
0xab: {  	v25 =	vld [tilespmem:s13+$0xC50]  }
0xac: {  	v26 =	vld [tilespmem:s13+$0xC60];
	v19 =	vmul.f32 v19, v22  }
0xad: {  	v33 =	vld [tilespmem:s13+$0xC90];
	v20 =	vmul.f32 v20, v22  }
0xae: {  	v34 =	vld [tilespmem:s13+$0xCA0];
	v21 =	vmul.f32 v21, v22;
	[tilespmem:s13+$0xC00] =	vst v19  }
0xaf: {  	v23 =	vmul.f32 v23, v22;
	v19 =	vld [tilespmem:s13+$0xC70];
	[tilespmem:s13+$0xC10] =	vst v20  }
0xb0: {  	v24 =	vmul.f32 v24, v22;
	v20 =	vld [tilespmem:s13+$0xC80];
	[tilespmem:s13+$0xC20] =	vst v21  }
0xb1: {  	v35 =	vld [tilespmem:s13+$0xCB0];
	v27 =	vperm.xlane v18, v2;
	v25 =	vmul.f32 v25, v22;
	[tilespmem:s13+$0xC30] =	vst v23  }
0xb2: {  	v36 =	vld [tilespmem:s13+$0xCC0];
	v26 =	vmul.f32 v26, v22;
	[tilespmem:s13+$0xC40] =	vst v24  }
0xb3: {  	v37 =	vld [tilespmem:s13+$0xCD0];
	[tilespmem:s13+$0xC50] =	vst v25;
	v21 =	vmul.f32 v33, v27  }
0xb4: {  	v38 =	vld [tilespmem:s13+$0xD00];
	[tilespmem:s13+$0xC60] =	vst v26;
	v19 =	vmul.f32 v19, v22  }
0xb5: {  	v39 =	vld [tilespmem:s13+$0xD10];
	[tilespmem:s13+$0xC90] =	vst v21;
	v20 =	vmul.f32 v20, v27  }
0xb6: {  	v23 =	vmul.f32 v34, v27;
	[tilespmem:s13+$0xC70] =	vst v19;
	v19 =	vld [tilespmem:s13+$0xCE0]  }
0xb7: {  	v43 =	vperm.xlane v18, v3;
	v24 =	vmul.f32 v35, v27;
	[tilespmem:s13+$0xC80] =	vst v20;
	v20 =	vld [tilespmem:s13+$0xCF0]  }
0xb8: {  	v40 =	vld [tilespmem:s13+$0xD20];
	v25 =	vmul.f32 v36, v27;
	[tilespmem:s13+$0xCA0] =	vst v23  }
0xb9: {  	v41 =	vld [tilespmem:s13+$0xD30];
	[tilespmem:s13+$0xCB0] =	vst v24;
	v21 =	vmul.f32 v38, v43  }
0xba: {  	v44 =	vld [tilespmem:s13+$0xD70];
	[tilespmem:s13+$0xCC0] =	vst v25;
	v23 =	vmul.f32 v39, v43  }
0xbb: {  	v45 =	vld [tilespmem:s13+$0xD80];
	[tilespmem:s13+$0xD00] =	vst v21;
	v19 =	vmul.f32 v19, v27  }
0xbc: {  	v46 =	vld [tilespmem:s13+$0xD90];
	[tilespmem:s13+$0xD10] =	vst v23;
	v20 =	vmul.f32 v20, v27  }
0xbd: {  	v24 =	vmul.f32 v40, v43;
	[tilespmem:s13+$0xCE0] =	vst v19;
	v19 =	vld [tilespmem:s13+$0xD50]  }
0xbe: {  	v49 =	vperm.xlane v18, v4;
	v25 =	vmul.f32 v41, v43;
	[tilespmem:s13+$0xCF0] =	vst v20;
	v20 =	vld [tilespmem:s13+$0xD60]  }
0xbf: {  	v47 =	vld [tilespmem:s13+$0xDA0];
	[tilespmem:s13+$0xD20] =	vst v24;
	v21 =	vmul.f32 v44, v43  }
0xc0: {  	v42 =	vld [tilespmem:s13+$0xD40];
	[tilespmem:s13+$0xD30] =	vst v25;
	v23 =	vmul.f32 v45, v49  }
0xc1: {  	v50 =	vld [tilespmem:s13+$0xDE0];
	v24 =	vmul.f32 v46, v49;
	[tilespmem:s13+$0xD70] =	vst v21  }
0xc2: {  	v51 =	vld [tilespmem:s13+$0xDF0];
	[tilespmem:s13+$0xD80] =	vst v23;
	v19 =	vmul.f32 v19, v43  }
0xc3: {  	v52 =	vld [tilespmem:s13+$0xE00];
	[tilespmem:s13+$0xD90] =	vst v24;
	v20 =	vmul.f32 v20, v43  }
0xc4: {  	v25 =	vmul.f32 v47, v49;
	[tilespmem:s13+$0xD50] =	vst v19;
	v19 =	vld [tilespmem:s13+$0xDC0]  }
0xc5: {  	v22 =	vmul.f32 v37, v27;
	[tilespmem:s13+$0xD60] =	vst v20;
	v20 =	vld [tilespmem:s13+$0xDD0]  }
0xc6: {  	v53 =	vld [tilespmem:s13+$0xE10];
	v55 =	vperm.xlane v18, v5;
	[tilespmem:s13+$0xDA0] =	vst v25;
	v21 =	vmul.f32 v50, v49  }
0xc7: {  	v48 =	vld [tilespmem:s13+$0xDB0];
	v23 =	vmul.f32 v51, v49;
	[tilespmem:s13+$0xCD0] =	vst v22  }
0xc8: {  	v56 =	vld [tilespmem:s13+$0xE50];
	v24 =	vmul.f32 v52, v55;
	[tilespmem:s13+$0xDE0] =	vst v21  }
0xc9: {  	v57 =	vld [tilespmem:s13+$0xE60];
	[tilespmem:s13+$0xDF0] =	vst v23;
	v19 =	vmul.f32 v19, v49  }
0xca: {  	v58 =	vld [tilespmem:s13+$0xE70];
	[tilespmem:s13+$0xE00] =	vst v24;
	v20 =	vmul.f32 v20, v49  }
0xcb: {  	v25 =	vmul.f32 v53, v55;
	[tilespmem:s13+$0xDC0] =	vst v19;
	v19 =	vld [tilespmem:s13+$0xE30]  }
0xcc: {  	v22 =	vmul.f32 v42, v43;
	[tilespmem:s13+$0xDD0] =	vst v20;
	v20 =	vld [tilespmem:s13+$0xE40]  }
0xcd: {  	v59 =	vld [tilespmem:s13+$0xE80];
	[tilespmem:s13+$0xE10] =	vst v25;
	v21 =	vmul.f32 v56, v55  }
0xce: {  	v54 =	vld [tilespmem:s13+$0xE20];
	v23 =	vmul.f32 v57, v55;
	[tilespmem:s13+$0xD40] =	vst v22  }
0xcf: {  	v61 =	vld [tilespmem:s13+$0xEC0];
	v24 =	vmul.f32 v58, v55;
	[tilespmem:s13+$0xE50] =	vst v21  }
0xd0: {  	v63 =	vld [tilespmem:s13+$0xED0];
	v62 =	vperm.xlane v18, v6;
	[tilespmem:s13+$0xE60] =	vst v23;
	v19 =	vmul.f32 v19, v55  }
0xd1: {  	v28 =	vld [tilespmem:s13+$0xEE0];
	[tilespmem:s13+$0xE70] =	vst v24;
	v20 =	vmul.f32 v20, v55  }
0xd2: {  	v25 =	vmul.f32 v59, v62;
	[tilespmem:s13+$0xE30] =	vst v19;
	v19 =	vld [tilespmem:s13+$0xEA0]  }
0xd3: {  	v22 =	vmul.f32 v48, v49;
	[tilespmem:s13+$0xE40] =	vst v20;
	v20 =	vld [tilespmem:s13+$0xEB0]  }
0xd4: {  	v29 =	vld [tilespmem:s13+$0xEF0];
	[tilespmem:s13+$0xE80] =	vst v25;
	v21 =	vmul.f32 v61, v62  }
0xd5: {  	v60 =	vld [tilespmem:s13+$0xE90];
	v23 =	vmul.f32 v63, v62;
	[tilespmem:s13+$0xDB0] =	vst v22  }
0xd6: {  	v31 =	vld [tilespmem:s13+$0xF30];
	v24 =	vmul.f32 v28, v62;
	[tilespmem:s13+$0xEC0] =	vst v21  }
0xd7: {  	v32 =	vld [tilespmem:s13+$0xF40];
	[tilespmem:s13+$0xED0] =	vst v23;
	v19 =	vmul.f32 v19, v62  }
0xd8: {  	v34 =	vld [tilespmem:s13+$0xF50];
	[tilespmem:s13+$0xEE0] =	vst v24;
	v20 =	vmul.f32 v20, v62  }
0xd9: {  	v33 =	vperm.xlane v18, v7;
	v25 =	vmul.f32 v29, v62;
	[tilespmem:s13+$0xEA0] =	vst v19;
	v19 =	vld [tilespmem:s13+$0xF10]  }
0xda: {  	v22 =	vmul.f32 v54, v55;
	[tilespmem:s13+$0xEB0] =	vst v20;
	v20 =	vld [tilespmem:s13+$0xF20]  }
0xdb: {  	v35 =	vld [tilespmem:s13+$0xF60];
	[tilespmem:s13+$0xEF0] =	vst v25;
	v21 =	vmul.f32 v31, v33  }
0xdc: {  	v30 =	vld [tilespmem:s13+$0xF00];
	v23 =	vmul.f32 v32, v33;
	[tilespmem:s13+$0xE20] =	vst v22  }
0xdd: {  	v37 =	vld [tilespmem:s13+$0xFA0];
	v24 =	vmul.f32 v34, v33;
	[tilespmem:s13+$0xF30] =	vst v21  }
0xde: {  	v38 =	vld [tilespmem:s13+$0xFB0];
	[tilespmem:s13+$0xF40] =	vst v23;
	v19 =	vmul.f32 v19, v33  }
0xdf: {  	v39 =	vld [tilespmem:s13+$0xFC0];
	[tilespmem:s13+$0xF50] =	vst v24;
	v20 =	vmul.f32 v20, v33  }
0xe0: {  	v40 =	vperm.xlane v18, v8;
	v25 =	vmul.f32 v35, v33;
	[tilespmem:s13+$0xF10] =	vst v19;
	v19 =	vld [tilespmem:s13+$0xF80]  }
0xe1: {  	v22 =	vmul.f32 v60, v62;
	[tilespmem:s13+$0xF20] =	vst v20;
	v20 =	vld [tilespmem:s13+$0xF90]  }
0xe2: {  	v41 =	vld [tilespmem:s13+$0xFD0];
	[tilespmem:s13+$0xF60] =	vst v25;
	v21 =	vmul.f32 v37, v40  }
0xe3: {  	v36 =	vld [tilespmem:s13+$0xF70];
	v23 =	vmul.f32 v38, v40;
	[tilespmem:s13+$0xE90] =	vst v22  }
0xe4: {  	v44 =	vld [tilespmem:s13+$0x1020];
	v24 =	vmul.f32 v39, v40;
	[tilespmem:s13+$0xFA0] =	vst v21  }
0xe5: {  	v45 =	vld [tilespmem:s13+$0x1030];
	[tilespmem:s13+$0xFB0] =	vst v23;
	v19 =	vmul.f32 v19, v40  }
0xe6: {  	v46 =	vld [tilespmem:s13+$0x1040];
	[tilespmem:s13+$0xFC0] =	vst v24;
	v20 =	vmul.f32 v20, v40  }
0xe7: {  	v47 =	vperm.xlane v18, v9;
	v25 =	vmul.f32 v41, v40;
	[tilespmem:s13+$0xF80] =	vst v19;
	v19 =	vld [tilespmem:s13+$0xFF0]  }
0xe8: {  	v22 =	vmul.f32 v30, v33;
	[tilespmem:s13+$0xF90] =	vst v20;
	v20 =	vld [tilespmem:s13+$0x1000]  }
0xe9: {  	v50 =	vld [tilespmem:s13+$0x1090];
	[tilespmem:s13+$0xFD0] =	vst v25;
	v23 =	vmul.f32 v44, v47  }
0xea: {  	v51 =	vld [tilespmem:s13+$0x10A0];
	v24 =	vmul.f32 v45, v47;
	[tilespmem:s13+$0xF00] =	vst v22  }
0xeb: {  	v52 =	vld [tilespmem:s13+$0x10B0];
	v25 =	vmul.f32 v46, v47;
	[tilespmem:s13+$0x1020] =	vst v23  }
0xec: {  	v53 =	vld [tilespmem:s13+$0x10C0];
	[tilespmem:s13+$0x1030] =	vst v24;
	v19 =	vmul.f32 v19, v40  }
0xed: {  	v42 =	vld [tilespmem:s13+$0xFE0];
	v54 =	vperm.xlane v18, v10;
	[tilespmem:s13+$0x1040] =	vst v25;
	v20 =	vmul.f32 v20, v47  }
0xee: {  	v22 =	vmul.f32 v36, v33;
	[tilespmem:s13+$0xFF0] =	vst v19;
	v19 =	vld [tilespmem:s13+$0x1060]  }
0xef: {  	v23 =	vmul.f32 v50, v54;
	[tilespmem:s13+$0x1000] =	vst v20;
	v20 =	vld [tilespmem:s13+$0x1070]  }
0xf0: {  	v56 =	vld [tilespmem:s13+$0x1100];
	v24 =	vmul.f32 v51, v54;
	[tilespmem:s13+$0xF70] =	vst v22  }
0xf1: {  	v57 =	vld [tilespmem:s13+$0x1110];
	v25 =	vmul.f32 v52, v54;
	[tilespmem:s13+$0x1090] =	vst v23  }
0xf2: {  	v58 =	vld [tilespmem:s13+$0x1120];
	v22 =	vmul.f32 v42, v40;
	[tilespmem:s13+$0x10A0] =	vst v24  }
0xf3: {  	v48 =	vld [tilespmem:s13+$0x1050];
	v60 =	vperm.xlane v18, v11;
	[tilespmem:s13+$0x10B0] =	vst v25;
	v19 =	vmul.f32 v19, v47  }
0xf4: {  	v63 =	vld [tilespmem:s13+$0x1180];
	[tilespmem:s13+$0xFE0] =	vst v22;
	v20 =	vmul.f32 v20, v47  }
0xf5: {  	v23 =	vmul.f32 v56, v60;
	[tilespmem:s13+$0x1060] =	vst v19;
	v19 =	vld [tilespmem:s13+$0x10D0]  }
0xf6: {  	v24 =	vmul.f32 v57, v60;
	[tilespmem:s13+$0x1070] =	vst v20;
	v20 =	vld [tilespmem:s13+$0x10E0]  }
0xf7: {  	v32 =	vperm.xlane v18, v12;
	v30 =	vld [tilespmem:s13+$0x1190];
	v25 =	vmul.f32 v58, v60;
	[tilespmem:s13+$0x1100] =	vst v23  }
0xf8: {  	v59 =	vld [tilespmem:s13+$0x1130];
	v22 =	vmul.f32 v48, v47;
	[tilespmem:s13+$0x1110] =	vst v24  }
0xf9: {  	v43 =	vld [tilespmem:s13+$0x1010];
	[tilespmem:s13+$0x1120] =	vst v25;
	v24 =	vmul.f32 v63, v32  }
0xfa: {  	v35 =	vld [tilespmem:s13+$0x11F0];
	[tilespmem:s13+$0x1050] =	vst v22;
	v19 =	vmul.f32 v19, v54  }
0xfb: {  	v36 =	vld [tilespmem:s13+$0x1200];
	[tilespmem:s13+$0x1180] =	vst v24;
	v20 =	vmul.f32 v20, v54  }
0xfc: {  	v25 =	vmul.f32 v30, v32;
	[tilespmem:s13+$0x10D0] =	vst v19;
	v19 =	vld [tilespmem:s13+$0x1140]  }
0xfd: {  	v22 =	vmul.f32 v53, v54;
	[tilespmem:s13+$0x10E0] =	vst v20;
	v20 =	vld [tilespmem:s13+$0x1150]  }
0xfe: {  	v31 =	vld [tilespmem:s13+$0x11A0];
	v39 =	vperm.xlane v18, v13;
	v21 =	vmul.f32 v43, v47;
	[tilespmem:s13+$0x1190] =	vst v25  }
0xff: {  	v41 =	vld [tilespmem:s13+$0x1260];
	v24 =	vmul.f32 v35, v32;
	[tilespmem:s13+$0x10C0] =	vst v22  }
0x100: {  	v37 =	vld [tilespmem:s13+$0x1210];
	v25 =	vmul.f32 v36, v39;
	[tilespmem:s13+$0x1010] =	vst v21  }
0x101: {  	v42 =	vld [tilespmem:s13+$0x1270];
	[tilespmem:s13+$0x11F0] =	vst v24;
	v19 =	vmul.f32 v19, v60  }
0x102: {  	v49 =	vld [tilespmem:s13+$0x1080];
	[tilespmem:s13+$0x1200] =	vst v25;
	v20 =	vmul.f32 v20, v60  }
0x103: {  	v22 =	vmul.f32 v59, v60;
	[tilespmem:s13+$0x1140] =	vst v19;
	v19 =	vld [tilespmem:s13+$0x11B0]  }
0x104: {  	v24 =	vmul.f32 v41, v39;
	[tilespmem:s13+$0x1150] =	vst v20;
	v20 =	vld [tilespmem:s13+$0x11C0]  }
0x105: {  	v48 =	vld [tilespmem:s13+$0x12E0];
	[tilespmem:s13+$0x1130] =	vst v22;
	v22 =	vmul.f32 v31, v32  }
0x106: {  	v43 =	vld [tilespmem:s13+$0x1280];
	v25 =	vmul.f32 v42, v39;
	[tilespmem:s13+$0x1260] =	vst v24  }
0x107: {  	[tilespmem:s13+$0x11A0] =	vst v22;
	v22 =	vmul.f32 v37, v39;
	v21 =	vmul.f32 v49, v54;
	v49 =	vld [tilespmem:s13+$0x12F0]  }
0x108: {  	[tilespmem:s13+$0x1270] =	vst v25;
	v55 =	vld [tilespmem:s13+$0x10F0];
	v19 =	vmul.f32 v19, v32  }
0x109: {  	v46 =	vperm.xlane v18, v14;
	[tilespmem:s13+$0x1210] =	vst v22;
	v20 =	vmul.f32 v20, v32  }
0x10a: {  	[tilespmem:s13+$0x11B0] =	vst v19;
	v19 =	vld [tilespmem:s13+$0x1220]  }
0x10b: {  	v22 =	vmul.f32 v43, v46;
	[tilespmem:s13+$0x11C0] =	vst v20;
	v20 =	vld [tilespmem:s13+$0x1230]  }
0x10c: {  	v61 =	vld [tilespmem:s13+$0x1160];
	v25 =	vmul.f32 v48, v46;
	[tilespmem:s13+$0x1080] =	vst v21  }
0x10d: {  	[tilespmem:s13+$0x1280] =	vst v22;
	v22 =	vmul.f32 v49, v46;
	v21 =	vmul.f32 v55, v54;
	v55 =	vld [tilespmem:s13+$0x1370]  }
0x10e: {  	[tilespmem:s13+$0x12E0] =	vst v25;
	v33 =	vld [tilespmem:s13+$0x11D0]  }
0x10f: {  	[tilespmem:s13+$0x12F0] =	vst v22;
	v62 =	vld [tilespmem:s13+$0x1170];
	v19 =	vmul.f32 v19, v39  }
0x110: {  	v38 =	vld [tilespmem:s13+$0x1240];
	v53 =	vperm.xlane v18, v15;
	[tilespmem:s13+$0x10F0] =	vst v21;
	v20 =	vmul.f32 v20, v39  }
0x111: {  	v21 =	vmul.f32 v61, v60;
	[tilespmem:s13+$0x1220] =	vst v19;
	v19 =	vld [tilespmem:s13+$0x1290]  }
0x112: {  	v22 =	vmul.f32 v55, v53;
	[tilespmem:s13+$0x1230] =	vst v20;
	v20 =	vld [tilespmem:s13+$0x12A0]  }
0x113: {  	v61 =	vld [tilespmem:s13+$0x1360];
	[tilespmem:s13+$0x1160] =	vst v21;
	v21 =	vmul.f32 v33, v32  }
0x114: {  	v44 =	vld [tilespmem:s13+$0x12B0];
	v23 =	vmul.f32 v62, v60;
	[tilespmem:s13+$0x1370] =	vst v22  }
0x115: {  	v34 =	vld [tilespmem:s13+$0x11E0];
	[tilespmem:s13+$0x11D0] =	vst v21;
	v21 =	vmul.f32 v38, v39  }
0x116: {  	v50 =	vld [tilespmem:s13+$0x1320];
	[tilespmem:s13+$0x1170] =	vst v23;
	v19 =	vmul.f32 v19, v46  }
0x117: {  	[tilespmem:s13+$0x1240] =	vst v21;
	v40 =	vld [tilespmem:s13+$0x1250];
	v20 =	vmul.f32 v20, v46  }
0x118: {  	v63 =	vmul.f32 v61, v53;
	[tilespmem:s13+$0x1290] =	vst v19;
	v19 =	vld [tilespmem:s13+$0x1300]  }
0x119: {  	v21 =	vmul.f32 v44, v46;
	[tilespmem:s13+$0x12A0] =	vst v20;
	v20 =	vld [tilespmem:s13+$0x1310]  }
0x11a: {  	v45 =	vld [tilespmem:s13+$0x12C0];
	v23 =	vmul.f32 v34, v32;
	[tilespmem:s13+$0x1360] =	vst v63  }
0x11b: {  	[tilespmem:s13+$0x12B0] =	vst v21;
	v21 =	vmul.f32 v50, v53;
	v47 =	vld [tilespmem:s13+$0x12D0]  }
0x11c: {  	v51 =	vld [tilespmem:s13+$0x1330];
	[tilespmem:s13+$0x11E0] =	vst v23;
	v23 =	vmul.f32 v40, v39  }
0x11d: {  	v52 =	vld [tilespmem:s13+$0x1340];
	[tilespmem:s13+$0x1320] =	vst v21;
	v19 =	vmul.f32 v19, v53  }
0x11e: {  	[tilespmem:s13+$0x1250] =	vst v23;
	v54 =	vld [tilespmem:s13+$0x1350];
	v20 =	vmul.f32 v20, v53  }
0x11f: {  	v23 =	vmul.f32 v45, v46;
	[tilespmem:s13+$0x1300] =	vst v19;
	v19 =	vld [tilespmem:s13+$0x1380]  }
0x120: {  	v24 =	vmul.f32 v47, v46;
	[tilespmem:s13+$0x1310] =	vst v20;
	v20 =	vld [tilespmem:s13+$0x1390]  }
0x121: {  	v56 =	vld [tilespmem:s13+$0x13A0];
	[tilespmem:s13+$0x12C0] =	vst v23;
	v23 =	vmul.f32 v51, v53  }
0x122: {  	v18 =	vperm.xlane v18, v16;
	v57 =	vld [tilespmem:s13+$0x13B0];
	[tilespmem:s13+$0x12D0] =	vst v24;
	v24 =	vmul.f32 v52, v53  }
0x123: {  	v58 =	vld [tilespmem:s13+$0x13C0];
	[tilespmem:s13+$0x1330] =	vst v23;
	v25 =	vmul.f32 v54, v53  }
0x124: {  	v59 =	vld [tilespmem:s13+$0x13D0];
	[tilespmem:s13+$0x1340] =	vst v24;
	v19 =	vmul.f32 v19, v18  }
0x125: {  	[tilespmem:s13+$0x1350] =	vst v25;
	v60 =	vld [tilespmem:s13+$0x13E0];
	v20 =	vmul.f32 v20, v18  }
0x126: {  	v62 =	vld [tilespmem:s13+$0x13F0];
	[tilespmem:s13+$0x1380] =	vst v19;
	v19 =	vmul.f32 v56, v18  }
0x127: {  	[tilespmem:s13+$0x1390] =	vst v20;
	v20 =	vmul.f32 v57, v18  }
0x128: {  	[tilespmem:s13+$0x13A0] =	vst v19;
	v19 =	vmul.f32 v58, v18  }
0x129: {  	[tilespmem:s13+$0x13B0] =	vst v20;
	v20 =	vmul.f32 v59, v18  }
0x12a: {  	[tilespmem:s13+$0x13C0] =	vst v19;
	v19 =	vmul.f32 v60, v18  }
0x12b: {  	[tilespmem:s13+$0x13D0] =	vst v20;
	v18 =	vmul.f32 v62, v18  }
0x12c: {  	s14 =	simm.s32 $0x1;
	[tilespmem:s13+$0x13E0] =	vst v19  }
.LBB2_12:
0x12d: {  	s15 =	sshll.u32 s14, $0x4;
	p1 =	sne.s32 s14, $0x4;
	s14 =	sadd.s32 $0x1, s14;
	[tilespmem:s13+$0x13F0] =	vst v18  }
0x12e: {  	v18 =	vld.idx.msk [tilespmem:v17+s15+$0x0 ss:$0x1], $0xffff;
	s13 =	sadd.s32 s12, s15  }
0x12f: {  	s13 =	sshll.u32 s13, $0x7  }
0x130: {  	s13 =	sand.u32 $0x3FFFFF80, s13  }
0x131: {  	v20 =	vld [tilespmem:s13+$0xC00]  }
0x132: {  	v21 =	vld [tilespmem:s13+$0xC10]  }
0x133: {  	v22 =	vld [tilespmem:s13+$0xC20]  }
0x134: {  	v23 =	vperm.xlane v18, v1;
	v19 =	vperm.xlane v18, v4;
	v24 =	vld [tilespmem:s13+$0xC30]  }
0x135: {  	v26 =	vperm.xlane v18, v2;
	v25 =	vld [tilespmem:s13+$0xC40]  }
0x136: {  	v20 =	vmul.f32 v20, v23;
	v27 =	vld [tilespmem:s13+$0xC50]  }
0x137: {  	v21 =	vmul.f32 v21, v23;
	v28 =	vld [tilespmem:s13+$0xC60]  }
0x138: {  	[tilespmem:s13+$0xC00] =	vst v20;
	v20 =	vmul.f32 v22, v23;
	v22 =	vld [tilespmem:s13+$0xC70]  }
0x139: {  	[tilespmem:s13+$0xC10] =	vst v21;
	v21 =	vmul.f32 v24, v23;
	v24 =	vld [tilespmem:s13+$0xC80]  }
0x13a: {  	[tilespmem:s13+$0xC20] =	vst v20;
	v20 =	vmul.f32 v25, v23;
	v25 =	vld [tilespmem:s13+$0xC90]  }
0x13b: {  	[tilespmem:s13+$0xC30] =	vst v21;
	v21 =	vmul.f32 v27, v23;
	v27 =	vld [tilespmem:s13+$0xCA0]  }
0x13c: {  	[tilespmem:s13+$0xC40] =	vst v20;
	v20 =	vmul.f32 v28, v23;
	v28 =	vld [tilespmem:s13+$0xCB0]  }
0x13d: {  	[tilespmem:s13+$0xC50] =	vst v21;
	v21 =	vmul.f32 v22, v23;
	v22 =	vld [tilespmem:s13+$0xCC0]  }
0x13e: {  	[tilespmem:s13+$0xC60] =	vst v20;
	v20 =	vmul.f32 v24, v26;
	v23 =	vld [tilespmem:s13+$0xCD0]  }
0x13f: {  	[tilespmem:s13+$0xC70] =	vst v21;
	v21 =	vmul.f32 v25, v26;
	v24 =	vld [tilespmem:s13+$0xCE0]  }
0x140: {  	[tilespmem:s13+$0xC80] =	vst v20;
	v20 =	vmul.f32 v27, v26;
	v25 =	vld [tilespmem:s13+$0xCF0]  }
0x141: {  	[tilespmem:s13+$0xC90] =	vst v21;
	v21 =	vmul.f32 v28, v26;
	v27 =	vld [tilespmem:s13+$0xD00]  }
0x142: {  	[tilespmem:s13+$0xCA0] =	vst v20;
	v20 =	vmul.f32 v22, v26;
	v22 =	vld [tilespmem:s13+$0xD10]  }
0x143: {  	[tilespmem:s13+$0xCB0] =	vst v21;
	v21 =	vmul.f32 v23, v26;
	v23 =	vld [tilespmem:s13+$0xD20]  }
0x144: {  	[tilespmem:s13+$0xCC0] =	vst v20;
	v20 =	vmul.f32 v24, v26;
	v24 =	vperm.xlane v18, v3;
	v28 =	vld [tilespmem:s13+$0xD30]  }
0x145: {  	[tilespmem:s13+$0xCD0] =	vst v21;
	v21 =	vmul.f32 v25, v26;
	v25 =	vld [tilespmem:s13+$0xD40]  }
0x146: {  	[tilespmem:s13+$0xCE0] =	vst v20;
	v20 =	vmul.f32 v27, v24;
	v26 =	vld [tilespmem:s13+$0xD50]  }
0x147: {  	[tilespmem:s13+$0xCF0] =	vst v21;
	v21 =	vmul.f32 v22, v24;
	v22 =	vld [tilespmem:s13+$0xD60]  }
0x148: {  	[tilespmem:s13+$0xD00] =	vst v20;
	v20 =	vmul.f32 v23, v24;
	v23 =	vld [tilespmem:s13+$0xD70]  }
0x149: {  	[tilespmem:s13+$0xD10] =	vst v21;
	v21 =	vmul.f32 v28, v24;
	v27 =	vld [tilespmem:s13+$0xD80]  }
0x14a: {  	[tilespmem:s13+$0xD20] =	vst v20;
	v20 =	vmul.f32 v25, v24;
	v25 =	vld [tilespmem:s13+$0xD90]  }
0x14b: {  	[tilespmem:s13+$0xD30] =	vst v21;
	v21 =	vmul.f32 v26, v24;
	v26 =	vld [tilespmem:s13+$0xDA0]  }
0x14c: {  	[tilespmem:s13+$0xD40] =	vst v20;
	v20 =	vmul.f32 v22, v24;
	v22 =	vld [tilespmem:s13+$0xDB0]  }
0x14d: {  	[tilespmem:s13+$0xD50] =	vst v21;
	v21 =	vmul.f32 v23, v24;
	v23 =	vld [tilespmem:s13+$0xDC0]  }
0x14e: {  	[tilespmem:s13+$0xD60] =	vst v20;
	v20 =	vmul.f32 v27, v19;
	v24 =	vld [tilespmem:s13+$0xDD0]  }
0x14f: {  	[tilespmem:s13+$0xD70] =	vst v21;
	v21 =	vmul.f32 v25, v19;
	v25 =	vld [tilespmem:s13+$0xDE0]  }
0x150: {  	[tilespmem:s13+$0xD80] =	vst v20;
	v20 =	vmul.f32 v26, v19;
	v26 =	vld [tilespmem:s13+$0xDF0]  }
0x151: {  	[tilespmem:s13+$0xD90] =	vst v21;
	v21 =	vmul.f32 v22, v19;
	v22 =	vld [tilespmem:s13+$0xE00]  }
0x152: {  	[tilespmem:s13+$0xDA0] =	vst v20;
	v20 =	vmul.f32 v23, v19;
	v23 =	vld [tilespmem:s13+$0xE10]  }
0x153: {  	[tilespmem:s13+$0xDB0] =	vst v21;
	v21 =	vmul.f32 v24, v19;
	v24 =	vld [tilespmem:s13+$0xE20]  }
0x154: {  	[tilespmem:s13+$0xDC0] =	vst v20;
	v20 =	vmul.f32 v25, v19;
	v25 =	vperm.xlane v18, v5;
	v27 =	vld [tilespmem:s13+$0xE30]  }
0x155: {  	[tilespmem:s13+$0xDD0] =	vst v21;
	v19 =	vmul.f32 v26, v19;
	v21 =	vld [tilespmem:s13+$0xE40]  }
0x156: {  	[tilespmem:s13+$0xDE0] =	vst v20;
	v20 =	vmul.f32 v22, v25;
	v22 =	vld [tilespmem:s13+$0xE50]  }
0x157: {  	[tilespmem:s13+$0xDF0] =	vst v19;
	v19 =	vmul.f32 v23, v25;
	v23 =	vld [tilespmem:s13+$0xE60]  }
0x158: {  	[tilespmem:s13+$0xE00] =	vst v20;
	v20 =	vmul.f32 v24, v25;
	v24 =	vld [tilespmem:s13+$0xE70]  }
0x159: {  	[tilespmem:s13+$0xE10] =	vst v19;
	v19 =	vmul.f32 v27, v25;
	v26 =	vld [tilespmem:s13+$0xE80]  }
0x15a: {  	[tilespmem:s13+$0xE20] =	vst v20;
	v20 =	vmul.f32 v21, v25;
	v21 =	vld [tilespmem:s13+$0xE90]  }
0x15b: {  	[tilespmem:s13+$0xE30] =	vst v19;
	v19 =	vmul.f32 v22, v25;
	v22 =	vld [tilespmem:s13+$0xEA0]  }
0x15c: {  	[tilespmem:s13+$0xE40] =	vst v20;
	v20 =	vmul.f32 v23, v25;
	v23 =	vperm.xlane v18, v6;
	v27 =	vld [tilespmem:s13+$0xEB0]  }
0x15d: {  	[tilespmem:s13+$0xE50] =	vst v19;
	v19 =	vmul.f32 v24, v25;
	v24 =	vld [tilespmem:s13+$0xEC0]  }
0x15e: {  	[tilespmem:s13+$0xE60] =	vst v20;
	v20 =	vmul.f32 v26, v23;
	v25 =	vld [tilespmem:s13+$0xED0]  }
0x15f: {  	[tilespmem:s13+$0xE70] =	vst v19;
	v19 =	vmul.f32 v21, v23;
	v21 =	vld [tilespmem:s13+$0xEE0]  }
0x160: {  	[tilespmem:s13+$0xE80] =	vst v20;
	v20 =	vmul.f32 v22, v23;
	v22 =	vld [tilespmem:s13+$0xEF0]  }
0x161: {  	[tilespmem:s13+$0xE90] =	vst v19;
	v19 =	vmul.f32 v27, v23;
	v26 =	vld [tilespmem:s13+$0xF00]  }
0x162: {  	[tilespmem:s13+$0xEA0] =	vst v20;
	v20 =	vmul.f32 v24, v23;
	v24 =	vld [tilespmem:s13+$0xF10]  }
0x163: {  	[tilespmem:s13+$0xEB0] =	vst v19;
	v19 =	vmul.f32 v25, v23;
	v25 =	vld [tilespmem:s13+$0xF20]  }
0x164: {  	[tilespmem:s13+$0xEC0] =	vst v20;
	v20 =	vmul.f32 v21, v23;
	v21 =	vperm.xlane v18, v7;
	v27 =	vld [tilespmem:s13+$0xF30]  }
0x165: {  	[tilespmem:s13+$0xED0] =	vst v19;
	v19 =	vmul.f32 v22, v23;
	v22 =	vld [tilespmem:s13+$0xF40]  }
0x166: {  	[tilespmem:s13+$0xEE0] =	vst v20;
	v20 =	vmul.f32 v26, v21;
	v23 =	vld [tilespmem:s13+$0xF50]  }
0x167: {  	[tilespmem:s13+$0xEF0] =	vst v19;
	v19 =	vmul.f32 v24, v21;
	v24 =	vld [tilespmem:s13+$0xF60]  }
0x168: {  	[tilespmem:s13+$0xF00] =	vst v20;
	v20 =	vmul.f32 v25, v21;
	v25 =	vld [tilespmem:s13+$0xF70]  }
0x169: {  	[tilespmem:s13+$0xF10] =	vst v19;
	v19 =	vmul.f32 v27, v21;
	v26 =	vld [tilespmem:s13+$0xF80]  }
0x16a: {  	[tilespmem:s13+$0xF20] =	vst v20;
	v20 =	vmul.f32 v22, v21;
	v22 =	vld [tilespmem:s13+$0xF90]  }
0x16b: {  	[tilespmem:s13+$0xF30] =	vst v19;
	v19 =	vmul.f32 v23, v21;
	v23 =	vld [tilespmem:s13+$0xFA0]  }
0x16c: {  	[tilespmem:s13+$0xF40] =	vst v20;
	v20 =	vmul.f32 v24, v21;
	v24 =	vperm.xlane v18, v8;
	v27 =	vld [tilespmem:s13+$0xFB0]  }
0x16d: {  	[tilespmem:s13+$0xF50] =	vst v19;
	v19 =	vmul.f32 v25, v21;
	v21 =	vld [tilespmem:s13+$0xFC0]  }
0x16e: {  	[tilespmem:s13+$0xF60] =	vst v20;
	v20 =	vmul.f32 v26, v24;
	v25 =	vld [tilespmem:s13+$0xFD0]  }
0x16f: {  	[tilespmem:s13+$0xF70] =	vst v19;
	v19 =	vmul.f32 v22, v24;
	v22 =	vld [tilespmem:s13+$0xFE0]  }
0x170: {  	[tilespmem:s13+$0xF80] =	vst v20;
	v20 =	vmul.f32 v23, v24;
	v23 =	vld [tilespmem:s13+$0xFF0]  }
0x171: {  	[tilespmem:s13+$0xF90] =	vst v19;
	v19 =	vmul.f32 v27, v24;
	v26 =	vld [tilespmem:s13+$0x1000]  }
0x172: {  	[tilespmem:s13+$0xFA0] =	vst v20;
	v20 =	vmul.f32 v21, v24;
	v21 =	vld [tilespmem:s13+$0x1010]  }
0x173: {  	[tilespmem:s13+$0xFB0] =	vst v19;
	v19 =	vmul.f32 v25, v24;
	v25 =	vld [tilespmem:s13+$0x1020]  }
0x174: {  	[tilespmem:s13+$0xFC0] =	vst v20;
	v20 =	vmul.f32 v22, v24;
	v22 =	vperm.xlane v18, v9;
	v27 =	vld [tilespmem:s13+$0x1030]  }
0x175: {  	[tilespmem:s13+$0xFD0] =	vst v19;
	v19 =	vmul.f32 v23, v24;
	v23 =	vld [tilespmem:s13+$0x1040]  }
0x176: {  	[tilespmem:s13+$0xFE0] =	vst v20;
	v20 =	vmul.f32 v26, v22;
	v24 =	vld [tilespmem:s13+$0x1050]  }
0x177: {  	[tilespmem:s13+$0xFF0] =	vst v19;
	v19 =	vmul.f32 v21, v22;
	v21 =	vld [tilespmem:s13+$0x1060]  }
0x178: {  	[tilespmem:s13+$0x1000] =	vst v20;
	v20 =	vmul.f32 v25, v22;
	v25 =	vld [tilespmem:s13+$0x1070]  }
0x179: {  	[tilespmem:s13+$0x1010] =	vst v19;
	v19 =	vmul.f32 v27, v22;
	v26 =	vld [tilespmem:s13+$0x1080]  }
0x17a: {  	[tilespmem:s13+$0x1020] =	vst v20;
	v20 =	vmul.f32 v23, v22;
	v23 =	vld [tilespmem:s13+$0x1090]  }
0x17b: {  	[tilespmem:s13+$0x1030] =	vst v19;
	v19 =	vmul.f32 v24, v22;
	v24 =	vld [tilespmem:s13+$0x10A0]  }
0x17c: {  	[tilespmem:s13+$0x1040] =	vst v20;
	v20 =	vmul.f32 v21, v22;
	v21 =	vperm.xlane v18, v10;
	v27 =	vld [tilespmem:s13+$0x10B0]  }
0x17d: {  	[tilespmem:s13+$0x1050] =	vst v19;
	v19 =	vmul.f32 v25, v22;
	v22 =	vld [tilespmem:s13+$0x10C0]  }
0x17e: {  	[tilespmem:s13+$0x1060] =	vst v20;
	v20 =	vmul.f32 v26, v21;
	v25 =	vld [tilespmem:s13+$0x10D0]  }
0x17f: {  	[tilespmem:s13+$0x1070] =	vst v19;
	v19 =	vmul.f32 v23, v21;
	v23 =	vld [tilespmem:s13+$0x10E0]  }
0x180: {  	[tilespmem:s13+$0x1080] =	vst v20;
	v20 =	vmul.f32 v24, v21;
	v24 =	vld [tilespmem:s13+$0x10F0]  }
0x181: {  	[tilespmem:s13+$0x1090] =	vst v19;
	v19 =	vmul.f32 v27, v21;
	v26 =	vld [tilespmem:s13+$0x1100]  }
0x182: {  	[tilespmem:s13+$0x10A0] =	vst v20;
	v20 =	vmul.f32 v22, v21;
	v22 =	vld [tilespmem:s13+$0x1110]  }
0x183: {  	[tilespmem:s13+$0x10B0] =	vst v19;
	v19 =	vmul.f32 v25, v21;
	v25 =	vld [tilespmem:s13+$0x1120]  }
0x184: {  	[tilespmem:s13+$0x10C0] =	vst v20;
	v20 =	vmul.f32 v23, v21;
	v23 =	vperm.xlane v18, v11;
	v27 =	vld [tilespmem:s13+$0x1130]  }
0x185: {  	[tilespmem:s13+$0x10D0] =	vst v19;
	v19 =	vmul.f32 v24, v21;
	v21 =	vld [tilespmem:s13+$0x1140]  }
0x186: {  	[tilespmem:s13+$0x10E0] =	vst v20;
	v20 =	vmul.f32 v26, v23;
	v24 =	vld [tilespmem:s13+$0x1150]  }
0x187: {  	[tilespmem:s13+$0x10F0] =	vst v19;
	v19 =	vmul.f32 v22, v23;
	v22 =	vld [tilespmem:s13+$0x1160]  }
0x188: {  	[tilespmem:s13+$0x1100] =	vst v20;
	v20 =	vmul.f32 v25, v23;
	v25 =	vld [tilespmem:s13+$0x1170]  }
0x189: {  	[tilespmem:s13+$0x1110] =	vst v19;
	v19 =	vmul.f32 v27, v23;
	v26 =	vld [tilespmem:s13+$0x1180]  }
0x18a: {  	[tilespmem:s13+$0x1120] =	vst v20;
	v20 =	vmul.f32 v21, v23;
	v21 =	vld [tilespmem:s13+$0x1190]  }
0x18b: {  	[tilespmem:s13+$0x1130] =	vst v19;
	v19 =	vmul.f32 v24, v23;
	v24 =	vld [tilespmem:s13+$0x11A0]  }
0x18c: {  	[tilespmem:s13+$0x1140] =	vst v20;
	v20 =	vmul.f32 v22, v23;
	v22 =	vperm.xlane v18, v12;
	v27 =	vld [tilespmem:s13+$0x11B0]  }
0x18d: {  	[tilespmem:s13+$0x1150] =	vst v19;
	v19 =	vmul.f32 v25, v23;
	v23 =	vld [tilespmem:s13+$0x11C0]  }
0x18e: {  	[tilespmem:s13+$0x1160] =	vst v20;
	v20 =	vmul.f32 v26, v22;
	v25 =	vld [tilespmem:s13+$0x11D0]  }
0x18f: {  	[tilespmem:s13+$0x1170] =	vst v19;
	v19 =	vmul.f32 v21, v22;
	v21 =	vld [tilespmem:s13+$0x11E0]  }
0x190: {  	[tilespmem:s13+$0x1180] =	vst v20;
	v20 =	vmul.f32 v24, v22;
	v24 =	vld [tilespmem:s13+$0x11F0]  }
0x191: {  	[tilespmem:s13+$0x1190] =	vst v19;
	v19 =	vmul.f32 v27, v22;
	v26 =	vld [tilespmem:s13+$0x1200]  }
0x192: {  	[tilespmem:s13+$0x11A0] =	vst v20;
	v20 =	vmul.f32 v23, v22;
	v23 =	vld [tilespmem:s13+$0x1210]  }
0x193: {  	[tilespmem:s13+$0x11B0] =	vst v19;
	v19 =	vmul.f32 v25, v22;
	v25 =	vld [tilespmem:s13+$0x1220]  }
0x194: {  	[tilespmem:s13+$0x11C0] =	vst v20;
	v20 =	vmul.f32 v21, v22;
	v21 =	vperm.xlane v18, v13;
	v27 =	vld [tilespmem:s13+$0x1230]  }
0x195: {  	[tilespmem:s13+$0x11D0] =	vst v19;
	v19 =	vmul.f32 v24, v22;
	v22 =	vld [tilespmem:s13+$0x1240]  }
0x196: {  	[tilespmem:s13+$0x11E0] =	vst v20;
	v20 =	vmul.f32 v26, v21;
	v24 =	vld [tilespmem:s13+$0x1250]  }
0x197: {  	[tilespmem:s13+$0x11F0] =	vst v19;
	v19 =	vmul.f32 v23, v21;
	v23 =	vld [tilespmem:s13+$0x1260]  }
0x198: {  	[tilespmem:s13+$0x1200] =	vst v20;
	v20 =	vmul.f32 v25, v21;
	v25 =	vld [tilespmem:s13+$0x1270]  }
0x199: {  	[tilespmem:s13+$0x1210] =	vst v19;
	v19 =	vmul.f32 v27, v21;
	v26 =	vld [tilespmem:s13+$0x1280]  }
0x19a: {  	[tilespmem:s13+$0x1220] =	vst v20;
	v20 =	vmul.f32 v22, v21;
	v22 =	vld [tilespmem:s13+$0x1290]  }
0x19b: {  	[tilespmem:s13+$0x1230] =	vst v19;
	v19 =	vmul.f32 v24, v21;
	v24 =	vld [tilespmem:s13+$0x12A0]  }
0x19c: {  	[tilespmem:s13+$0x1240] =	vst v20;
	v20 =	vmul.f32 v23, v21;
	v23 =	vperm.xlane v18, v14;
	v27 =	vld [tilespmem:s13+$0x12B0]  }
0x19d: {  	[tilespmem:s13+$0x1250] =	vst v19;
	v19 =	vmul.f32 v25, v21;
	v21 =	vld [tilespmem:s13+$0x12C0]  }
0x19e: {  	[tilespmem:s13+$0x1260] =	vst v20;
	v20 =	vmul.f32 v26, v23;
	v25 =	vld [tilespmem:s13+$0x12D0]  }
0x19f: {  	[tilespmem:s13+$0x1270] =	vst v19;
	v19 =	vmul.f32 v22, v23;
	v22 =	vld [tilespmem:s13+$0x12E0]  }
0x1a0: {  	[tilespmem:s13+$0x1280] =	vst v20;
	v20 =	vmul.f32 v24, v23;
	v24 =	vld [tilespmem:s13+$0x12F0]  }
0x1a1: {  	[tilespmem:s13+$0x1290] =	vst v19;
	v19 =	vmul.f32 v27, v23;
	v26 =	vld [tilespmem:s13+$0x1300]  }
0x1a2: {  	[tilespmem:s13+$0x12A0] =	vst v20;
	v20 =	vmul.f32 v21, v23;
	v21 =	vld [tilespmem:s13+$0x1310]  }
0x1a3: {  	[tilespmem:s13+$0x12B0] =	vst v19;
	v19 =	vmul.f32 v25, v23;
	v25 =	vld [tilespmem:s13+$0x1320]  }
0x1a4: {  	[tilespmem:s13+$0x12C0] =	vst v20;
	v20 =	vmul.f32 v22, v23;
	v22 =	vperm.xlane v18, v15;
	v27 =	vld [tilespmem:s13+$0x1330]  }
0x1a5: {  	[tilespmem:s13+$0x12D0] =	vst v19;
	v19 =	vmul.f32 v24, v23;
	v23 =	vld [tilespmem:s13+$0x1340]  }
0x1a6: {  	[tilespmem:s13+$0x12E0] =	vst v20;
	v20 =	vmul.f32 v26, v22;
	v24 =	vld [tilespmem:s13+$0x1350]  }
0x1a7: {  	[tilespmem:s13+$0x12F0] =	vst v19;
	v19 =	vmul.f32 v21, v22;
	v21 =	vld [tilespmem:s13+$0x1370]  }
0x1a8: {  	[tilespmem:s13+$0x1300] =	vst v20;
	v20 =	vmul.f32 v25, v22;
	v25 =	vld [tilespmem:s13+$0x1380]  }
0x1a9: {  	[tilespmem:s13+$0x1310] =	vst v19;
	v19 =	vmul.f32 v27, v22;
	v26 =	vld [tilespmem:s13+$0x1390]  }
0x1aa: {  	[tilespmem:s13+$0x1320] =	vst v20;
	v20 =	vmul.f32 v23, v22;
	v23 =	vld [tilespmem:s13+$0x13A0]  }
0x1ab: {  	v18 =	vperm.xlane v18, v16;
	[tilespmem:s13+$0x1330] =	vst v19;
	v19 =	vmul.f32 v24, v22;
	v24 =	vld [tilespmem:s13+$0x13B0]  }
0x1ac: {  	[tilespmem:s13+$0x1340] =	vst v20;
	v20 =	vmul.f32 v21, v22;
	v21 =	vld [tilespmem:s13+$0x13C0]  }
0x1ad: {  	[tilespmem:s13+$0x1350] =	vst v19;
	v19 =	vmul.f32 v25, v18;
	v25 =	vld [tilespmem:s13+$0x13D0]  }
0x1ae: {  	[tilespmem:s13+$0x1370] =	vst v20;
	v20 =	vmul.f32 v26, v18;
	v26 =	vld [tilespmem:s13+$0x13E0]  }
0x1af: {  	v27 =	vld [tilespmem:s13+$0x1360];
	[tilespmem:s13+$0x1380] =	vst v19;
	v19 =	vmul.f32 v23, v18  }
0x1b0: {  	[tilespmem:s13+$0x1390] =	vst v20;
	v20 =	vmul.f32 v24, v18;
	v23 =	vld [tilespmem:s13+$0x13F0]  }
0x1b1: {  	[tilespmem:s13+$0x13A0] =	vst v19;
	v19 =	vmul.f32 v21, v18  }
.Ltmp6:
0x1b2: {  	[tilespmem:s13+$0x13B0] =	vst v20;
	v20 =	vmul.f32 v25, v18;
	(pc) =	sbr.rel @p1 .LBB2_12-.Ltmp6, $4  }
0x1b3: {  	[tilespmem:s13+$0x13C0] =	vst v19;
	v19 =	vmul.f32 v26, v18  }
0x1b4: {  	v21 =	vmul.f32 v27, v22;
	[tilespmem:s13+$0x13D0] =	vst v20  }
0x1b5: {  	[tilespmem:s13+$0x13E0] =	vst v19;
	v18 =	vmul.f32 v23, v18  }
0x1b6: {  	[tilespmem:s13+$0x1360] =	vst v21  }
0x1b7: {  	s12 =	smulhi.u32 $0x24924925, s10;
	_ =	sdelay $0x1  }
0x1b8: {  	s14 =	ssub.s32 s10, s12  }
0x1b9: {  	s14 =	sshrl.u32 s14, $0x1  }
0x1ba: {  	s12 =	sadd.s32 s12, s14  }
0x1bb: {  	s12 =	sshrl.u32 s12, $0x2  }
0x1bc: {  	s12 =	smul.u32 $0x7, s12;
	_ =	sdelay $0x1  }
0x1bd: {  	s12 =	ssub.s32 s10, s12;
	s10 =	sadd.s32 $0x1, s10  }
0x1be: {  	s11 =	smul.u32 $0xA000, s11;
	p1 =	sne.s32 s10, $0x7D  }
.Ltmp7:
0x1bf: {  	_ = 	snop;
	(pc) =	sbr.rel @p1 .LBB2_4-.Ltmp7, $4  }
.Ltmp8:
0x1c0: {  	_ = 	snop;
	(pc) =	sbr.rel @!p1 .LBB2_14-.Ltmp8, $4  }
0x1c1: {  	s11 =	sshrl.u32 s11, $0x2;
	s12 =	sshll.u32 s12, $0x7  }
0x1c2: {  	[tilespmem:s13+$0x13F0] =	vst v18;
	s11 =	sadd.s32 $0xC00, s11;
	s12 =	sor.u32 $0x400, s12  }
0x1c3: {  	[spmem:s5] =	stream.indirect.scatter.add.f32 [tilespmem:s11], [sflag:$0x3], $0x80, s12, s3, $0xb8;
	[tilespmem:$0x1E480] =	vst v63  }
0x1c4: {  	_ = 	snop  }
.LBB2_9:
0x1c5: {  	p1 =	sgt.u32 s10, $0x7A  }
.Ltmp9:
0x1c6: {  	_ = 	snop;
	(pc) =	sbr.rel @p1 .LBB2_11-.Ltmp9, $4  }
.Ltmp10:
0x1c7: {  	_ = 	snop;
	(pc) =	sbr.rel @!p1 .LBB2_10-.Ltmp10, $4  }
0x1c8: {  	_ = 	snop  }
0x1c9: {  	_ = 	snop  }
0x1ca: {  	_ = 	snop  }
0x1cb: {  	_ = 	snop  }
.LBB2_15:
0x1cc: {  	_ =	sfence.sel $0x180000  }
0x1cd: {  	[bflag:$0x0] =	sbarrier.arrive $0xFFFF  }
0x1ce: {  	_ =	strace $0x90000047  }
0x1cf: {  	s0 =	stileid.u32;
	[bflag:$0x2] =	sbarrier.arrive $0xFFFF  }
0x1d0: {  	p0 =	sne.s32 s0, $0x0;
	s0 =	rddreg [dreg:$0x4]  }
0x1d1: {  	s0 =	sadd.s32 @!p0 $0x100000, s0  }
0x1d2: {  	[sflag:s0] =	ssyncadd.tile.s32 @!p0 $0x1;
	_ =	shalt  }
.Lfunc_end2:
_tile_overlayer_lowered:
.L_overlay_start_2:
0x1d3: {  	(tag) =	ssettag $0x2  }
0x1d4: {  	s0 =	rddreg [dreg:$0x0];
	s2 =	stileid.u32  }
0x1d5: {  	s1 =	rddreg [dreg:$0x1];
	p0 =	sne.s32 s2, $0x0  }
0x1d6: {  	s3 =	rddreg [dreg:$0x2];
	[bflag:$0x3] =	sbarrier.arrive $0xFFFF;
	s2 =	simm.s32 @!p0 $0x1C04  }
0x1d7: {  	[timem:s3], [sflag:s2] =	dma.local @!p0 [hbm:s0], s1  }
0x1d8: {  	s0 =	simm.s32 @!p0 $0x4  }
0x1d9: {  	_ =	swait.ge @!p0 [sflag:s0], s1  }
0x1da: {  	s1 =	ssub.s32 @!p0 $0x0, s1;
	[sflag:s0] =	ssyncset.done @!p0 $0x0  }
0x1db: {  	[sflag:s0] =	ssyncadd.s32 @!p0 s1  }
0x1dc: {  	[bflag:$0x3] =	sbarrier.arrive $0xFFFF  }
0x1dd: {  	_ =	shalt  }

</sc_bundles>
